<compile_context>
chip_gen: v7x
topology: tpu7x:2x2x1
jax: 0.10.2.dev20260603
libtpu: 0.0.44.dev20260713+nightly
codegen_flags: <defaults>
</compile_context>

<pallas_src>
import functools

import jax
import jax.numpy as jnp
from jax import lax
from jax.experimental import pallas as pl
from jax.experimental.pallas import tpu as pltpu
from jax.experimental.pallas import tpu_sc as plsc

_J = 200
_I = 4096
_D = 32
_NW = 32
_CW = _I // _NW
_L = 16
_NB = 4

_mesh = plsc.VectorSubcoreMesh(core_axis_name="c", subcore_axis_name="s")


@functools.partial(
    pl.kernel,
    out_type=jax.ShapeDtypeStruct((_J, 4, _NW, 8, 128), jnp.float32),
    mesh=_mesh,
    scratch_types=[
        pltpu.VMEM((_J, _CW), jnp.int32),
        pltpu.VMEM((_NB, _CW, _D), jnp.float32),
        pltpu.VMEM((2, 4, 8, 128), jnp.float32),
    ]
    + [pltpu.SemaphoreType.DMA] * (_NB + 2),
    compiler_params=pltpu.CompilerParams(
        use_tc_tiling_on_sc=False, needs_layout_passes=False
    ),
)
def _embed_sc(idx_hbm, tab_hbm, out_hbm, idx_all, buf, tb, *sems):
    gsem = sems[:_NB]
    ssem = sems[_NB:]
    wid = lax.axis_index("s") * 2 + lax.axis_index("c")
    col0 = wid * _CW

    pltpu.sync_copy(idx_hbm.at[:, pl.ds(col0, _CW)], idx_all)

    def start_gather(j, b):
        pltpu.async_copy(tab_hbm.at[idx_all.at[j]], buf.at[b], gsem[b])

    def wait_gather(j, b):
        pltpu.make_async_copy(
            tab_hbm.at[idx_all.at[j]], buf.at[b], gsem[b]
        ).wait()

    def start_store(j, b2):
        for tr in range(4):
            pltpu.async_copy(tb.at[b2, tr], out_hbm.at[j, tr, wid], ssem[b2])

    def wait_store(j, b2):
        for tr in range(4):
            pltpu.make_async_copy(
                tb.at[b2, tr], out_hbm.at[j, tr, wid], ssem[b2]
            ).wait()

    for b in range(_NB):
        start_gather(b, b)

    iota = lax.iota(jnp.int32, _L)
    cvecs = [jnp.full((_L,), c, jnp.int32) for c in range(_D)]

    def step(j, b, b2):
        wait_gather(j, b)

        @pl.when(j >= 2)
        def _():
            wait_store(j - 2, b2)

        @plsc.parallel_loop(0, (_CW // _L) * _D, unroll=16)
        def _(t):
            g = t >> 5
            c = t & 31
            rows = iota + g * _L
            cvec = jnp.zeros((_L,), jnp.int32) + c
            val = plsc.load_gather(buf.at[b], [rows, cvec])
            tb[b2, c >> 3, c & 7, pl.ds(g * _L, _L)] = val

        start_store(j, b2)

        @pl.when(j + _NB < _J)
        def _():
            start_gather(j + _NB, b)

    def group(gg, carry):
        for b in range(_NB):
            step(gg * _NB + b, b, b % 2)
        return carry

    lax.fori_loop(0, _J // _NB, group, 0)

    wait_store(_J - 2, 0)
    wait_store(_J - 1, 1)


def kernel(idx, embeddings):
    idx2 = jnp.transpose(idx)
    out5 = _embed_sc(idx2, embeddings)
    return out5.transpose(2, 4, 0, 1, 3).reshape(4096, 200, 32)

# --- scband reference (transcript-rebuilt; emitter-appended) ---
"""Pipeline reference for scband-embedding-86268713107733 (READ-ONLY COPY).

The authoritative reference and input builder live on the scoring server;
editing this copy changes nothing except your own understanding.
"""

import jax, jax.numpy as jnp
import numpy as np

NUM_EMBEDDINGS = 1000000
EMBEDDING_DIM = 32

def setup_inputs(seed: int = 0) -> dict:
    key = jax.random.key(seed)
    k_idx, k_tab = jax.random.split(key)
    idx = jax.random.randint(k_idx, (4096, 200), 0, NUM_EMBEDDINGS, dtype=jnp.int64) if jax.config.jax_enable_x64 else jax.random.randint(k_idx, (4096, 200), 0, NUM_EMBEDDINGS, dtype=jnp.int32)
    embeddings = jax.random.normal(k_tab, (NUM_EMBEDDINGS, EMBEDDING_DIM), dtype=jnp.float32)
    return {"idx": idx, "embeddings": embeddings}

def reference(idx, embeddings):
    # F.embedding(idx, table) == gather rows of table by idx
    x = jnp.take(embeddings, idx, axis=0)
    return x

if __name__ == "__main__":
    import jax
    _d = setup_inputs()
    print(jax.jit(kernel)(*tuple(_d.values())))

</pallas_src>

<mosaic_0001>
#map = affine_map<(d0, d1) -> (0, 0)>
#map1 = affine_map<(d0, d1) -> (0, 0, 0, 0, 0)>
module attributes {stable_mosaic.version = 14 : i64} {
  func.func @_embed_sc(%arg0: i32, %arg1: i32, %arg2: memref<200x4096xi32, #tpu.memory_space<hbm>>, %arg3: memref<1000000x32xf32, #tpu.memory_space<hbm>>, %arg4: memref<200x4x32x8x128xf32, #tpu.memory_space<hbm>>, %arg5: memref<200x128xi32, #tpu.memory_space<vmem>>, %arg6: memref<4x128x32xf32, #tpu.memory_space<vmem>>, %arg7: memref<2x4x8x128xf32, #tpu.memory_space<vmem>>, %arg8: memref<!tpu.dma_semaphore, #tpu.memory_space<semaphore_mem>>, %arg9: memref<!tpu.dma_semaphore, #tpu.memory_space<semaphore_mem>>, %arg10: memref<!tpu.dma_semaphore, #tpu.memory_space<semaphore_mem>>, %arg11: memref<!tpu.dma_semaphore, #tpu.memory_space<semaphore_mem>>, %arg12: memref<!tpu.dma_semaphore, #tpu.memory_space<semaphore_mem>>, %arg13: memref<!tpu.dma_semaphore, #tpu.memory_space<semaphore_mem>>) attributes {dimension_semantics = [#tpu.dimension_semantics<core_parallel>, #tpu.dimension_semantics<subcore_parallel>], iteration_bounds = array<i64: 2, 16>, scalar_prefetch = 0 : i64, scratch_operands = 9 : i64, tpu.core_type = #tpu.core_type<sc_vector_subcore>, window_params = [{transform_indices = #map}, {transform_indices = #map}, {transform_indices = #map1}]} {
    %mul3A = arith.constant 2 : i32
    %mul3A_0 = arith.muli %arg1, %mul3A : i32
    %add3A = arith.addi %mul3A_0, %arg0 : i32
    %mul3A_1 = arith.constant 128 : i32
    %mul3A_2 = arith.muli %add3A, %mul3A_1 : i32
    "tpu.region"() ({
      %run_scoped3A = tpu.sem_alloc : memref<!tpu.dma_semaphore, #tpu.memory_space<semaphore_mem>>
      %dma_start3A_277 = arith.constant 0 : i32
      %dma_start3A_278 = tpu.memref_slice %arg2[%dma_start3A_277, %mul3A_2] : memref<200x4096xi32, #tpu.memory_space<hbm>> -> memref<200x128xi32, #tpu.memory_space<hbm>>
      %dma_start3A_279 = arith.constant 0 : i32
      %dma_start3A_280 = tpu.memref_slice %arg2[%dma_start3A_279, %mul3A_2] : memref<200x4096xi32, #tpu.memory_space<hbm>> -> memref<200x128xi32, #tpu.memory_space<hbm>>
      tpu.enqueue_dma source(%dma_start3A_280 : memref<200x128xi32, #tpu.memory_space<hbm>>) target(%arg5 : memref<200x128xi32, #tpu.memory_space<vmem>>) target_semaphore(%run_scoped3A : memref<!tpu.dma_semaphore, #tpu.memory_space<semaphore_mem>>)
      %dma_wait3A_281 = arith.constant 0 : i32
      %dma_wait3A_282 = tpu.memref_slice %arg2[%dma_wait3A_281, %mul3A_2] : memref<200x4096xi32, #tpu.memory_space<hbm>> -> memref<200x128xi32, #tpu.memory_space<hbm>>
      %dma_wait3A_283 = arith.constant 0 : i32
      %dma_wait3A_284 = tpu.memref_slice %arg2[%dma_wait3A_283, %mul3A_2] : memref<200x4096xi32, #tpu.memory_space<hbm>> -> memref<200x128xi32, #tpu.memory_space<hbm>>
      tpu.wait_dma2 semaphore(%run_scoped3A : memref<!tpu.dma_semaphore, #tpu.memory_space<semaphore_mem>>) src(%dma_wait3A_284 : memref<200x128xi32, #tpu.memory_space<hbm>>) dst(%arg5 : memref<200x128xi32, #tpu.memory_space<vmem>>)
      tpu.yield
    }) : () -> ()
    %dma_start3A = arith.constant 0 : i32
    %dma_start3A_3 = arith.constant 0 : i32
    %dma_start3A_4 = arith.constant 0 : i32
    %dma_start3A_5 = arith.constant 0 : i32
    %dma_start3A_6 = tpu.memref_slice %arg6[%dma_start3A_3, %dma_start3A_4, %dma_start3A_5] : memref<4x128x32xf32, #tpu.memory_space<vmem>> -> memref<1x128x32xf32, #tpu.memory_space<vmem>>
    %dma_start3A_7 = tpu.memref_squeeze %dma_start3A_6 : memref<1x128x32xf32, #tpu.memory_space<vmem>> -> memref<128x32xf32, #tpu.memory_space<vmem>>
    %dma_start3A_8 = arith.constant 0 : i32
    %dma_start3A_9 = tpu.memref_slice %arg5[%dma_start3A, %dma_start3A_8] : memref<200x128xi32, #tpu.memory_space<vmem>> -> memref<1x128xi32, #tpu.memory_space<vmem>>
    %dma_start3A_10 = tpu.memref_squeeze %dma_start3A_9 : memref<1x128xi32, #tpu.memory_space<vmem>> -> memref<128xi32, #tpu.memory_space<vmem>>
    %dma_start3A_11 = arith.constant 0 : i32
    %dma_start3A_12 = arith.constant 0 : i32
    %dma_start3A_13 = tpu.memref_slice %arg3[%dma_start3A_11, %dma_start3A_12] : memref<1000000x32xf32, #tpu.memory_space<hbm>> -> memref<1000000x32xf32, #tpu.memory_space<hbm>>
    tpu.enqueue_indirect_dma source(%dma_start3A_13 : memref<1000000x32xf32, #tpu.memory_space<hbm>>) target(%dma_start3A_7 : memref<128x32xf32, #tpu.memory_space<vmem>>) offsets(%dma_start3A_10 : memref<128xi32, #tpu.memory_space<vmem>>) semaphore(%arg8 : memref<!tpu.dma_semaphore, #tpu.memory_space<semaphore_mem>>)
    %dma_start3A_14 = arith.constant 1 : i32
    %dma_start3A_15 = arith.constant 1 : i32
    %dma_start3A_16 = arith.constant 0 : i32
    %dma_start3A_17 = arith.constant 0 : i32
    %dma_start3A_18 = tpu.memref_slice %arg6[%dma_start3A_15, %dma_start3A_16, %dma_start3A_17] : memref<4x128x32xf32, #tpu.memory_space<vmem>> -> memref<1x128x32xf32, #tpu.memory_space<vmem>>
    %dma_start3A_19 = tpu.memref_squeeze %dma_start3A_18 : memref<1x128x32xf32, #tpu.memory_space<vmem>> -> memref<128x32xf32, #tpu.memory_space<vmem>>
    %dma_start3A_20 = arith.constant 0 : i32
    %dma_start3A_21 = tpu.memref_slice %arg5[%dma_start3A_14, %dma_start3A_20] : memref<200x128xi32, #tpu.memory_space<vmem>> -> memref<1x128xi32, #tpu.memory_space<vmem>>
    %dma_start3A_22 = tpu.memref_squeeze %dma_start3A_21 : memref<1x128xi32, #tpu.memory_space<vmem>> -> memref<128xi32, #tpu.memory_space<vmem>>
    %dma_start3A_23 = arith.constant 0 : i32
    %dma_start3A_24 = arith.constant 0 : i32
    %dma_start3A_25 = tpu.memref_slice %arg3[%dma_start3A_23, %dma_start3A_24] : memref<1000000x32xf32, #tpu.memory_space<hbm>> -> memref<1000000x32xf32, #tpu.memory_space<hbm>>
    tpu.enqueue_indirect_dma source(%dma_start3A_25 : memref<1000000x32xf32, #tpu.memory_space<hbm>>) target(%dma_start3A_19 : memref<128x32xf32, #tpu.memory_space<vmem>>) offsets(%dma_start3A_22 : memref<128xi32, #tpu.memory_space<vmem>>) semaphore(%arg9 : memref<!tpu.dma_semaphore, #tpu.memory_space<semaphore_mem>>)
    %dma_start3A_26 = arith.constant 2 : i32
    %dma_start3A_27 = arith.constant 2 : i32
    %dma_start3A_28 = arith.constant 0 : i32
    %dma_start3A_29 = arith.constant 0 : i32
    %dma_start3A_30 = tpu.memref_slice %arg6[%dma_start3A_27, %dma_start3A_28, %dma_start3A_29] : memref<4x128x32xf32, #tpu.memory_space<vmem>> -> memref<1x128x32xf32, #tpu.memory_space<vmem>>
    %dma_start3A_31 = tpu.memref_squeeze %dma_start3A_30 : memref<1x128x32xf32, #tpu.memory_space<vmem>> -> memref<128x32xf32, #tpu.memory_space<vmem>>
    %dma_start3A_32 = arith.constant 0 : i32
    %dma_start3A_33 = tpu.memref_slice %arg5[%dma_start3A_26, %dma_start3A_32] : memref<200x128xi32, #tpu.memory_space<vmem>> -> memref<1x128xi32, #tpu.memory_space<vmem>>
    %dma_start3A_34 = tpu.memref_squeeze %dma_start3A_33 : memref<1x128xi32, #tpu.memory_space<vmem>> -> memref<128xi32, #tpu.memory_space<vmem>>
    %dma_start3A_35 = arith.constant 0 : i32
    %dma_start3A_36 = arith.constant 0 : i32
    %dma_start3A_37 = tpu.memref_slice %arg3[%dma_start3A_35, %dma_start3A_36] : memref<1000000x32xf32, #tpu.memory_space<hbm>> -> memref<1000000x32xf32, #tpu.memory_space<hbm>>
    tpu.enqueue_indirect_dma source(%dma_start3A_37 : memref<1000000x32xf32, #tpu.memory_space<hbm>>) target(%dma_start3A_31 : memref<128x32xf32, #tpu.memory_space<vmem>>) offsets(%dma_start3A_34 : memref<128xi32, #tpu.memory_space<vmem>>) semaphore(%arg10 : memref<!tpu.dma_semaphore, #tpu.memory_space<semaphore_mem>>)
    %dma_start3A_38 = arith.constant 3 : i32
    %dma_start3A_39 = arith.constant 3 : i32
    %dma_start3A_40 = arith.constant 0 : i32
    %dma_start3A_41 = arith.constant 0 : i32
    %dma_start3A_42 = tpu.memref_slice %arg6[%dma_start3A_39, %dma_start3A_40, %dma_start3A_41] : memref<4x128x32xf32, #tpu.memory_space<vmem>> -> memref<1x128x32xf32, #tpu.memory_space<vmem>>
    %dma_start3A_43 = tpu.memref_squeeze %dma_start3A_42 : memref<1x128x32xf32, #tpu.memory_space<vmem>> -> memref<128x32xf32, #tpu.memory_space<vmem>>
    %dma_start3A_44 = arith.constant 0 : i32
    %dma_start3A_45 = tpu.memref_slice %arg5[%dma_start3A_38, %dma_start3A_44] : memref<200x128xi32, #tpu.memory_space<vmem>> -> memref<1x128xi32, #tpu.memory_space<vmem>>
    %dma_start3A_46 = tpu.memref_squeeze %dma_start3A_45 : memref<1x128xi32, #tpu.memory_space<vmem>> -> memref<128xi32, #tpu.memory_space<vmem>>
    %dma_start3A_47 = arith.constant 0 : i32
    %dma_start3A_48 = arith.constant 0 : i32
    %dma_start3A_49 = tpu.memref_slice %arg3[%dma_start3A_47, %dma_start3A_48] : memref<1000000x32xf32, #tpu.memory_space<hbm>> -> memref<1000000x32xf32, #tpu.memory_space<hbm>>
    tpu.enqueue_indirect_dma source(%dma_start3A_49 : memref<1000000x32xf32, #tpu.memory_space<hbm>>) target(%dma_start3A_43 : memref<128x32xf32, #tpu.memory_space<vmem>>) offsets(%dma_start3A_46 : memref<128xi32, #tpu.memory_space<vmem>>) semaphore(%arg11 : memref<!tpu.dma_semaphore, #tpu.memory_space<semaphore_mem>>)
    %iota3A = tpu.iota {dimensions = array<i32: 0>} : vector<16xi32>
    %broadcast_in_dim3A = arith.constant 0 : i32
    %broadcast_in_dim3A_50 = vector.broadcast %broadcast_in_dim3A : i32 to vector<16xi32>
    %broadcast_in_dim3A_51 = arith.constant 1 : i32
    %broadcast_in_dim3A_52 = vector.broadcast %broadcast_in_dim3A_51 : i32 to vector<16xi32>
    %broadcast_in_dim3A_53 = arith.constant 2 : i32
    %broadcast_in_dim3A_54 = vector.broadcast %broadcast_in_dim3A_53 : i32 to vector<16xi32>
    %broadcast_in_dim3A_55 = arith.constant 3 : i32
    %broadcast_in_dim3A_56 = vector.broadcast %broadcast_in_dim3A_55 : i32 to vector<16xi32>
    %broadcast_in_dim3A_57 = arith.constant 4 : i32
    %broadcast_in_dim3A_58 = vector.broadcast %broadcast_in_dim3A_57 : i32 to vector<16xi32>
    %broadcast_in_dim3A_59 = arith.constant 5 : i32
    %broadcast_in_dim3A_60 = vector.broadcast %broadcast_in_dim3A_59 : i32 to vector<16xi32>
    %broadcast_in_dim3A_61 = arith.constant 6 : i32
    %broadcast_in_dim3A_62 = vector.broadcast %broadcast_in_dim3A_61 : i32 to vector<16xi32>
    %broadcast_in_dim3A_63 = arith.constant 7 : i32
    %broadcast_in_dim3A_64 = vector.broadcast %broadcast_in_dim3A_63 : i32 to vector<16xi32>
    %broadcast_in_dim3A_65 = arith.constant 8 : i32
    %broadcast_in_dim3A_66 = vector.broadcast %broadcast_in_dim3A_65 : i32 to vector<16xi32>
    %broadcast_in_dim3A_67 = arith.constant 9 : i32
    %broadcast_in_dim3A_68 = vector.broadcast %broadcast_in_dim3A_67 : i32 to vector<16xi32>
    %broadcast_in_dim3A_69 = arith.constant 10 : i32
    %broadcast_in_dim3A_70 = vector.broadcast %broadcast_in_dim3A_69 : i32 to vector<16xi32>
    %broadcast_in_dim3A_71 = arith.constant 11 : i32
    %broadcast_in_dim3A_72 = vector.broadcast %broadcast_in_dim3A_71 : i32 to vector<16xi32>
    %broadcast_in_dim3A_73 = arith.constant 12 : i32
    %broadcast_in_dim3A_74 = vector.broadcast %broadcast_in_dim3A_73 : i32 to vector<16xi32>
    %broadcast_in_dim3A_75 = arith.constant 13 : i32
    %broadcast_in_dim3A_76 = vector.broadcast %broadcast_in_dim3A_75 : i32 to vector<16xi32>
    %broadcast_in_dim3A_77 = arith.constant 14 : i32
    %broadcast_in_dim3A_78 = vector.broadcast %broadcast_in_dim3A_77 : i32 to vector<16xi32>
    %broadcast_in_dim3A_79 = arith.constant 15 : i32
    %broadcast_in_dim3A_80 = vector.broadcast %broadcast_in_dim3A_79 : i32 to vector<16xi32>
    %broadcast_in_dim3A_81 = arith.constant 16 : i32
    %broadcast_in_dim3A_82 = vector.broadcast %broadcast_in_dim3A_81 : i32 to vector<16xi32>
    %broadcast_in_dim3A_83 = arith.constant 17 : i32
    %broadcast_in_dim3A_84 = vector.broadcast %broadcast_in_dim3A_83 : i32 to vector<16xi32>
    %broadcast_in_dim3A_85 = arith.constant 18 : i32
    %broadcast_in_dim3A_86 = vector.broadcast %broadcast_in_dim3A_85 : i32 to vector<16xi32>
    %broadcast_in_dim3A_87 = arith.constant 19 : i32
    %broadcast_in_dim3A_88 = vector.broadcast %broadcast_in_dim3A_87 : i32 to vector<16xi32>
    %broadcast_in_dim3A_89 = arith.constant 20 : i32
    %broadcast_in_dim3A_90 = vector.broadcast %broadcast_in_dim3A_89 : i32 to vector<16xi32>
    %broadcast_in_dim3A_91 = arith.constant 21 : i32
    %broadcast_in_dim3A_92 = vector.broadcast %broadcast_in_dim3A_91 : i32 to vector<16xi32>
    %broadcast_in_dim3A_93 = arith.constant 22 : i32
    %broadcast_in_dim3A_94 = vector.broadcast %broadcast_in_dim3A_93 : i32 to vector<16xi32>
    %broadcast_in_dim3A_95 = arith.constant 23 : i32
    %broadcast_in_dim3A_96 = vector.broadcast %broadcast_in_dim3A_95 : i32 to vector<16xi32>
    %broadcast_in_dim3A_97 = arith.constant 24 : i32
    %broadcast_in_dim3A_98 = vector.broadcast %broadcast_in_dim3A_97 : i32 to vector<16xi32>
    %broadcast_in_dim3A_99 = arith.constant 25 : i32
    %broadcast_in_dim3A_100 = vector.broadcast %broadcast_in_dim3A_99 : i32 to vector<16xi32>
    %broadcast_in_dim3A_101 = arith.constant 26 : i32
    %broadcast_in_dim3A_102 = vector.broadcast %broadcast_in_dim3A_101 : i32 to vector<16xi32>
    %broadcast_in_dim3A_103 = arith.constant 27 : i32
    %broadcast_in_dim3A_104 = vector.broadcast %broadcast_in_dim3A_103 : i32 to vector<16xi32>
    %broadcast_in_dim3A_105 = arith.constant 28 : i32
    %broadcast_in_dim3A_106 = vector.broadcast %broadcast_in_dim3A_105 : i32 to vector<16xi32>
    %broadcast_in_dim3A_107 = arith.constant 29 : i32
    %broadcast_in_dim3A_108 = vector.broadcast %broadcast_in_dim3A_107 : i32 to vector<16xi32>
    %broadcast_in_dim3A_109 = arith.constant 30 : i32
    %broadcast_in_dim3A_110 = vector.broadcast %broadcast_in_dim3A_109 : i32 to vector<16xi32>
    %broadcast_in_dim3A_111 = arith.constant 31 : i32
    %broadcast_in_dim3A_112 = vector.broadcast %broadcast_in_dim3A_111 : i32 to vector<16xi32>
    %scan3A = arith.constant 0 : i32
    %scan3A_113 = arith.constant 0 : i32
    %scan3A_114 = arith.constant 50 : i32
    %scan3A_115 = arith.addi %scan3A_113, %scan3A_114 : i32
    %scan3A_116 = arith.constant 1 : i32
    scf.for %scan3A_277 = %scan3A_113 to %scan3A_115 step %scan3A_116  : i32 {
      %mul3A_278 = arith.constant 4 : i32
      %mul3A_279 = arith.muli %scan3A_277, %mul3A_278 : i32
      %add3A_280 = arith.constant 0 : i32
      %add3A_281 = arith.addi %mul3A_279, %add3A_280 : i32
      %dma_wait3A_282 = arith.constant 0 : i32
      %dma_wait3A_283 = arith.constant 0 : i32
      %dma_wait3A_284 = arith.constant 0 : i32
      %dma_wait3A_285 = tpu.memref_slice %arg6[%dma_wait3A_282, %dma_wait3A_283, %dma_wait3A_284] : memref<4x128x32xf32, #tpu.memory_space<vmem>> -> memref<1x128x32xf32, #tpu.memory_space<vmem>>
      %dma_wait3A_286 = tpu.memref_squeeze %dma_wait3A_285 : memref<1x128x32xf32, #tpu.memory_space<vmem>> -> memref<128x32xf32, #tpu.memory_space<vmem>>
      %dma_wait3A_287 = arith.constant 0 : i32
      %dma_wait3A_288 = tpu.memref_slice %arg5[%add3A_281, %dma_wait3A_287] : memref<200x128xi32, #tpu.memory_space<vmem>> -> memref<1x128xi32, #tpu.memory_space<vmem>>
      %dma_wait3A_289 = tpu.memref_squeeze %dma_wait3A_288 : memref<1x128xi32, #tpu.memory_space<vmem>> -> memref<128xi32, #tpu.memory_space<vmem>>
      %dma_wait3A_290 = arith.constant 0 : i32
      %dma_wait3A_291 = arith.constant 0 : i32
      %dma_wait3A_292 = tpu.memref_slice %arg3[%dma_wait3A_290, %dma_wait3A_291] : memref<1000000x32xf32, #tpu.memory_space<hbm>> -> memref<1000000x32xf32, #tpu.memory_space<hbm>>
      tpu.wait_indirect_dma semaphore(%arg8 : memref<!tpu.dma_semaphore, #tpu.memory_space<semaphore_mem>>) src(%dma_wait3A_292 : memref<1000000x32xf32, #tpu.memory_space<hbm>>) dst(%dma_wait3A_286 : memref<128x32xf32, #tpu.memory_space<vmem>>)
      %ge3A = arith.constant 2 : i32
      %ge3A_293 = arith.cmpi sge, %add3A_281, %ge3A : i32
      %convert_element_type3A = arith.extui %ge3A_293 : i1 to i32
      %cond3A = arith.constant 0 : i32
      %cond3A_294 = arith.cmpi ne, %convert_element_type3A, %cond3A : i32
      scf.if %cond3A_294 {
        %sub3A = arith.constant 2 : i32
        %sub3A_697 = arith.subi %add3A_281, %sub3A : i32
        %dma_wait3A_698 = arith.constant 0 : i32
        %dma_wait3A_699 = arith.constant 0 : i32
        %dma_wait3A_700 = arith.constant 0 : i32
        %dma_wait3A_701 = arith.constant 0 : i32
        %dma_wait3A_702 = arith.constant 0 : i32
        %dma_wait3A_703 = tpu.memref_slice %arg7[%dma_wait3A_698, %dma_wait3A_699, %dma_wait3A_701, %dma_wait3A_702] : memref<2x4x8x128xf32, #tpu.memory_space<vmem>> -> memref<1x1x8x128xf32, #tpu.memory_space<vmem>>
        %dma_wait3A_704 = tpu.memref_squeeze %dma_wait3A_703 : memref<1x1x8x128xf32, #tpu.memory_space<vmem>> -> memref<8x128xf32, #tpu.memory_space<vmem>>
        %dma_wait3A_705 = arith.constant 0 : i32
        %dma_wait3A_706 = arith.constant 0 : i32
        %dma_wait3A_707 = tpu.memref_slice %arg4[%sub3A_697, %dma_wait3A_700, %add3A, %dma_wait3A_705, %dma_wait3A_706] : memref<200x4x32x8x128xf32, #tpu.memory_space<hbm>> -> memref<1x1x1x8x128xf32, #tpu.memory_space<hbm>>
        %dma_wait3A_708 = tpu.memref_squeeze %dma_wait3A_707 : memref<1x1x1x8x128xf32, #tpu.memory_space<hbm>> -> memref<8x128xf32, #tpu.memory_space<hbm>>
        %dma_wait3A_709 = arith.constant 0 : i32
        %dma_wait3A_710 = arith.constant 0 : i32
        %dma_wait3A_711 = tpu.memref_slice %arg4[%sub3A_697, %dma_wait3A_700, %add3A, %dma_wait3A_709, %dma_wait3A_710] : memref<200x4x32x8x128xf32, #tpu.memory_space<hbm>> -> memref<1x1x1x8x128xf32, #tpu.memory_space<hbm>>
        %dma_wait3A_712 = tpu.memref_squeeze %dma_wait3A_711 : memref<1x1x1x8x128xf32, #tpu.memory_space<hbm>> -> memref<8x128xf32, #tpu.memory_space<hbm>>
        %dma_wait3A_713 = arith.constant 0 : i32
        %dma_wait3A_714 = arith.constant 0 : i32
        %dma_wait3A_715 = tpu.memref_slice %arg7[%dma_wait3A_698, %dma_wait3A_699, %dma_wait3A_713, %dma_wait3A_714] : memref<2x4x8x128xf32, #tpu.memory_space<vmem>> -> memref<1x1x8x128xf32, #tpu.memory_space<vmem>>
        %dma_wait3A_716 = tpu.memref_squeeze %dma_wait3A_715 : memref<1x1x8x128xf32, #tpu.memory_space<vmem>> -> memref<8x128xf32, #tpu.memory_space<vmem>>
        tpu.wait_dma2 semaphore(%arg12 : memref<!tpu.dma_semaphore, #tpu.memory_space<semaphore_mem>>) src(%dma_wait3A_716 : memref<8x128xf32, #tpu.memory_space<vmem>>) dst(%dma_wait3A_712 : memref<8x128xf32, #tpu.memory_space<hbm>>)
        %dma_wait3A_717 = arith.constant 0 : i32
        %dma_wait3A_718 = arith.constant 1 : i32
        %dma_wait3A_719 = arith.constant 1 : i32
        %dma_wait3A_720 = arith.constant 0 : i32
        %dma_wait3A_721 = arith.constant 0 : i32
        %dma_wait3A_722 = tpu.memref_slice %arg7[%dma_wait3A_717, %dma_wait3A_718, %dma_wait3A_720, %dma_wait3A_721] : memref<2x4x8x128xf32, #tpu.memory_space<vmem>> -> memref<1x1x8x128xf32, #tpu.memory_space<vmem>>
        %dma_wait3A_723 = tpu.memref_squeeze %dma_wait3A_722 : memref<1x1x8x128xf32, #tpu.memory_space<vmem>> -> memref<8x128xf32, #tpu.memory_space<vmem>>
        %dma_wait3A_724 = arith.constant 0 : i32
        %dma_wait3A_725 = arith.constant 0 : i32
        %dma_wait3A_726 = tpu.memref_slice %arg4[%sub3A_697, %dma_wait3A_719, %add3A, %dma_wait3A_724, %dma_wait3A_725] : memref<200x4x32x8x128xf32, #tpu.memory_space<hbm>> -> memref<1x1x1x8x128xf32, #tpu.memory_space<hbm>>
        %dma_wait3A_727 = tpu.memref_squeeze %dma_wait3A_726 : memref<1x1x1x8x128xf32, #tpu.memory_space<hbm>> -> memref<8x128xf32, #tpu.memory_space<hbm>>
        %dma_wait3A_728 = arith.constant 0 : i32
        %dma_wait3A_729 = arith.constant 0 : i32
        %dma_wait3A_730 = tpu.memref_slice %arg4[%sub3A_697, %dma_wait3A_719, %add3A, %dma_wait3A_728, %dma_wait3A_729] : memref<200x4x32x8x128xf32, #tpu.memory_space<hbm>> -> memref<1x1x1x8x128xf32, #tpu.memory_space<hbm>>
        %dma_wait3A_731 = tpu.memref_squeeze %dma_wait3A_730 : memref<1x1x1x8x128xf32, #tpu.memory_space<hbm>> -> memref<8x128xf32, #tpu.memory_space<hbm>>
        %dma_wait3A_732 = arith.constant 0 : i32
        %dma_wait3A_733 = arith.constant 0 : i32
        %dma_wait3A_734 = tpu.memref_slice %arg7[%dma_wait3A_717, %dma_wait3A_718, %dma_wait3A_732, %dma_wait3A_733] : memref<2x4x8x128xf32, #tpu.memory_space<vmem>> -> memref<1x1x8x128xf32, #tpu.memory_space<vmem>>
        %dma_wait3A_735 = tpu.memref_squeeze %dma_wait3A_734 : memref<1x1x8x128xf32, #tpu.memory_space<vmem>> -> memref<8x128xf32, #tpu.memory_space<vmem>>
        tpu.wait_dma2 semaphore(%arg12 : memref<!tpu.dma_semaphore, #tpu.memory_space<semaphore_mem>>) src(%dma_wait3A_735 : memref<8x128xf32, #tpu.memory_space<vmem>>) dst(%dma_wait3A_731 : memref<8x128xf32, #tpu.memory_space<hbm>>)
        %dma_wait3A_736 = arith.constant 0 : i32
        %dma_wait3A_737 = arith.constant 2 : i32
        %dma_wait3A_738 = arith.constant 2 : i32
        %dma_wait3A_739 = arith.constant 0 : i32
        %dma_wait3A_740 = arith.constant 0 : i32
        %dma_wait3A_741 = tpu.memref_slice %arg7[%dma_wait3A_736, %dma_wait3A_737, %dma_wait3A_739, %dma_wait3A_740] : memref<2x4x8x128xf32, #tpu.memory_space<vmem>> -> memref<1x1x8x128xf32, #tpu.memory_space<vmem>>
        %dma_wait3A_742 = tpu.memref_squeeze %dma_wait3A_741 : memref<1x1x8x128xf32, #tpu.memory_space<vmem>> -> memref<8x128xf32, #tpu.memory_space<vmem>>
        %dma_wait3A_743 = arith.constant 0 : i32
        %dma_wait3A_744 = arith.constant 0 : i32
        %dma_wait3A_745 = tpu.memref_slice %arg4[%sub3A_697, %dma_wait3A_738, %add3A, %dma_wait3A_743, %dma_wait3A_744] : memref<200x4x32x8x128xf32, #tpu.memory_space<hbm>> -> memref<1x1x1x8x128xf32, #tpu.memory_space<hbm>>
        %dma_wait3A_746 = tpu.memref_squeeze %dma_wait3A_745 : memref<1x1x1x8x128xf32, #tpu.memory_space<hbm>> -> memref<8x128xf32, #tpu.memory_space<hbm>>
        %dma_wait3A_747 = arith.constant 0 : i32
        %dma_wait3A_748 = arith.constant 0 : i32
        %dma_wait3A_749 = tpu.memref_slice %arg4[%sub3A_697, %dma_wait3A_738, %add3A, %dma_wait3A_747, %dma_wait3A_748] : memref<200x4x32x8x128xf32, #tpu.memory_space<hbm>> -> memref<1x1x1x8x128xf32, #tpu.memory_space<hbm>>
        %dma_wait3A_750 = tpu.memref_squeeze %dma_wait3A_749 : memref<1x1x1x8x128xf32, #tpu.memory_space<hbm>> -> memref<8x128xf32, #tpu.memory_space<hbm>>
        %dma_wait3A_751 = arith.constant 0 : i32
        %dma_wait3A_752 = arith.constant 0 : i32
        %dma_wait3A_753 = tpu.memref_slice %arg7[%dma_wait3A_736, %dma_wait3A_737, %dma_wait3A_751, %dma_wait3A_752] : memref<2x4x8x128xf32, #tpu.memory_space<vmem>> -> memref<1x1x8x128xf32, #tpu.memory_space<vmem>>
        %dma_wait3A_754 = tpu.memref_squeeze %dma_wait3A_753 : memref<1x1x8x128xf32, #tpu.memory_space<vmem>> -> memref<8x128xf32, #tpu.memory_space<vmem>>
        tpu.wait_dma2 semaphore(%arg12 : memref<!tpu.dma_semaphore, #tpu.memory_space<semaphore_mem>>) src(%dma_wait3A_754 : memref<8x128xf32, #tpu.memory_space<vmem>>) dst(%dma_wait3A_750 : memref<8x128xf32, #tpu.memory_space<hbm>>)
        %dma_wait3A_755 = arith.constant 0 : i32
        %dma_wait3A_756 = arith.constant 3 : i32
        %dma_wait3A_757 = arith.constant 3 : i32
        %dma_wait3A_758 = arith.constant 0 : i32
        %dma_wait3A_759 = arith.constant 0 : i32
        %dma_wait3A_760 = tpu.memref_slice %arg7[%dma_wait3A_755, %dma_wait3A_756, %dma_wait3A_758, %dma_wait3A_759] : memref<2x4x8x128xf32, #tpu.memory_space<vmem>> -> memref<1x1x8x128xf32, #tpu.memory_space<vmem>>
        %dma_wait3A_761 = tpu.memref_squeeze %dma_wait3A_760 : memref<1x1x8x128xf32, #tpu.memory_space<vmem>> -> memref<8x128xf32, #tpu.memory_space<vmem>>
        %dma_wait3A_762 = arith.constant 0 : i32
        %dma_wait3A_763 = arith.constant 0 : i32
        %dma_wait3A_764 = tpu.memref_slice %arg4[%sub3A_697, %dma_wait3A_757, %add3A, %dma_wait3A_762, %dma_wait3A_763] : memref<200x4x32x8x128xf32, #tpu.memory_space<hbm>> -> memref<1x1x1x8x128xf32, #tpu.memory_space<hbm>>
        %dma_wait3A_765 = tpu.memref_squeeze %dma_wait3A_764 : memref<1x1x1x8x128xf32, #tpu.memory_space<hbm>> -> memref<8x128xf32, #tpu.memory_space<hbm>>
        %dma_wait3A_766 = arith.constant 0 : i32
        %dma_wait3A_767 = arith.constant 0 : i32
        %dma_wait3A_768 = tpu.memref_slice %arg4[%sub3A_697, %dma_wait3A_757, %add3A, %dma_wait3A_766, %dma_wait3A_767] : memref<200x4x32x8x128xf32, #tpu.memory_space<hbm>> -> memref<1x1x1x8x128xf32, #tpu.memory_space<hbm>>
        %dma_wait3A_769 = tpu.memref_squeeze %dma_wait3A_768 : memref<1x1x1x8x128xf32, #tpu.memory_space<hbm>> -> memref<8x128xf32, #tpu.memory_space<hbm>>
        %dma_wait3A_770 = arith.constant 0 : i32
        %dma_wait3A_771 = arith.constant 0 : i32
        %dma_wait3A_772 = tpu.memref_slice %arg7[%dma_wait3A_755, %dma_wait3A_756, %dma_wait3A_770, %dma_wait3A_771] : memref<2x4x8x128xf32, #tpu.memory_space<vmem>> -> memref<1x1x8x128xf32, #tpu.memory_space<vmem>>
        %dma_wait3A_773 = tpu.memref_squeeze %dma_wait3A_772 : memref<1x1x8x128xf32, #tpu.memory_space<vmem>> -> memref<8x128xf32, #tpu.memory_space<vmem>>
        tpu.wait_dma2 semaphore(%arg12 : memref<!tpu.dma_semaphore, #tpu.memory_space<semaphore_mem>>) src(%dma_wait3A_773 : memref<8x128xf32, #tpu.memory_space<vmem>>) dst(%dma_wait3A_769 : memref<8x128xf32, #tpu.memory_space<hbm>>)
      } else {
      }
      %parallel_loop3A = arith.constant 0 : i32
      %parallel_loop3A_295 = arith.constant 256 : i32
      %parallel_loop3A_296 = arith.constant 1 : i32
      scf.for %parallel_loop3A_697 = %parallel_loop3A to %parallel_loop3A_295 step %parallel_loop3A_296  : i32 {
        %parallel_loop3A_698 = arith.constant 5 : i32
        %parallel_loop3A_699 = arith.shrsi %parallel_loop3A_697, %parallel_loop3A_698 : i32
        %parallel_loop3A_700 = arith.constant 31 : i32
        %parallel_loop3A_701 = arith.andi %parallel_loop3A_697, %parallel_loop3A_700 : i32
        %parallel_loop3A_702 = arith.constant 16 : i32
        %parallel_loop3A_703 = arith.muli %parallel_loop3A_699, %parallel_loop3A_702 : i32
        %parallel_loop3A_704 = vector.broadcast %parallel_loop3A_703 : i32 to vector<16xi32>
        %parallel_loop3A_705 = arith.addi %iota3A, %parallel_loop3A_704 : vector<16xi32>
        %parallel_loop3A_706 = arith.constant 0 : i32
        %parallel_loop3A_707 = vector.broadcast %parallel_loop3A_706 : i32 to vector<16xi32>
        %parallel_loop3A_708 = vector.broadcast %parallel_loop3A_701 : i32 to vector<16xi32>
        %parallel_loop3A_709 = arith.addi %parallel_loop3A_707, %parallel_loop3A_708 : vector<16xi32>
        %parallel_loop3A_710 = arith.constant 0 : i32
        %parallel_loop3A_711 = arith.constant 0 : i32
        %parallel_loop3A_712 = arith.constant 0 : i32
        %parallel_loop3A_713 = tpu.memref_slice %arg6[%parallel_loop3A_710, %parallel_loop3A_711, %parallel_loop3A_712] : memref<4x128x32xf32, #tpu.memory_space<vmem>> -> memref<1x128x32xf32, #tpu.memory_space<vmem>>
        %parallel_loop3A_714 = tpu.memref_squeeze %parallel_loop3A_713 : memref<1x128x32xf32, #tpu.memory_space<vmem>> -> memref<128x32xf32, #tpu.memory_space<vmem>>
        %parallel_loop3A_715 = tpu.vector_load_idx %parallel_loop3A_714[%parallel_loop3A_705, %parallel_loop3A_709] : memref<128x32xf32, #tpu.memory_space<vmem>>[vector<16xi32>, vector<16xi32>], vector<16xf32>,
        %parallel_loop3A_716 = arith.constant 3 : i32
        %parallel_loop3A_717 = arith.shrsi %parallel_loop3A_701, %parallel_loop3A_716 : i32
        %parallel_loop3A_718 = arith.constant 7 : i32
        %parallel_loop3A_719 = arith.andi %parallel_loop3A_701, %parallel_loop3A_718 : i32
        %parallel_loop3A_720 = arith.constant 16 : i32
        %parallel_loop3A_721 = arith.muli %parallel_loop3A_699, %parallel_loop3A_720 : i32
        %parallel_loop3A_722 = arith.constant 0 : i32
        %parallel_loop3A_723 = arith.index_cast %parallel_loop3A_722 : i32 to index
        %parallel_loop3A_724 = arith.index_cast %parallel_loop3A_717 : i32 to index
        %parallel_loop3A_725 = arith.index_cast %parallel_loop3A_719 : i32 to index
        %parallel_loop3A_726 = arith.index_cast %parallel_loop3A_721 : i32 to index
        %parallel_loop3A_727 = tpu.vector_load %arg7[%parallel_loop3A_723, %parallel_loop3A_724, %parallel_loop3A_725, %parallel_loop3A_726] {strides = array<i32>} : memref<2x4x8x128xf32, #tpu.memory_space<vmem>>, vector<16xf32>,
        tpu.vector_store %arg7[%parallel_loop3A_723, %parallel_loop3A_724, %parallel_loop3A_725, %parallel_loop3A_726], %parallel_loop3A_715 {strides = array<i32>} : memref<2x4x8x128xf32, #tpu.memory_space<vmem>>, vector<16xf32>,
      } {sc.loop_unroll_factor = 16 : i64, sc.parallel_access}
      %dma_start3A_297 = arith.constant 0 : i32
      %dma_start3A_298 = arith.constant 0 : i32
      %dma_start3A_299 = arith.constant 0 : i32
      %dma_start3A_300 = arith.constant 0 : i32
      %dma_start3A_301 = arith.constant 0 : i32
      %dma_start3A_302 = tpu.memref_slice %arg7[%dma_start3A_297, %dma_start3A_298, %dma_start3A_300, %dma_start3A_301] : memref<2x4x8x128xf32, #tpu.memory_space<vmem>> -> memref<1x1x8x128xf32, #tpu.memory_space<vmem>>
      %dma_start3A_303 = tpu.memref_squeeze %dma_start3A_302 : memref<1x1x8x128xf32, #tpu.memory_space<vmem>> -> memref<8x128xf32, #tpu.memory_space<vmem>>
      %dma_start3A_304 = arith.constant 0 : i32
      %dma_start3A_305 = arith.constant 0 : i32
      %dma_start3A_306 = tpu.memref_slice %arg4[%add3A_281, %dma_start3A_299, %add3A, %dma_start3A_304, %dma_start3A_305] : memref<200x4x32x8x128xf32, #tpu.memory_space<hbm>> -> memref<1x1x1x8x128xf32, #tpu.memory_space<hbm>>
      %dma_start3A_307 = tpu.memref_squeeze %dma_start3A_306 : memref<1x1x1x8x128xf32, #tpu.memory_space<hbm>> -> memref<8x128xf32, #tpu.memory_space<hbm>>
      %dma_start3A_308 = arith.constant 0 : i32
      %dma_start3A_309 = arith.constant 0 : i32
      %dma_start3A_310 = tpu.memref_slice %arg4[%add3A_281, %dma_start3A_299, %add3A, %dma_start3A_308, %dma_start3A_309] : memref<200x4x32x8x128xf32, #tpu.memory_space<hbm>> -> memref<1x1x1x8x128xf32, #tpu.memory_space<hbm>>
      %dma_start3A_311 = tpu.memref_squeeze %dma_start3A_310 : memref<1x1x1x8x128xf32, #tpu.memory_space<hbm>> -> memref<8x128xf32, #tpu.memory_space<hbm>>
      %dma_start3A_312 = arith.constant 0 : i32
      %dma_start3A_313 = arith.constant 0 : i32
      %dma_start3A_314 = tpu.memref_slice %arg7[%dma_start3A_297, %dma_start3A_298, %dma_start3A_312, %dma_start3A_313] : memref<2x4x8x128xf32, #tpu.memory_space<vmem>> -> memref<1x1x8x128xf32, #tpu.memory_space<vmem>>
      %dma_start3A_315 = tpu.memref_squeeze %dma_start3A_314 : memref<1x1x8x128xf32, #tpu.memory_space<vmem>> -> memref<8x128xf32, #tpu.memory_space<vmem>>
      tpu.enqueue_dma source(%dma_start3A_315 : memref<8x128xf32, #tpu.memory_space<vmem>>) target(%dma_start3A_311 : memref<8x128xf32, #tpu.memory_space<hbm>>) target_semaphore(%arg12 : memref<!tpu.dma_semaphore, #tpu.memory_space<semaphore_mem>>)
      %dma_start3A_316 = arith.constant 0 : i32
      %dma_start3A_317 = arith.constant 1 : i32
      %dma_start3A_318 = arith.constant 1 : i32
      %dma_start3A_319 = arith.constant 0 : i32
      %dma_start3A_320 = arith.constant 0 : i32
      %dma_start3A_321 = tpu.memref_slice %arg7[%dma_start3A_316, %dma_start3A_317, %dma_start3A_319, %dma_start3A_320] : memref<2x4x8x128xf32, #tpu.memory_space<vmem>> -> memref<1x1x8x128xf32, #tpu.memory_space<vmem>>
      %dma_start3A_322 = tpu.memref_squeeze %dma_start3A_321 : memref<1x1x8x128xf32, #tpu.memory_space<vmem>> -> memref<8x128xf32, #tpu.memory_space<vmem>>
      %dma_start3A_323 = arith.constant 0 : i32
      %dma_start3A_324 = arith.constant 0 : i32
      %dma_start3A_325 = tpu.memref_slice %arg4[%add3A_281, %dma_start3A_318, %add3A, %dma_start3A_323, %dma_start3A_324] : memref<200x4x32x8x128xf32, #tpu.memory_space<hbm>> -> memref<1x1x1x8x128xf32, #tpu.memory_space<hbm>>
      %dma_start3A_326 = tpu.memref_squeeze %dma_start3A_325 : memref<1x1x1x8x128xf32, #tpu.memory_space<hbm>> -> memref<8x128xf32, #tpu.memory_space<hbm>>
      %dma_start3A_327 = arith.constant 0 : i32
      %dma_start3A_328 = arith.constant 0 : i32
      %dma_start3A_329 = tpu.memref_slice %arg4[%add3A_281, %dma_start3A_318, %add3A, %dma_start3A_327, %dma_start3A_328] : memref<200x4x32x8x128xf32, #tpu.memory_space<hbm>> -> memref<1x1x1x8x128xf32, #tpu.memory_space<hbm>>
      %dma_start3A_330 = tpu.memref_squeeze %dma_start3A_329 : memref<1x1x1x8x128xf32, #tpu.memory_space<hbm>> -> memref<8x128xf32, #tpu.memory_space<hbm>>
      %dma_start3A_331 = arith.constant 0 : i32
      %dma_start3A_332 = arith.constant 0 : i32
      %dma_start3A_333 = tpu.memref_slice %arg7[%dma_start3A_316, %dma_start3A_317, %dma_start3A_331, %dma_start3A_332] : memref<2x4x8x128xf32, #tpu.memory_space<vmem>> -> memref<1x1x8x128xf32, #tpu.memory_space<vmem>>
      %dma_start3A_334 = tpu.memref_squeeze %dma_start3A_333 : memref<1x1x8x128xf32, #tpu.memory_space<vmem>> -> memref<8x128xf32, #tpu.memory_space<vmem>>
      tpu.enqueue_dma source(%dma_start3A_334 : memref<8x128xf32, #tpu.memory_space<vmem>>) target(%dma_start3A_330 : memref<8x128xf32, #tpu.memory_space<hbm>>) target_semaphore(%arg12 : memref<!tpu.dma_semaphore, #tpu.memory_space<semaphore_mem>>)
      %dma_start3A_335 = arith.constant 0 : i32
      %dma_start3A_336 = arith.constant 2 : i32
      %dma_start3A_337 = arith.constant 2 : i32
      %dma_start3A_338 = arith.constant 0 : i32
      %dma_start3A_339 = arith.constant 0 : i32
      %dma_start3A_340 = tpu.memref_slice %arg7[%dma_start3A_335, %dma_start3A_336, %dma_start3A_338, %dma_start3A_339] : memref<2x4x8x128xf32, #tpu.memory_space<vmem>> -> memref<1x1x8x128xf32, #tpu.memory_space<vmem>>
      %dma_start3A_341 = tpu.memref_squeeze %dma_start3A_340 : memref<1x1x8x128xf32, #tpu.memory_space<vmem>> -> memref<8x128xf32, #tpu.memory_space<vmem>>
      %dma_start3A_342 = arith.constant 0 : i32
      %dma_start3A_343 = arith.constant 0 : i32
      %dma_start3A_344 = tpu.memref_slice %arg4[%add3A_281, %dma_start3A_337, %add3A, %dma_start3A_342, %dma_start3A_343] : memref<200x4x32x8x128xf32, #tpu.memory_space<hbm>> -> memref<1x1x1x8x128xf32, #tpu.memory_space<hbm>>
      %dma_start3A_345 = tpu.memref_squeeze %dma_start3A_344 : memref<1x1x1x8x128xf32, #tpu.memory_space<hbm>> -> memref<8x128xf32, #tpu.memory_space<hbm>>
      %dma_start3A_346 = arith.constant 0 : i32
      %dma_start3A_347 = arith.constant 0 : i32
      %dma_start3A_348 = tpu.memref_slice %arg4[%add3A_281, %dma_start3A_337, %add3A, %dma_start3A_346, %dma_start3A_347] : memref<200x4x32x8x128xf32, #tpu.memory_space<hbm>> -> memref<1x1x1x8x128xf32, #tpu.memory_space<hbm>>
      %dma_start3A_349 = tpu.memref_squeeze %dma_start3A_348 : memref<1x1x1x8x128xf32, #tpu.memory_space<hbm>> -> memref<8x128xf32, #tpu.memory_space<hbm>>
      %dma_start3A_350 = arith.constant 0 : i32
      %dma_start3A_351 = arith.constant 0 : i32
      %dma_start3A_352 = tpu.memref_slice %arg7[%dma_start3A_335, %dma_start3A_336, %dma_start3A_350, %dma_start3A_351] : memref<2x4x8x128xf32, #tpu.memory_space<vmem>> -> memref<1x1x8x128xf32, #tpu.memory_space<vmem>>
      %dma_start3A_353 = tpu.memref_squeeze %dma_start3A_352 : memref<1x1x8x128xf32, #tpu.memory_space<vmem>> -> memref<8x128xf32, #tpu.memory_space<vmem>>
      tpu.enqueue_dma source(%dma_start3A_353 : memref<8x128xf32, #tpu.memory_space<vmem>>) target(%dma_start3A_349 : memref<8x128xf32, #tpu.memory_space<hbm>>) target_semaphore(%arg12 : memref<!tpu.dma_semaphore, #tpu.memory_space<semaphore_mem>>)
      %dma_start3A_354 = arith.constant 0 : i32
      %dma_start3A_355 = arith.constant 3 : i32
      %dma_start3A_356 = arith.constant 3 : i32
      %dma_start3A_357 = arith.constant 0 : i32
      %dma_start3A_358 = arith.constant 0 : i32
      %dma_start3A_359 = tpu.memref_slice %arg7[%dma_start3A_354, %dma_start3A_355, %dma_start3A_357, %dma_start3A_358] : memref<2x4x8x128xf32, #tpu.memory_space<vmem>> -> memref<1x1x8x128xf32, #tpu.memory_space<vmem>>
      %dma_start3A_360 = tpu.memref_squeeze %dma_start3A_359 : memref<1x1x8x128xf32, #tpu.memory_space<vmem>> -> memref<8x128xf32, #tpu.memory_space<vmem>>
      %dma_start3A_361 = arith.constant 0 : i32
      %dma_start3A_362 = arith.constant 0 : i32
      %dma_start3A_363 = tpu.memref_slice %arg4[%add3A_281, %dma_start3A_356, %add3A, %dma_start3A_361, %dma_start3A_362] : memref<200x4x32x8x128xf32, #tpu.memory_space<hbm>> -> memref<1x1x1x8x128xf32, #tpu.memory_space<hbm>>
      %dma_start3A_364 = tpu.memref_squeeze %dma_start3A_363 : memref<1x1x1x8x128xf32, #tpu.memory_space<hbm>> -> memref<8x128xf32, #tpu.memory_space<hbm>>
      %dma_start3A_365 = arith.constant 0 : i32
      %dma_start3A_366 = arith.constant 0 : i32
      %dma_start3A_367 = tpu.memref_slice %arg4[%add3A_281, %dma_start3A_356, %add3A, %dma_start3A_365, %dma_start3A_366] : memref<200x4x32x8x128xf32, #tpu.memory_space<hbm>> -> memref<1x1x1x8x128xf32, #tpu.memory_space<hbm>>
      %dma_start3A_368 = tpu.memref_squeeze %dma_start3A_367 : memref<1x1x1x8x128xf32, #tpu.memory_space<hbm>> -> memref<8x128xf32, #tpu.memory_space<hbm>>
      %dma_start3A_369 = arith.constant 0 : i32
      %dma_start3A_370 = arith.constant 0 : i32
      %dma_start3A_371 = tpu.memref_slice %arg7[%dma_start3A_354, %dma_start3A_355, %dma_start3A_369, %dma_start3A_370] : memref<2x4x8x128xf32, #tpu.memory_space<vmem>> -> memref<1x1x8x128xf32, #tpu.memory_space<vmem>>
      %dma_start3A_372 = tpu.memref_squeeze %dma_start3A_371 : memref<1x1x8x128xf32, #tpu.memory_space<vmem>> -> memref<8x128xf32, #tpu.memory_space<vmem>>
      tpu.enqueue_dma source(%dma_start3A_372 : memref<8x128xf32, #tpu.memory_space<vmem>>) target(%dma_start3A_368 : memref<8x128xf32, #tpu.memory_space<hbm>>) target_semaphore(%arg12 : memref<!tpu.dma_semaphore, #tpu.memory_space<semaphore_mem>>)
      %add3A_373 = arith.constant 4 : i32
      %add3A_374 = arith.addi %add3A_281, %add3A_373 : i32
      %lt3A = arith.constant 200 : i32
      %lt3A_375 = arith.cmpi slt, %add3A_374, %lt3A : i32
      %convert_element_type3A_376 = arith.extui %lt3A_375 : i1 to i32
      %cond3A_377 = arith.constant 0 : i32
      %cond3A_378 = arith.cmpi ne, %convert_element_type3A_376, %cond3A_377 : i32
      scf.if %cond3A_378 {
        %add3A_697 = arith.constant 4 : i32
        %add3A_698 = arith.addi %add3A_281, %add3A_697 : i32
        %dma_start3A_699 = arith.constant 0 : i32
        %dma_start3A_700 = arith.constant 0 : i32
        %dma_start3A_701 = arith.constant 0 : i32
        %dma_start3A_702 = tpu.memref_slice %arg6[%dma_start3A_699, %dma_start3A_700, %dma_start3A_701] : memref<4x128x32xf32, #tpu.memory_space<vmem>> -> memref<1x128x32xf32, #tpu.memory_space<vmem>>
        %dma_start3A_703 = tpu.memref_squeeze %dma_start3A_702 : memref<1x128x32xf32, #tpu.memory_space<vmem>> -> memref<128x32xf32, #tpu.memory_space<vmem>>
        %dma_start3A_704 = arith.constant 0 : i32
        %dma_start3A_705 = tpu.memref_slice %arg5[%add3A_698, %dma_start3A_704] : memref<200x128xi32, #tpu.memory_space<vmem>> -> memref<1x128xi32, #tpu.memory_space<vmem>>
        %dma_start3A_706 = tpu.memref_squeeze %dma_start3A_705 : memref<1x128xi32, #tpu.memory_space<vmem>> -> memref<128xi32, #tpu.memory_space<vmem>>
        %dma_start3A_707 = arith.constant 0 : i32
        %dma_start3A_708 = arith.constant 0 : i32
        %dma_start3A_709 = tpu.memref_slice %arg3[%dma_start3A_707, %dma_start3A_708] : memref<1000000x32xf32, #tpu.memory_space<hbm>> -> memref<1000000x32xf32, #tpu.memory_space<hbm>>
        tpu.enqueue_indirect_dma source(%dma_start3A_709 : memref<1000000x32xf32, #tpu.memory_space<hbm>>) target(%dma_start3A_703 : memref<128x32xf32, #tpu.memory_space<vmem>>) offsets(%dma_start3A_706 : memref<128xi32, #tpu.memory_space<vmem>>) semaphore(%arg8 : memref<!tpu.dma_semaphore, #tpu.memory_space<semaphore_mem>>)
      } else {
      }
      %mul3A_379 = arith.constant 4 : i32
      %mul3A_380 = arith.muli %scan3A_277, %mul3A_379 : i32
      %add3A_381 = arith.constant 1 : i32
      %add3A_382 = arith.addi %mul3A_380, %add3A_381 : i32
      %dma_wait3A_383 = arith.constant 1 : i32
      %dma_wait3A_384 = arith.constant 0 : i32
      %dma_wait3A_385 = arith.constant 0 : i32
      %dma_wait3A_386 = tpu.memref_slice %arg6[%dma_wait3A_383, %dma_wait3A_384, %dma_wait3A_385] : memref<4x128x32xf32, #tpu.memory_space<vmem>> -> memref<1x128x32xf32, #tpu.memory_space<vmem>>
      %dma_wait3A_387 = tpu.memref_squeeze %dma_wait3A_386 : memref<1x128x32xf32, #tpu.memory_space<vmem>> -> memref<128x32xf32, #tpu.memory_space<vmem>>
      %dma_wait3A_388 = arith.constant 0 : i32
      %dma_wait3A_389 = tpu.memref_slice %arg5[%add3A_382, %dma_wait3A_388] : memref<200x128xi32, #tpu.memory_space<vmem>> -> memref<1x128xi32, #tpu.memory_space<vmem>>
      %dma_wait3A_390 = tpu.memref_squeeze %dma_wait3A_389 : memref<1x128xi32, #tpu.memory_space<vmem>> -> memref<128xi32, #tpu.memory_space<vmem>>
      %dma_wait3A_391 = arith.constant 0 : i32
      %dma_wait3A_392 = arith.constant 0 : i32
      %dma_wait3A_393 = tpu.memref_slice %arg3[%dma_wait3A_391, %dma_wait3A_392] : memref<1000000x32xf32, #tpu.memory_space<hbm>> -> memref<1000000x32xf32, #tpu.memory_space<hbm>>
      tpu.wait_indirect_dma semaphore(%arg9 : memref<!tpu.dma_semaphore, #tpu.memory_space<semaphore_mem>>) src(%dma_wait3A_393 : memref<1000000x32xf32, #tpu.memory_space<hbm>>) dst(%dma_wait3A_387 : memref<128x32xf32, #tpu.memory_space<vmem>>)
      %ge3A_394 = arith.constant 2 : i32
      %ge3A_395 = arith.cmpi sge, %add3A_382, %ge3A_394 : i32
      %convert_element_type3A_396 = arith.extui %ge3A_395 : i1 to i32
      %cond3A_397 = arith.constant 0 : i32
      %cond3A_398 = arith.cmpi ne, %convert_element_type3A_396, %cond3A_397 : i32
      scf.if %cond3A_398 {
        %sub3A = arith.constant 2 : i32
        %sub3A_697 = arith.subi %add3A_382, %sub3A : i32
        %dma_wait3A_698 = arith.constant 1 : i32
        %dma_wait3A_699 = arith.constant 0 : i32
        %dma_wait3A_700 = arith.constant 0 : i32
        %dma_wait3A_701 = arith.constant 0 : i32
        %dma_wait3A_702 = arith.constant 0 : i32
        %dma_wait3A_703 = tpu.memref_slice %arg7[%dma_wait3A_698, %dma_wait3A_699, %dma_wait3A_701, %dma_wait3A_702] : memref<2x4x8x128xf32, #tpu.memory_space<vmem>> -> memref<1x1x8x128xf32, #tpu.memory_space<vmem>>
        %dma_wait3A_704 = tpu.memref_squeeze %dma_wait3A_703 : memref<1x1x8x128xf32, #tpu.memory_space<vmem>> -> memref<8x128xf32, #tpu.memory_space<vmem>>
        %dma_wait3A_705 = arith.constant 0 : i32
        %dma_wait3A_706 = arith.constant 0 : i32
        %dma_wait3A_707 = tpu.memref_slice %arg4[%sub3A_697, %dma_wait3A_700, %add3A, %dma_wait3A_705, %dma_wait3A_706] : memref<200x4x32x8x128xf32, #tpu.memory_space<hbm>> -> memref<1x1x1x8x128xf32, #tpu.memory_space<hbm>>
        %dma_wait3A_708 = tpu.memref_squeeze %dma_wait3A_707 : memref<1x1x1x8x128xf32, #tpu.memory_space<hbm>> -> memref<8x128xf32, #tpu.memory_space<hbm>>
        %dma_wait3A_709 = arith.constant 0 : i32
        %dma_wait3A_710 = arith.constant 0 : i32
        %dma_wait3A_711 = tpu.memref_slice %arg4[%sub3A_697, %dma_wait3A_700, %add3A, %dma_wait3A_709, %dma_wait3A_710] : memref<200x4x32x8x128xf32, #tpu.memory_space<hbm>> -> memref<1x1x1x8x128xf32, #tpu.memory_space<hbm>>
        %dma_wait3A_712 = tpu.memref_squeeze %dma_wait3A_711 : memref<1x1x1x8x128xf32, #tpu.memory_space<hbm>> -> memref<8x128xf32, #tpu.memory_space<hbm>>
        %dma_wait3A_713 = arith.constant 0 : i32
        %dma_wait3A_714 = arith.constant 0 : i32
        %dma_wait3A_715 = tpu.memref_slice %arg7[%dma_wait3A_698, %dma_wait3A_699, %dma_wait3A_713, %dma_wait3A_714] : memref<2x4x8x128xf32, #tpu.memory_space<vmem>> -> memref<1x1x8x128xf32, #tpu.memory_space<vmem>>
        %dma_wait3A_716 = tpu.memref_squeeze %dma_wait3A_715 : memref<1x1x8x128xf32, #tpu.memory_space<vmem>> -> memref<8x128xf32, #tpu.memory_space<vmem>>
        tpu.wait_dma2 semaphore(%arg13 : memref<!tpu.dma_semaphore, #tpu.memory_space<semaphore_mem>>) src(%dma_wait3A_716 : memref<8x128xf32, #tpu.memory_space<vmem>>) dst(%dma_wait3A_712 : memref<8x128xf32, #tpu.memory_space<hbm>>)
        %dma_wait3A_717 = arith.constant 1 : i32
        %dma_wait3A_718 = arith.constant 1 : i32
        %dma_wait3A_719 = arith.constant 1 : i32
        %dma_wait3A_720 = arith.constant 0 : i32
        %dma_wait3A_721 = arith.constant 0 : i32
        %dma_wait3A_722 = tpu.memref_slice %arg7[%dma_wait3A_717, %dma_wait3A_718, %dma_wait3A_720, %dma_wait3A_721] : memref<2x4x8x128xf32, #tpu.memory_space<vmem>> -> memref<1x1x8x128xf32, #tpu.memory_space<vmem>>
        %dma_wait3A_723 = tpu.memref_squeeze %dma_wait3A_722 : memref<1x1x8x128xf32, #tpu.memory_space<vmem>> -> memref<8x128xf32, #tpu.memory_space<vmem>>
        %dma_wait3A_724 = arith.constant 0 : i32
        %dma_wait3A_725 = arith.constant 0 : i32
        %dma_wait3A_726 = tpu.memref_slice %arg4[%sub3A_697, %dma_wait3A_719, %add3A, %dma_wait3A_724, %dma_wait3A_725] : memref<200x4x32x8x128xf32, #tpu.memory_space<hbm>> -> memref<1x1x1x8x128xf32, #tpu.memory_space<hbm>>
        %dma_wait3A_727 = tpu.memref_squeeze %dma_wait3A_726 : memref<1x1x1x8x128xf32, #tpu.memory_space<hbm>> -> memref<8x128xf32, #tpu.memory_space<hbm>>
        %dma_wait3A_728 = arith.constant 0 : i32
        %dma_wait3A_729 = arith.constant 0 : i32
        %dma_wait3A_730 = tpu.memref_slice %arg4[%sub3A_697, %dma_wait3A_719, %add3A, %dma_wait3A_728, %dma_wait3A_729] : memref<200x4x32x8x128xf32, #tpu.memory_space<hbm>> -> memref<1x1x1x8x128xf32, #tpu.memory_space<hbm>>
        %dma_wait3A_731 = tpu.memref_squeeze %dma_wait3A_730 : memref<1x1x1x8x128xf32, #tpu.memory_space<hbm>> -> memref<8x128xf32, #tpu.memory_space<hbm>>
        %dma_wait3A_732 = arith.constant 0 : i32
        %dma_wait3A_733 = arith.constant 0 : i32
        %dma_wait3A_734 = tpu.memref_slice %arg7[%dma_wait3A_717, %dma_wait3A_718, %dma_wait3A_732, %dma_wait3A_733] : memref<2x4x8x128xf32, #tpu.memory_space<vmem>> -> memref<1x1x8x128xf32, #tpu.memory_space<vmem>>
        %dma_wait3A_735 = tpu.memref_squeeze %dma_wait3A_734 : memref<1x1x8x128xf32, #tpu.memory_space<vmem>> -> memref<8x128xf32, #tpu.memory_space<vmem>>
        tpu.wait_dma2 semaphore(%arg13 : memref<!tpu.dma_semaphore, #tpu.memory_space<semaphore_mem>>) src(%dma_wait3A_735 : memref<8x128xf32, #tpu.memory_space<vmem>>) dst(%dma_wait3A_731 : memref<8x128xf32, #tpu.memory_space<hbm>>)
        %dma_wait3A_736 = arith.constant 1 : i32
        %dma_wait3A_737 = arith.constant 2 : i32
        %dma_wait3A_738 = arith.constant 2 : i32
        %dma_wait3A_739 = arith.constant 0 : i32
        %dma_wait3A_740 = arith.constant 0 : i32
        %dma_wait3A_741 = tpu.memref_slice %arg7[%dma_wait3A_736, %dma_wait3A_737, %dma_wait3A_739, %dma_wait3A_740] : memref<2x4x8x128xf32, #tpu.memory_space<vmem>> -> memref<1x1x8x128xf32, #tpu.memory_space<vmem>>
        %dma_wait3A_742 = tpu.memref_squeeze %dma_wait3A_741 : memref<1x1x8x128xf32, #tpu.memory_space<vmem>> -> memref<8x128xf32, #tpu.memory_space<vmem>>
        %dma_wait3A_743 = arith.constant 0 : i32
        %dma_wait3A_744 = arith.constant 0 : i32
        %dma_wait3A_745 = tpu.memref_slice %arg4[%sub3A_697, %dma_wait3A_738, %add3A, %dma_wait3A_743, %dma_wait3A_744] : memref<200x4x32x8x128xf32, #tpu.memory_space<hbm>> -> memref<1x1x1x8x128xf32, #tpu.memory_space<hbm>>
        %dma_wait3A_746 = tpu.memref_squeeze %dma_wait3A_745 : memref<1x1x1x8x128xf32, #tpu.memory_space<hbm>> -> memref<8x128xf32, #tpu.memory_space<hbm>>
        %dma_wait3A_747 = arith.constant 0 : i32
        %dma_wait3A_748 = arith.constant 0 : i32
        %dma_wait3A_749 = tpu.memref_slice %arg4[%sub3A_697, %dma_wait3A_738, %add3A, %dma_wait3A_747, %dma_wait3A_748] : memref<200x4x32x8x128xf32, #tpu.memory_space<hbm>> -> memref<1x1x1x8x128xf32, #tpu.memory_space<hbm>>
        %dma_wait3A_750 = tpu.memref_squeeze %dma_wait3A_749 : memref<1x1x1x8x128xf32, #tpu.memory_space<hbm>> -> memref<8x128xf32, #tpu.memory_space<hbm>>
        %dma_wait3A_751 = arith.constant 0 : i32
        %dma_wait3A_752 = arith.constant 0 : i32
        %dma_wait3A_753 = tpu.memref_slice %arg7[%dma_wait3A_736, %dma_wait3A_737, %dma_wait3A_751, %dma_wait3A_752] : memref<2x4x8x128xf32, #tpu.memory_space<vmem>> -> memref<1x1x8x128xf32, #tpu.memory_space<vmem>>
        %dma_wait3A_754 = tpu.memref_squeeze %dma_wait3A_753 : memref<1x1x8x128xf32, #tpu.memory_space<vmem>> -> memref<8x128xf32, #tpu.memory_space<vmem>>
        tpu.wait_dma2 semaphore(%arg13 : memref<!tpu.dma_semaphore, #tpu.memory_space<semaphore_mem>>) src(%dma_wait3A_754 : memref<8x128xf32, #tpu.memory_space<vmem>>) dst(%dma_wait3A_750 : memref<8x128xf32, #tpu.memory_space<hbm>>)
        %dma_wait3A_755 = arith.constant 1 : i32
        %dma_wait3A_756 = arith.constant 3 : i32
        %dma_wait3A_757 = arith.constant 3 : i32
        %dma_wait3A_758 = arith.constant 0 : i32
        %dma_wait3A_759 = arith.constant 0 : i32
        %dma_wait3A_760 = tpu.memref_slice %arg7[%dma_wait3A_755, %dma_wait3A_756, %dma_wait3A_758, %dma_wait3A_759] : memref<2x4x8x128xf32, #tpu.memory_space<vmem>> -> memref<1x1x8x128xf32, #tpu.memory_space<vmem>>
        %dma_wait3A_761 = tpu.memref_squeeze %dma_wait3A_760 : memref<1x1x8x128xf32, #tpu.memory_space<vmem>> -> memref<8x128xf32, #tpu.memory_space<vmem>>
        %dma_wait3A_762 = arith.constant 0 : i32
        %dma_wait3A_763 = arith.constant 0 : i32
        %dma_wait3A_764 = tpu.memref_slice %arg4[%sub3A_697, %dma_wait3A_757, %add3A, %dma_wait3A_762, %dma_wait3A_763] : memref<200x4x32x8x128xf32, #tpu.memory_space<hbm>> -> memref<1x1x1x8x128xf32, #tpu.memory_space<hbm>>
        %dma_wait3A_765 = tpu.memref_squeeze %dma_wait3A_764 : memref<1x1x1x8x128xf32, #tpu.memory_space<hbm>> -> memref<8x128xf32, #tpu.memory_space<hbm>>
        %dma_wait3A_766 = arith.constant 0 : i32
        %dma_wait3A_767 = arith.constant 0 : i32
        %dma_wait3A_768 = tpu.memref_slice %arg4[%sub3A_697, %dma_wait3A_757, %add3A, %dma_wait3A_766, %dma_wait3A_767] : memref<200x4x32x8x128xf32, #tpu.memory_space<hbm>> -> memref<1x1x1x8x128xf32, #tpu.memory_space<hbm>>
        %dma_wait3A_769 = tpu.memref_squeeze %dma_wait3A_768 : memref<1x1x1x8x128xf32, #tpu.memory_space<hbm>> -> memref<8x128xf32, #tpu.memory_space<hbm>>
        %dma_wait3A_770 = arith.constant 0 : i32
        %dma_wait3A_771 = arith.constant 0 : i32
        %dma_wait3A_772 = tpu.memref_slice %arg7[%dma_wait3A_755, %dma_wait3A_756, %dma_wait3A_770, %dma_wait3A_771] : memref<2x4x8x128xf32, #tpu.memory_space<vmem>> -> memref<1x1x8x128xf32, #tpu.memory_space<vmem>>
        %dma_wait3A_773 = tpu.memref_squeeze %dma_wait3A_772 : memref<1x1x8x128xf32, #tpu.memory_space<vmem>> -> memref<8x128xf32, #tpu.memory_space<vmem>>
        tpu.wait_dma2 semaphore(%arg13 : memref<!tpu.dma_semaphore, #tpu.memory_space<semaphore_mem>>) src(%dma_wait3A_773 : memref<8x128xf32, #tpu.memory_space<vmem>>) dst(%dma_wait3A_769 : memref<8x128xf32, #tpu.memory_space<hbm>>)
      } else {
      }
      %parallel_loop3A_399 = arith.constant 0 : i32
      %parallel_loop3A_400 = arith.constant 256 : i32
      %parallel_loop3A_401 = arith.constant 1 : i32
      scf.for %parallel_loop3A_697 = %parallel_loop3A_399 to %parallel_loop3A_400 step %parallel_loop3A_401  : i32 {
        %parallel_loop3A_698 = arith.constant 5 : i32
        %parallel_loop3A_699 = arith.shrsi %parallel_loop3A_697, %parallel_loop3A_698 : i32
        %parallel_loop3A_700 = arith.constant 31 : i32
        %parallel_loop3A_701 = arith.andi %parallel_loop3A_697, %parallel_loop3A_700 : i32
        %parallel_loop3A_702 = arith.constant 16 : i32
        %parallel_loop3A_703 = arith.muli %parallel_loop3A_699, %parallel_loop3A_702 : i32
        %parallel_loop3A_704 = vector.broadcast %parallel_loop3A_703 : i32 to vector<16xi32>
        %parallel_loop3A_705 = arith.addi %iota3A, %parallel_loop3A_704 : vector<16xi32>
        %parallel_loop3A_706 = arith.constant 0 : i32
        %parallel_loop3A_707 = vector.broadcast %parallel_loop3A_706 : i32 to vector<16xi32>
        %parallel_loop3A_708 = vector.broadcast %parallel_loop3A_701 : i32 to vector<16xi32>
        %parallel_loop3A_709 = arith.addi %parallel_loop3A_707, %parallel_loop3A_708 : vector<16xi32>
        %parallel_loop3A_710 = arith.constant 1 : i32
        %parallel_loop3A_711 = arith.constant 0 : i32
        %parallel_loop3A_712 = arith.constant 0 : i32
        %parallel_loop3A_713 = tpu.memref_slice %arg6[%parallel_loop3A_710, %parallel_loop3A_711, %parallel_loop3A_712] : memref<4x128x32xf32, #tpu.memory_space<vmem>> -> memref<1x128x32xf32, #tpu.memory_space<vmem>>
        %parallel_loop3A_714 = tpu.memref_squeeze %parallel_loop3A_713 : memref<1x128x32xf32, #tpu.memory_space<vmem>> -> memref<128x32xf32, #tpu.memory_space<vmem>>
        %parallel_loop3A_715 = tpu.vector_load_idx %parallel_loop3A_714[%parallel_loop3A_705, %parallel_loop3A_709] : memref<128x32xf32, #tpu.memory_space<vmem>>[vector<16xi32>, vector<16xi32>], vector<16xf32>,
        %parallel_loop3A_716 = arith.constant 3 : i32
        %parallel_loop3A_717 = arith.shrsi %parallel_loop3A_701, %parallel_loop3A_716 : i32
        %parallel_loop3A_718 = arith.constant 7 : i32
        %parallel_loop3A_719 = arith.andi %parallel_loop3A_701, %parallel_loop3A_718 : i32
        %parallel_loop3A_720 = arith.constant 16 : i32
        %parallel_loop3A_721 = arith.muli %parallel_loop3A_699, %parallel_loop3A_720 : i32
        %parallel_loop3A_722 = arith.constant 1 : i32
        %parallel_loop3A_723 = arith.index_cast %parallel_loop3A_722 : i32 to index
        %parallel_loop3A_724 = arith.index_cast %parallel_loop3A_717 : i32 to index
        %parallel_loop3A_725 = arith.index_cast %parallel_loop3A_719 : i32 to index
        %parallel_loop3A_726 = arith.index_cast %parallel_loop3A_721 : i32 to index
        %parallel_loop3A_727 = tpu.vector_load %arg7[%parallel_loop3A_723, %parallel_loop3A_724, %parallel_loop3A_725, %parallel_loop3A_726] {strides = array<i32>} : memref<2x4x8x128xf32, #tpu.memory_space<vmem>>, vector<16xf32>,
        tpu.vector_store %arg7[%parallel_loop3A_723, %parallel_loop3A_724, %parallel_loop3A_725, %parallel_loop3A_726], %parallel_loop3A_715 {strides = array<i32>} : memref<2x4x8x128xf32, #tpu.memory_space<vmem>>, vector<16xf32>,
      } {sc.loop_unroll_factor = 16 : i64, sc.parallel_access}
      %dma_start3A_402 = arith.constant 1 : i32
      %dma_start3A_403 = arith.constant 0 : i32
      %dma_start3A_404 = arith.constant 0 : i32
      %dma_start3A_405 = arith.constant 0 : i32
      %dma_start3A_406 = arith.constant 0 : i32
      %dma_start3A_407 = tpu.memref_slice %arg7[%dma_start3A_402, %dma_start3A_403, %dma_start3A_405, %dma_start3A_406] : memref<2x4x8x128xf32, #tpu.memory_space<vmem>> -> memref<1x1x8x128xf32, #tpu.memory_space<vmem>>
      %dma_start3A_408 = tpu.memref_squeeze %dma_start3A_407 : memref<1x1x8x128xf32, #tpu.memory_space<vmem>> -> memref<8x128xf32, #tpu.memory_space<vmem>>
      %dma_start3A_409 = arith.constant 0 : i32
      %dma_start3A_410 = arith.constant 0 : i32
      %dma_start3A_411 = tpu.memref_slice %arg4[%add3A_382, %dma_start3A_404, %add3A, %dma_start3A_409, %dma_start3A_410] : memref<200x4x32x8x128xf32, #tpu.memory_space<hbm>> -> memref<1x1x1x8x128xf32, #tpu.memory_space<hbm>>
      %dma_start3A_412 = tpu.memref_squeeze %dma_start3A_411 : memref<1x1x1x8x128xf32, #tpu.memory_space<hbm>> -> memref<8x128xf32, #tpu.memory_space<hbm>>
      %dma_start3A_413 = arith.constant 0 : i32
      %dma_start3A_414 = arith.constant 0 : i32
      %dma_start3A_415 = tpu.memref_slice %arg4[%add3A_382, %dma_start3A_404, %add3A, %dma_start3A_413, %dma_start3A_414] : memref<200x4x32x8x128xf32, #tpu.memory_space<hbm>> -> memref<1x1x1x8x128xf32, #tpu.memory_space<hbm>>
      %dma_start3A_416 = tpu.memref_squeeze %dma_start3A_415 : memref<1x1x1x8x128xf32, #tpu.memory_space<hbm>> -> memref<8x128xf32, #tpu.memory_space<hbm>>
      %dma_start3A_417 = arith.constant 0 : i32
      %dma_start3A_418 = arith.constant 0 : i32
      %dma_start3A_419 = tpu.memref_slice %arg7[%dma_start3A_402, %dma_start3A_403, %dma_start3A_417, %dma_start3A_418] : memref<2x4x8x128xf32, #tpu.memory_space<vmem>> -> memref<1x1x8x128xf32, #tpu.memory_space<vmem>>
      %dma_start3A_420 = tpu.memref_squeeze %dma_start3A_419 : memref<1x1x8x128xf32, #tpu.memory_space<vmem>> -> memref<8x128xf32, #tpu.memory_space<vmem>>
      tpu.enqueue_dma source(%dma_start3A_420 : memref<8x128xf32, #tpu.memory_space<vmem>>) target(%dma_start3A_416 : memref<8x128xf32, #tpu.memory_space<hbm>>) target_semaphore(%arg13 : memref<!tpu.dma_semaphore, #tpu.memory_space<semaphore_mem>>)
      %dma_start3A_421 = arith.constant 1 : i32
      %dma_start3A_422 = arith.constant 1 : i32
      %dma_start3A_423 = arith.constant 1 : i32
      %dma_start3A_424 = arith.constant 0 : i32
      %dma_start3A_425 = arith.constant 0 : i32
      %dma_start3A_426 = tpu.memref_slice %arg7[%dma_start3A_421, %dma_start3A_422, %dma_start3A_424, %dma_start3A_425] : memref<2x4x8x128xf32, #tpu.memory_space<vmem>> -> memref<1x1x8x128xf32, #tpu.memory_space<vmem>>
      %dma_start3A_427 = tpu.memref_squeeze %dma_start3A_426 : memref<1x1x8x128xf32, #tpu.memory_space<vmem>> -> memref<8x128xf32, #tpu.memory_space<vmem>>
      %dma_start3A_428 = arith.constant 0 : i32
      %dma_start3A_429 = arith.constant 0 : i32
      %dma_start3A_430 = tpu.memref_slice %arg4[%add3A_382, %dma_start3A_423, %add3A, %dma_start3A_428, %dma_start3A_429] : memref<200x4x32x8x128xf32, #tpu.memory_space<hbm>> -> memref<1x1x1x8x128xf32, #tpu.memory_space<hbm>>
      %dma_start3A_431 = tpu.memref_squeeze %dma_start3A_430 : memref<1x1x1x8x128xf32, #tpu.memory_space<hbm>> -> memref<8x128xf32, #tpu.memory_space<hbm>>
      %dma_start3A_432 = arith.constant 0 : i32
      %dma_start3A_433 = arith.constant 0 : i32
      %dma_start3A_434 = tpu.memref_slice %arg4[%add3A_382, %dma_start3A_423, %add3A, %dma_start3A_432, %dma_start3A_433] : memref<200x4x32x8x128xf32, #tpu.memory_space<hbm>> -> memref<1x1x1x8x128xf32, #tpu.memory_space<hbm>>
      %dma_start3A_435 = tpu.memref_squeeze %dma_start3A_434 : memref<1x1x1x8x128xf32, #tpu.memory_space<hbm>> -> memref<8x128xf32, #tpu.memory_space<hbm>>
      %dma_start3A_436 = arith.constant 0 : i32
      %dma_start3A_437 = arith.constant 0 : i32
      %dma_start3A_438 = tpu.memref_slice %arg7[%dma_start3A_421, %dma_start3A_422, %dma_start3A_436, %dma_start3A_437] : memref<2x4x8x128xf32, #tpu.memory_space<vmem>> -> memref<1x1x8x128xf32, #tpu.memory_space<vmem>>
      %dma_start3A_439 = tpu.memref_squeeze %dma_start3A_438 : memref<1x1x8x128xf32, #tpu.memory_space<vmem>> -> memref<8x128xf32, #tpu.memory_space<vmem>>
      tpu.enqueue_dma source(%dma_start3A_439 : memref<8x128xf32, #tpu.memory_space<vmem>>) target(%dma_start3A_435 : memref<8x128xf32, #tpu.memory_space<hbm>>) target_semaphore(%arg13 : memref<!tpu.dma_semaphore, #tpu.memory_space<semaphore_mem>>)
      %dma_start3A_440 = arith.constant 1 : i32
      %dma_start3A_441 = arith.constant 2 : i32
      %dma_start3A_442 = arith.constant 2 : i32
      %dma_start3A_443 = arith.constant 0 : i32
      %dma_start3A_444 = arith.constant 0 : i32
      %dma_start3A_445 = tpu.memref_slice %arg7[%dma_start3A_440, %dma_start3A_441, %dma_start3A_443, %dma_start3A_444] : memref<2x4x8x128xf32, #tpu.memory_space<vmem>> -> memref<1x1x8x128xf32, #tpu.memory_space<vmem>>
      %dma_start3A_446 = tpu.memref_squeeze %dma_start3A_445 : memref<1x1x8x128xf32, #tpu.memory_space<vmem>> -> memref<8x128xf32, #tpu.memory_space<vmem>>
      %dma_start3A_447 = arith.constant 0 : i32
      %dma_start3A_448 = arith.constant 0 : i32
      %dma_start3A_449 = tpu.memref_slice %arg4[%add3A_382, %dma_start3A_442, %add3A, %dma_start3A_447, %dma_start3A_448] : memref<200x4x32x8x128xf32, #tpu.memory_space<hbm>> -> memref<1x1x1x8x128xf32, #tpu.memory_space<hbm>>
      %dma_start3A_450 = tpu.memref_squeeze %dma_start3A_449 : memref<1x1x1x8x128xf32, #tpu.memory_space<hbm>> -> memref<8x128xf32, #tpu.memory_space<hbm>>
      %dma_start3A_451 = arith.constant 0 : i32
      %dma_start3A_452 = arith.constant 0 : i32
      %dma_start3A_453 = tpu.memref_slice %arg4[%add3A_382, %dma_start3A_442, %add3A, %dma_start3A_451, %dma_start3A_452] : memref<200x4x32x8x128xf32, #tpu.memory_space<hbm>> -> memref<1x1x1x8x128xf32, #tpu.memory_space<hbm>>
      %dma_start3A_454 = tpu.memref_squeeze %dma_start3A_453 : memref<1x1x1x8x128xf32, #tpu.memory_space<hbm>> -> memref<8x128xf32, #tpu.memory_space<hbm>>
      %dma_start3A_455 = arith.constant 0 : i32
      %dma_start3A_456 = arith.constant 0 : i32
      %dma_start3A_457 = tpu.memref_slice %arg7[%dma_start3A_440, %dma_start3A_441, %dma_start3A_455, %dma_start3A_456] : memref<2x4x8x128xf32, #tpu.memory_space<vmem>> -> memref<1x1x8x128xf32, #tpu.memory_space<vmem>>
      %dma_start3A_458 = tpu.memref_squeeze %dma_start3A_457 : memref<1x1x8x128xf32, #tpu.memory_space<vmem>> -> memref<8x128xf32, #tpu.memory_space<vmem>>
      tpu.enqueue_dma source(%dma_start3A_458 : memref<8x128xf32, #tpu.memory_space<vmem>>) target(%dma_start3A_454 : memref<8x128xf32, #tpu.memory_space<hbm>>) target_semaphore(%arg13 : memref<!tpu.dma_semaphore, #tpu.memory_space<semaphore_mem>>)
      %dma_start3A_459 = arith.constant 1 : i32
      %dma_start3A_460 = arith.constant 3 : i32
      %dma_start3A_461 = arith.constant 3 : i32
      %dma_start3A_462 = arith.constant 0 : i32
      %dma_start3A_463 = arith.constant 0 : i32
      %dma_start3A_464 = tpu.memref_slice %arg7[%dma_start3A_459, %dma_start3A_460, %dma_start3A_462, %dma_start3A_463] : memref<2x4x8x128xf32, #tpu.memory_space<vmem>> -> memref<1x1x8x128xf32, #tpu.memory_space<vmem>>
      %dma_start3A_465 = tpu.memref_squeeze %dma_start3A_464 : memref<1x1x8x128xf32, #tpu.memory_space<vmem>> -> memref<8x128xf32, #tpu.memory_space<vmem>>
      %dma_start3A_466 = arith.constant 0 : i32
      %dma_start3A_467 = arith.constant 0 : i32
      %dma_start3A_468 = tpu.memref_slice %arg4[%add3A_382, %dma_start3A_461, %add3A, %dma_start3A_466, %dma_start3A_467] : memref<200x4x32x8x128xf32, #tpu.memory_space<hbm>> -> memref<1x1x1x8x128xf32, #tpu.memory_space<hbm>>
      %dma_start3A_469 = tpu.memref_squeeze %dma_start3A_468 : memref<1x1x1x8x128xf32, #tpu.memory_space<hbm>> -> memref<8x128xf32, #tpu.memory_space<hbm>>
      %dma_start3A_470 = arith.constant 0 : i32
      %dma_start3A_471 = arith.constant 0 : i32
      %dma_start3A_472 = tpu.memref_slice %arg4[%add3A_382, %dma_start3A_461, %add3A, %dma_start3A_470, %dma_start3A_471] : memref<200x4x32x8x128xf32, #tpu.memory_space<hbm>> -> memref<1x1x1x8x128xf32, #tpu.memory_space<hbm>>
      %dma_start3A_473 = tpu.memref_squeeze %dma_start3A_472 : memref<1x1x1x8x128xf32, #tpu.memory_space<hbm>> -> memref<8x128xf32, #tpu.memory_space<hbm>>
      %dma_start3A_474 = arith.constant 0 : i32
      %dma_start3A_475 = arith.constant 0 : i32
      %dma_start3A_476 = tpu.memref_slice %arg7[%dma_start3A_459, %dma_start3A_460, %dma_start3A_474, %dma_start3A_475] : memref<2x4x8x128xf32, #tpu.memory_space<vmem>> -> memref<1x1x8x128xf32, #tpu.memory_space<vmem>>
      %dma_start3A_477 = tpu.memref_squeeze %dma_start3A_476 : memref<1x1x8x128xf32, #tpu.memory_space<vmem>> -> memref<8x128xf32, #tpu.memory_space<vmem>>
      tpu.enqueue_dma source(%dma_start3A_477 : memref<8x128xf32, #tpu.memory_space<vmem>>) target(%dma_start3A_473 : memref<8x128xf32, #tpu.memory_space<hbm>>) target_semaphore(%arg13 : memref<!tpu.dma_semaphore, #tpu.memory_space<semaphore_mem>>)
      %add3A_478 = arith.constant 4 : i32
      %add3A_479 = arith.addi %add3A_382, %add3A_478 : i32
      %lt3A_480 = arith.constant 200 : i32
      %lt3A_481 = arith.cmpi slt, %add3A_479, %lt3A_480 : i32
      %convert_element_type3A_482 = arith.extui %lt3A_481 : i1 to i32
      %cond3A_483 = arith.constant 0 : i32
      %cond3A_484 = arith.cmpi ne, %convert_element_type3A_482, %cond3A_483 : i32
      scf.if %cond3A_484 {
        %add3A_697 = arith.constant 4 : i32
        %add3A_698 = arith.addi %add3A_382, %add3A_697 : i32
        %dma_start3A_699 = arith.constant 1 : i32
        %dma_start3A_700 = arith.constant 0 : i32
        %dma_start3A_701 = arith.constant 0 : i32
        %dma_start3A_702 = tpu.memref_slice %arg6[%dma_start3A_699, %dma_start3A_700, %dma_start3A_701] : memref<4x128x32xf32, #tpu.memory_space<vmem>> -> memref<1x128x32xf32, #tpu.memory_space<vmem>>
        %dma_start3A_703 = tpu.memref_squeeze %dma_start3A_702 : memref<1x128x32xf32, #tpu.memory_space<vmem>> -> memref<128x32xf32, #tpu.memory_space<vmem>>
        %dma_start3A_704 = arith.constant 0 : i32
        %dma_start3A_705 = tpu.memref_slice %arg5[%add3A_698, %dma_start3A_704] : memref<200x128xi32, #tpu.memory_space<vmem>> -> memref<1x128xi32, #tpu.memory_space<vmem>>
        %dma_start3A_706 = tpu.memref_squeeze %dma_start3A_705 : memref<1x128xi32, #tpu.memory_space<vmem>> -> memref<128xi32, #tpu.memory_space<vmem>>
        %dma_start3A_707 = arith.constant 0 : i32
        %dma_start3A_708 = arith.constant 0 : i32
        %dma_start3A_709 = tpu.memref_slice %arg3[%dma_start3A_707, %dma_start3A_708] : memref<1000000x32xf32, #tpu.memory_space<hbm>> -> memref<1000000x32xf32, #tpu.memory_space<hbm>>
        tpu.enqueue_indirect_dma source(%dma_start3A_709 : memref<1000000x32xf32, #tpu.memory_space<hbm>>) target(%dma_start3A_703 : memref<128x32xf32, #tpu.memory_space<vmem>>) offsets(%dma_start3A_706 : memref<128xi32, #tpu.memory_space<vmem>>) semaphore(%arg9 : memref<!tpu.dma_semaphore, #tpu.memory_space<semaphore_mem>>)
      } else {
      }
      %mul3A_485 = arith.constant 4 : i32
      %mul3A_486 = arith.muli %scan3A_277, %mul3A_485 : i32
      %add3A_487 = arith.constant 2 : i32
      %add3A_488 = arith.addi %mul3A_486, %add3A_487 : i32
      %dma_wait3A_489 = arith.constant 2 : i32
      %dma_wait3A_490 = arith.constant 0 : i32
      %dma_wait3A_491 = arith.constant 0 : i32
      %dma_wait3A_492 = tpu.memref_slice %arg6[%dma_wait3A_489, %dma_wait3A_490, %dma_wait3A_491] : memref<4x128x32xf32, #tpu.memory_space<vmem>> -> memref<1x128x32xf32, #tpu.memory_space<vmem>>
      %dma_wait3A_493 = tpu.memref_squeeze %dma_wait3A_492 : memref<1x128x32xf32, #tpu.memory_space<vmem>> -> memref<128x32xf32, #tpu.memory_space<vmem>>
      %dma_wait3A_494 = arith.constant 0 : i32
      %dma_wait3A_495 = tpu.memref_slice %arg5[%add3A_488, %dma_wait3A_494] : memref<200x128xi32, #tpu.memory_space<vmem>> -> memref<1x128xi32, #tpu.memory_space<vmem>>
      %dma_wait3A_496 = tpu.memref_squeeze %dma_wait3A_495 : memref<1x128xi32, #tpu.memory_space<vmem>> -> memref<128xi32, #tpu.memory_space<vmem>>
      %dma_wait3A_497 = arith.constant 0 : i32
      %dma_wait3A_498 = arith.constant 0 : i32
      %dma_wait3A_499 = tpu.memref_slice %arg3[%dma_wait3A_497, %dma_wait3A_498] : memref<1000000x32xf32, #tpu.memory_space<hbm>> -> memref<1000000x32xf32, #tpu.memory_space<hbm>>
      tpu.wait_indirect_dma semaphore(%arg10 : memref<!tpu.dma_semaphore, #tpu.memory_space<semaphore_mem>>) src(%dma_wait3A_499 : memref<1000000x32xf32, #tpu.memory_space<hbm>>) dst(%dma_wait3A_493 : memref<128x32xf32, #tpu.memory_space<vmem>>)
      %ge3A_500 = arith.constant 2 : i32
      %ge3A_501 = arith.cmpi sge, %add3A_488, %ge3A_500 : i32
      %convert_element_type3A_502 = arith.extui %ge3A_501 : i1 to i32
      %cond3A_503 = arith.constant 0 : i32
      %cond3A_504 = arith.cmpi ne, %convert_element_type3A_502, %cond3A_503 : i32
      scf.if %cond3A_504 {
        %sub3A = arith.constant 2 : i32
        %sub3A_697 = arith.subi %add3A_488, %sub3A : i32
        %dma_wait3A_698 = arith.constant 0 : i32
        %dma_wait3A_699 = arith.constant 0 : i32
        %dma_wait3A_700 = arith.constant 0 : i32
        %dma_wait3A_701 = arith.constant 0 : i32
        %dma_wait3A_702 = arith.constant 0 : i32
        %dma_wait3A_703 = tpu.memref_slice %arg7[%dma_wait3A_698, %dma_wait3A_699, %dma_wait3A_701, %dma_wait3A_702] : memref<2x4x8x128xf32, #tpu.memory_space<vmem>> -> memref<1x1x8x128xf32, #tpu.memory_space<vmem>>
        %dma_wait3A_704 = tpu.memref_squeeze %dma_wait3A_703 : memref<1x1x8x128xf32, #tpu.memory_space<vmem>> -> memref<8x128xf32, #tpu.memory_space<vmem>>
        %dma_wait3A_705 = arith.constant 0 : i32
        %dma_wait3A_706 = arith.constant 0 : i32
        %dma_wait3A_707 = tpu.memref_slice %arg4[%sub3A_697, %dma_wait3A_700, %add3A, %dma_wait3A_705, %dma_wait3A_706] : memref<200x4x32x8x128xf32, #tpu.memory_space<hbm>> -> memref<1x1x1x8x128xf32, #tpu.memory_space<hbm>>
        %dma_wait3A_708 = tpu.memref_squeeze %dma_wait3A_707 : memref<1x1x1x8x128xf32, #tpu.memory_space<hbm>> -> memref<8x128xf32, #tpu.memory_space<hbm>>
        %dma_wait3A_709 = arith.constant 0 : i32
        %dma_wait3A_710 = arith.constant 0 : i32
        %dma_wait3A_711 = tpu.memref_slice %arg4[%sub3A_697, %dma_wait3A_700, %add3A, %dma_wait3A_709, %dma_wait3A_710] : memref<200x4x32x8x128xf32, #tpu.memory_space<hbm>> -> memref<1x1x1x8x128xf32, #tpu.memory_space<hbm>>
        %dma_wait3A_712 = tpu.memref_squeeze %dma_wait3A_711 : memref<1x1x1x8x128xf32, #tpu.memory_space<hbm>> -> memref<8x128xf32, #tpu.memory_space<hbm>>
        %dma_wait3A_713 = arith.constant 0 : i32
        %dma_wait3A_714 = arith.constant 0 : i32
        %dma_wait3A_715 = tpu.memref_slice %arg7[%dma_wait3A_698, %dma_wait3A_699, %dma_wait3A_713, %dma_wait3A_714] : memref<2x4x8x128xf32, #tpu.memory_space<vmem>> -> memref<1x1x8x128xf32, #tpu.memory_space<vmem>>
        %dma_wait3A_716 = tpu.memref_squeeze %dma_wait3A_715 : memref<1x1x8x128xf32, #tpu.memory_space<vmem>> -> memref<8x128xf32, #tpu.memory_space<vmem>>
        tpu.wait_dma2 semaphore(%arg12 : memref<!tpu.dma_semaphore, #tpu.memory_space<semaphore_mem>>) src(%dma_wait3A_716 : memref<8x128xf32, #tpu.memory_space<vmem>>) dst(%dma_wait3A_712 : memref<8x128xf32, #tpu.memory_space<hbm>>)
        %dma_wait3A_717 = arith.constant 0 : i32
        %dma_wait3A_718 = arith.constant 1 : i32
        %dma_wait3A_719 = arith.constant 1 : i32
        %dma_wait3A_720 = arith.constant 0 : i32
        %dma_wait3A_721 = arith.constant 0 : i32
        %dma_wait3A_722 = tpu.memref_slice %arg7[%dma_wait3A_717, %dma_wait3A_718, %dma_wait3A_720, %dma_wait3A_721] : memref<2x4x8x128xf32, #tpu.memory_space<vmem>> -> memref<1x1x8x128xf32, #tpu.memory_space<vmem>>
        %dma_wait3A_723 = tpu.memref_squeeze %dma_wait3A_722 : memref<1x1x8x128xf32, #tpu.memory_space<vmem>> -> memref<8x128xf32, #tpu.memory_space<vmem>>
        %dma_wait3A_724 = arith.constant 0 : i32
        %dma_wait3A_725 = arith.constant 0 : i32
        %dma_wait3A_726 = tpu.memref_slice %arg4[%sub3A_697, %dma_wait3A_719, %add3A, %dma_wait3A_724, %dma_wait3A_725] : memref<200x4x32x8x128xf32, #tpu.memory_space<hbm>> -> memref<1x1x1x8x128xf32, #tpu.memory_space<hbm>>
        %dma_wait3A_727 = tpu.memref_squeeze %dma_wait3A_726 : memref<1x1x1x8x128xf32, #tpu.memory_space<hbm>> -> memref<8x128xf32, #tpu.memory_space<hbm>>
        %dma_wait3A_728 = arith.constant 0 : i32
        %dma_wait3A_729 = arith.constant 0 : i32
        %dma_wait3A_730 = tpu.memref_slice %arg4[%sub3A_697, %dma_wait3A_719, %add3A, %dma_wait3A_728, %dma_wait3A_729] : memref<200x4x32x8x128xf32, #tpu.memory_space<hbm>> -> memref<1x1x1x8x128xf32, #tpu.memory_space<hbm>>
        %dma_wait3A_731 = tpu.memref_squeeze %dma_wait3A_730 : memref<1x1x1x8x128xf32, #tpu.memory_space<hbm>> -> memref<8x128xf32, #tpu.memory_space<hbm>>
        %dma_wait3A_732 = arith.constant 0 : i32
        %dma_wait3A_733 = arith.constant 0 : i32
        %dma_wait3A_734 = tpu.memref_slice %arg7[%dma_wait3A_717, %dma_wait3A_718, %dma_wait3A_732, %dma_wait3A_733] : memref<2x4x8x128xf32, #tpu.memory_space<vmem>> -> memref<1x1x8x128xf32, #tpu.memory_space<vmem>>
        %dma_wait3A_735 = tpu.memref_squeeze %dma_wait3A_734 : memref<1x1x8x128xf32, #tpu.memory_space<vmem>> -> memref<8x128xf32, #tpu.memory_space<vmem>>
        tpu.wait_dma2 semaphore(%arg12 : memref<!tpu.dma_semaphore, #tpu.memory_space<semaphore_mem>>) src(%dma_wait3A_735 : memref<8x128xf32, #tpu.memory_space<vmem>>) dst(%dma_wait3A_731 : memref<8x128xf32, #tpu.memory_space<hbm>>)
        %dma_wait3A_736 = arith.constant 0 : i32
        %dma_wait3A_737 = arith.constant 2 : i32
        %dma_wait3A_738 = arith.constant 2 : i32
        %dma_wait3A_739 = arith.constant 0 : i32
        %dma_wait3A_740 = arith.constant 0 : i32
        %dma_wait3A_741 = tpu.memref_slice %arg7[%dma_wait3A_736, %dma_wait3A_737, %dma_wait3A_739, %dma_wait3A_740] : memref<2x4x8x128xf32, #tpu.memory_space<vmem>> -> memref<1x1x8x128xf32, #tpu.memory_space<vmem>>
        %dma_wait3A_742 = tpu.memref_squeeze %dma_wait3A_741 : memref<1x1x8x128xf32, #tpu.memory_space<vmem>> -> memref<8x128xf32, #tpu.memory_space<vmem>>
        %dma_wait3A_743 = arith.constant 0 : i32
        %dma_wait3A_744 = arith.constant 0 : i32
        %dma_wait3A_745 = tpu.memref_slice %arg4[%sub3A_697, %dma_wait3A_738, %add3A, %dma_wait3A_743, %dma_wait3A_744] : memref<200x4x32x8x128xf32, #tpu.memory_space<hbm>> -> memref<1x1x1x8x128xf32, #tpu.memory_space<hbm>>
        %dma_wait3A_746 = tpu.memref_squeeze %dma_wait3A_745 : memref<1x1x1x8x128xf32, #tpu.memory_space<hbm>> -> memref<8x128xf32, #tpu.memory_space<hbm>>
        %dma_wait3A_747 = arith.constant 0 : i32
        %dma_wait3A_748 = arith.constant 0 : i32
        %dma_wait3A_749 = tpu.memref_slice %arg4[%sub3A_697, %dma_wait3A_738, %add3A, %dma_wait3A_747, %dma_wait3A_748] : memref<200x4x32x8x128xf32, #tpu.memory_space<hbm>> -> memref<1x1x1x8x128xf32, #tpu.memory_space<hbm>>
        %dma_wait3A_750 = tpu.memref_squeeze %dma_wait3A_749 : memref<1x1x1x8x128xf32, #tpu.memory_space<hbm>> -> memref<8x128xf32, #tpu.memory_space<hbm>>
        %dma_wait3A_751 = arith.constant 0 : i32
        %dma_wait3A_752 = arith.constant 0 : i32
        %dma_wait3A_753 = tpu.memref_slice %arg7[%dma_wait3A_736, %dma_wait3A_737, %dma_wait3A_751, %dma_wait3A_752] : memref<2x4x8x128xf32, #tpu.memory_space<vmem>> -> memref<1x1x8x128xf32, #tpu.memory_space<vmem>>
        %dma_wait3A_754 = tpu.memref_squeeze %dma_wait3A_753 : memref<1x1x8x128xf32, #tpu.memory_space<vmem>> -> memref<8x128xf32, #tpu.memory_space<vmem>>
        tpu.wait_dma2 semaphore(%arg12 : memref<!tpu.dma_semaphore, #tpu.memory_space<semaphore_mem>>) src(%dma_wait3A_754 : memref<8x128xf32, #tpu.memory_space<vmem>>) dst(%dma_wait3A_750 : memref<8x128xf32, #tpu.memory_space<hbm>>)
        %dma_wait3A_755 = arith.constant 0 : i32
        %dma_wait3A_756 = arith.constant 3 : i32
        %dma_wait3A_757 = arith.constant 3 : i32
        %dma_wait3A_758 = arith.constant 0 : i32
        %dma_wait3A_759 = arith.constant 0 : i32
        %dma_wait3A_760 = tpu.memref_slice %arg7[%dma_wait3A_755, %dma_wait3A_756, %dma_wait3A_758, %dma_wait3A_759] : memref<2x4x8x128xf32, #tpu.memory_space<vmem>> -> memref<1x1x8x128xf32, #tpu.memory_space<vmem>>
        %dma_wait3A_761 = tpu.memref_squeeze %dma_wait3A_760 : memref<1x1x8x128xf32, #tpu.memory_space<vmem>> -> memref<8x128xf32, #tpu.memory_space<vmem>>
        %dma_wait3A_762 = arith.constant 0 : i32
        %dma_wait3A_763 = arith.constant 0 : i32
        %dma_wait3A_764 = tpu.memref_slice %arg4[%sub3A_697, %dma_wait3A_757, %add3A, %dma_wait3A_762, %dma_wait3A_763] : memref<200x4x32x8x128xf32, #tpu.memory_space<hbm>> -> memref<1x1x1x8x128xf32, #tpu.memory_space<hbm>>
        %dma_wait3A_765 = tpu.memref_squeeze %dma_wait3A_764 : memref<1x1x1x8x128xf32, #tpu.memory_space<hbm>> -> memref<8x128xf32, #tpu.memory_space<hbm>>
        %dma_wait3A_766 = arith.constant 0 : i32
        %dma_wait3A_767 = arith.constant 0 : i32
        %dma_wait3A_768 = tpu.memref_slice %arg4[%sub3A_697, %dma_wait3A_757, %add3A, %dma_wait3A_766, %dma_wait3A_767] : memref<200x4x32x8x128xf32, #tpu.memory_space<hbm>> -> memref<1x1x1x8x128xf32, #tpu.memory_space<hbm>>
        %dma_wait3A_769 = tpu.memref_squeeze %dma_wait3A_768 : memref<1x1x1x8x128xf32, #tpu.memory_space<hbm>> -> memref<8x128xf32, #tpu.memory_space<hbm>>
        %dma_wait3A_770 = arith.constant 0 : i32
        %dma_wait3A_771 = arith.constant 0 : i32
        %dma_wait3A_772 = tpu.memref_slice %arg7[%dma_wait3A_755, %dma_wait3A_756, %dma_wait3A_770, %dma_wait3A_771] : memref<2x4x8x128xf32, #tpu.memory_space<vmem>> -> memref<1x1x8x128xf32, #tpu.memory_space<vmem>>
        %dma_wait3A_773 = tpu.memref_squeeze %dma_wait3A_772 : memref<1x1x8x128xf32, #tpu.memory_space<vmem>> -> memref<8x128xf32, #tpu.memory_space<vmem>>
        tpu.wait_dma2 semaphore(%arg12 : memref<!tpu.dma_semaphore, #tpu.memory_space<semaphore_mem>>) src(%dma_wait3A_773 : memref<8x128xf32, #tpu.memory_space<vmem>>) dst(%dma_wait3A_769 : memref<8x128xf32, #tpu.memory_space<hbm>>)
      } else {
      }
      %parallel_loop3A_505 = arith.constant 0 : i32
      %parallel_loop3A_506 = arith.constant 256 : i32
      %parallel_loop3A_507 = arith.constant 1 : i32
      scf.for %parallel_loop3A_697 = %parallel_loop3A_505 to %parallel_loop3A_506 step %parallel_loop3A_507  : i32 {
        %parallel_loop3A_698 = arith.constant 5 : i32
        %parallel_loop3A_699 = arith.shrsi %parallel_loop3A_697, %parallel_loop3A_698 : i32
        %parallel_loop3A_700 = arith.constant 31 : i32
        %parallel_loop3A_701 = arith.andi %parallel_loop3A_697, %parallel_loop3A_700 : i32
        %parallel_loop3A_702 = arith.constant 16 : i32
        %parallel_loop3A_703 = arith.muli %parallel_loop3A_699, %parallel_loop3A_702 : i32
        %parallel_loop3A_704 = vector.broadcast %parallel_loop3A_703 : i32 to vector<16xi32>
        %parallel_loop3A_705 = arith.addi %iota3A, %parallel_loop3A_704 : vector<16xi32>
        %parallel_loop3A_706 = arith.constant 0 : i32
        %parallel_loop3A_707 = vector.broadcast %parallel_loop3A_706 : i32 to vector<16xi32>
        %parallel_loop3A_708 = vector.broadcast %parallel_loop3A_701 : i32 to vector<16xi32>
        %parallel_loop3A_709 = arith.addi %parallel_loop3A_707, %parallel_loop3A_708 : vector<16xi32>
        %parallel_loop3A_710 = arith.constant 2 : i32
        %parallel_loop3A_711 = arith.constant 0 : i32
        %parallel_loop3A_712 = arith.constant 0 : i32
        %parallel_loop3A_713 = tpu.memref_slice %arg6[%parallel_loop3A_710, %parallel_loop3A_711, %parallel_loop3A_712] : memref<4x128x32xf32, #tpu.memory_space<vmem>> -> memref<1x128x32xf32, #tpu.memory_space<vmem>>
        %parallel_loop3A_714 = tpu.memref_squeeze %parallel_loop3A_713 : memref<1x128x32xf32, #tpu.memory_space<vmem>> -> memref<128x32xf32, #tpu.memory_space<vmem>>
        %parallel_loop3A_715 = tpu.vector_load_idx %parallel_loop3A_714[%parallel_loop3A_705, %parallel_loop3A_709] : memref<128x32xf32, #tpu.memory_space<vmem>>[vector<16xi32>, vector<16xi32>], vector<16xf32>,
        %parallel_loop3A_716 = arith.constant 3 : i32
        %parallel_loop3A_717 = arith.shrsi %parallel_loop3A_701, %parallel_loop3A_716 : i32
        %parallel_loop3A_718 = arith.constant 7 : i32
        %parallel_loop3A_719 = arith.andi %parallel_loop3A_701, %parallel_loop3A_718 : i32
        %parallel_loop3A_720 = arith.constant 16 : i32
        %parallel_loop3A_721 = arith.muli %parallel_loop3A_699, %parallel_loop3A_720 : i32
        %parallel_loop3A_722 = arith.constant 0 : i32
        %parallel_loop3A_723 = arith.index_cast %parallel_loop3A_722 : i32 to index
        %parallel_loop3A_724 = arith.index_cast %parallel_loop3A_717 : i32 to index
        %parallel_loop3A_725 = arith.index_cast %parallel_loop3A_719 : i32 to index
        %parallel_loop3A_726 = arith.index_cast %parallel_loop3A_721 : i32 to index
        %parallel_loop3A_727 = tpu.vector_load %arg7[%parallel_loop3A_723, %parallel_loop3A_724, %parallel_loop3A_725, %parallel_loop3A_726] {strides = array<i32>} : memref<2x4x8x128xf32, #tpu.memory_space<vmem>>, vector<16xf32>,
        tpu.vector_store %arg7[%parallel_loop3A_723, %parallel_loop3A_724, %parallel_loop3A_725, %parallel_loop3A_726], %parallel_loop3A_715 {strides = array<i32>} : memref<2x4x8x128xf32, #tpu.memory_space<vmem>>, vector<16xf32>,
      } {sc.loop_unroll_factor = 16 : i64, sc.parallel_access}
      %dma_start3A_508 = arith.constant 0 : i32
      %dma_start3A_509 = arith.constant 0 : i32
      %dma_start3A_510 = arith.constant 0 : i32
      %dma_start3A_511 = arith.constant 0 : i32
      %dma_start3A_512 = arith.constant 0 : i32
      %dma_start3A_513 = tpu.memref_slice %arg7[%dma_start3A_508, %dma_start3A_509, %dma_start3A_511, %dma_start3A_512] : memref<2x4x8x128xf32, #tpu.memory_space<vmem>> -> memref<1x1x8x128xf32, #tpu.memory_space<vmem>>
      %dma_start3A_514 = tpu.memref_squeeze %dma_start3A_513 : memref<1x1x8x128xf32, #tpu.memory_space<vmem>> -> memref<8x128xf32, #tpu.memory_space<vmem>>
      %dma_start3A_515 = arith.constant 0 : i32
      %dma_start3A_516 = arith.constant 0 : i32
      %dma_start3A_517 = tpu.memref_slice %arg4[%add3A_488, %dma_start3A_510, %add3A, %dma_start3A_515, %dma_start3A_516] : memref<200x4x32x8x128xf32, #tpu.memory_space<hbm>> -> memref<1x1x1x8x128xf32, #tpu.memory_space<hbm>>
      %dma_start3A_518 = tpu.memref_squeeze %dma_start3A_517 : memref<1x1x1x8x128xf32, #tpu.memory_space<hbm>> -> memref<8x128xf32, #tpu.memory_space<hbm>>
      %dma_start3A_519 = arith.constant 0 : i32
      %dma_start3A_520 = arith.constant 0 : i32
      %dma_start3A_521 = tpu.memref_slice %arg4[%add3A_488, %dma_start3A_510, %add3A, %dma_start3A_519, %dma_start3A_520] : memref<200x4x32x8x128xf32, #tpu.memory_space<hbm>> -> memref<1x1x1x8x128xf32, #tpu.memory_space<hbm>>
      %dma_start3A_522 = tpu.memref_squeeze %dma_start3A_521 : memref<1x1x1x8x128xf32, #tpu.memory_space<hbm>> -> memref<8x128xf32, #tpu.memory_space<hbm>>
      %dma_start3A_523 = arith.constant 0 : i32
      %dma_start3A_524 = arith.constant 0 : i32
      %dma_start3A_525 = tpu.memref_slice %arg7[%dma_start3A_508, %dma_start3A_509, %dma_start3A_523, %dma_start3A_524] : memref<2x4x8x128xf32, #tpu.memory_space<vmem>> -> memref<1x1x8x128xf32, #tpu.memory_space<vmem>>
      %dma_start3A_526 = tpu.memref_squeeze %dma_start3A_525 : memref<1x1x8x128xf32, #tpu.memory_space<vmem>> -> memref<8x128xf32, #tpu.memory_space<vmem>>
      tpu.enqueue_dma source(%dma_start3A_526 : memref<8x128xf32, #tpu.memory_space<vmem>>) target(%dma_start3A_522 : memref<8x128xf32, #tpu.memory_space<hbm>>) target_semaphore(%arg12 : memref<!tpu.dma_semaphore, #tpu.memory_space<semaphore_mem>>)
      %dma_start3A_527 = arith.constant 0 : i32
      %dma_start3A_528 = arith.constant 1 : i32
      %dma_start3A_529 = arith.constant 1 : i32
      %dma_start3A_530 = arith.constant 0 : i32
      %dma_start3A_531 = arith.constant 0 : i32
      %dma_start3A_532 = tpu.memref_slice %arg7[%dma_start3A_527, %dma_start3A_528, %dma_start3A_530, %dma_start3A_531] : memref<2x4x8x128xf32, #tpu.memory_space<vmem>> -> memref<1x1x8x128xf32, #tpu.memory_space<vmem>>
      %dma_start3A_533 = tpu.memref_squeeze %dma_start3A_532 : memref<1x1x8x128xf32, #tpu.memory_space<vmem>> -> memref<8x128xf32, #tpu.memory_space<vmem>>
      %dma_start3A_534 = arith.constant 0 : i32
      %dma_start3A_535 = arith.constant 0 : i32
      %dma_start3A_536 = tpu.memref_slice %arg4[%add3A_488, %dma_start3A_529, %add3A, %dma_start3A_534, %dma_start3A_535] : memref<200x4x32x8x128xf32, #tpu.memory_space<hbm>> -> memref<1x1x1x8x128xf32, #tpu.memory_space<hbm>>
      %dma_start3A_537 = tpu.memref_squeeze %dma_start3A_536 : memref<1x1x1x8x128xf32, #tpu.memory_space<hbm>> -> memref<8x128xf32, #tpu.memory_space<hbm>>
      %dma_start3A_538 = arith.constant 0 : i32
      %dma_start3A_539 = arith.constant 0 : i32
      %dma_start3A_540 = tpu.memref_slice %arg4[%add3A_488, %dma_start3A_529, %add3A, %dma_start3A_538, %dma_start3A_539] : memref<200x4x32x8x128xf32, #tpu.memory_space<hbm>> -> memref<1x1x1x8x128xf32, #tpu.memory_space<hbm>>
      %dma_start3A_541 = tpu.memref_squeeze %dma_start3A_540 : memref<1x1x1x8x128xf32, #tpu.memory_space<hbm>> -> memref<8x128xf32, #tpu.memory_space<hbm>>
      %dma_start3A_542 = arith.constant 0 : i32
      %dma_start3A_543 = arith.constant 0 : i32
      %dma_start3A_544 = tpu.memref_slice %arg7[%dma_start3A_527, %dma_start3A_528, %dma_start3A_542, %dma_start3A_543] : memref<2x4x8x128xf32, #tpu.memory_space<vmem>> -> memref<1x1x8x128xf32, #tpu.memory_space<vmem>>
      %dma_start3A_545 = tpu.memref_squeeze %dma_start3A_544 : memref<1x1x8x128xf32, #tpu.memory_space<vmem>> -> memref<8x128xf32, #tpu.memory_space<vmem>>
      tpu.enqueue_dma source(%dma_start3A_545 : memref<8x128xf32, #tpu.memory_space<vmem>>) target(%dma_start3A_541 : memref<8x128xf32, #tpu.memory_space<hbm>>) target_semaphore(%arg12 : memref<!tpu.dma_semaphore, #tpu.memory_space<semaphore_mem>>)
      %dma_start3A_546 = arith.constant 0 : i32
      %dma_start3A_547 = arith.constant 2 : i32
      %dma_start3A_548 = arith.constant 2 : i32
      %dma_start3A_549 = arith.constant 0 : i32
      %dma_start3A_550 = arith.constant 0 : i32
      %dma_start3A_551 = tpu.memref_slice %arg7[%dma_start3A_546, %dma_start3A_547, %dma_start3A_549, %dma_start3A_550] : memref<2x4x8x128xf32, #tpu.memory_space<vmem>> -> memref<1x1x8x128xf32, #tpu.memory_space<vmem>>
      %dma_start3A_552 = tpu.memref_squeeze %dma_start3A_551 : memref<1x1x8x128xf32, #tpu.memory_space<vmem>> -> memref<8x128xf32, #tpu.memory_space<vmem>>
      %dma_start3A_553 = arith.constant 0 : i32
      %dma_start3A_554 = arith.constant 0 : i32
      %dma_start3A_555 = tpu.memref_slice %arg4[%add3A_488, %dma_start3A_548, %add3A, %dma_start3A_553, %dma_start3A_554] : memref<200x4x32x8x128xf32, #tpu.memory_space<hbm>> -> memref<1x1x1x8x128xf32, #tpu.memory_space<hbm>>
      %dma_start3A_556 = tpu.memref_squeeze %dma_start3A_555 : memref<1x1x1x8x128xf32, #tpu.memory_space<hbm>> -> memref<8x128xf32, #tpu.memory_space<hbm>>
      %dma_start3A_557 = arith.constant 0 : i32
      %dma_start3A_558 = arith.constant 0 : i32
      %dma_start3A_559 = tpu.memref_slice %arg4[%add3A_488, %dma_start3A_548, %add3A, %dma_start3A_557, %dma_start3A_558] : memref<200x4x32x8x128xf32, #tpu.memory_space<hbm>> -> memref<1x1x1x8x128xf32, #tpu.memory_space<hbm>>
      %dma_start3A_560 = tpu.memref_squeeze %dma_start3A_559 : memref<1x1x1x8x128xf32, #tpu.memory_space<hbm>> -> memref<8x128xf32, #tpu.memory_space<hbm>>
      %dma_start3A_561 = arith.constant 0 : i32
      %dma_start3A_562 = arith.constant 0 : i32
      %dma_start3A_563 = tpu.memref_slice %arg7[%dma_start3A_546, %dma_start3A_547, %dma_start3A_561, %dma_start3A_562] : memref<2x4x8x128xf32, #tpu.memory_space<vmem>> -> memref<1x1x8x128xf32, #tpu.memory_space<vmem>>
      %dma_start3A_564 = tpu.memref_squeeze %dma_start3A_563 : memref<1x1x8x128xf32, #tpu.memory_space<vmem>> -> memref<8x128xf32, #tpu.memory_space<vmem>>
      tpu.enqueue_dma source(%dma_start3A_564 : memref<8x128xf32, #tpu.memory_space<vmem>>) target(%dma_start3A_560 : memref<8x128xf32, #tpu.memory_space<hbm>>) target_semaphore(%arg12 : memref<!tpu.dma_semaphore, #tpu.memory_space<semaphore_mem>>)
      %dma_start3A_565 = arith.constant 0 : i32
      %dma_start3A_566 = arith.constant 3 : i32
      %dma_start3A_567 = arith.constant 3 : i32
      %dma_start3A_568 = arith.constant 0 : i32
      %dma_start3A_569 = arith.constant 0 : i32
      %dma_start3A_570 = tpu.memref_slice %arg7[%dma_start3A_565, %dma_start3A_566, %dma_start3A_568, %dma_start3A_569] : memref<2x4x8x128xf32, #tpu.memory_space<vmem>> -> memref<1x1x8x128xf32, #tpu.memory_space<vmem>>
      %dma_start3A_571 = tpu.memref_squeeze %dma_start3A_570 : memref<1x1x8x128xf32, #tpu.memory_space<vmem>> -> memref<8x128xf32, #tpu.memory_space<vmem>>
      %dma_start3A_572 = arith.constant 0 : i32
      %dma_start3A_573 = arith.constant 0 : i32
      %dma_start3A_574 = tpu.memref_slice %arg4[%add3A_488, %dma_start3A_567, %add3A, %dma_start3A_572, %dma_start3A_573] : memref<200x4x32x8x128xf32, #tpu.memory_space<hbm>> -> memref<1x1x1x8x128xf32, #tpu.memory_space<hbm>>
      %dma_start3A_575 = tpu.memref_squeeze %dma_start3A_574 : memref<1x1x1x8x128xf32, #tpu.memory_space<hbm>> -> memref<8x128xf32, #tpu.memory_space<hbm>>
      %dma_start3A_576 = arith.constant 0 : i32
      %dma_start3A_577 = arith.constant 0 : i32
      %dma_start3A_578 = tpu.memref_slice %arg4[%add3A_488, %dma_start3A_567, %add3A, %dma_start3A_576, %dma_start3A_577] : memref<200x4x32x8x128xf32, #tpu.memory_space<hbm>> -> memref<1x1x1x8x128xf32, #tpu.memory_space<hbm>>
      %dma_start3A_579 = tpu.memref_squeeze %dma_start3A_578 : memref<1x1x1x8x128xf32, #tpu.memory_space<hbm>> -> memref<8x128xf32, #tpu.memory_space<hbm>>
      %dma_start3A_580 = arith.constant 0 : i32
      %dma_start3A_581 = arith.constant 0 : i32
      %dma_start3A_582 = tpu.memref_slice %arg7[%dma_start3A_565, %dma_start3A_566, %dma_start3A_580, %dma_start3A_581] : memref<2x4x8x128xf32, #tpu.memory_space<vmem>> -> memref<1x1x8x128xf32, #tpu.memory_space<vmem>>
      %dma_start3A_583 = tpu.memref_squeeze %dma_start3A_582 : memref<1x1x8x128xf32, #tpu.memory_space<vmem>> -> memref<8x128xf32, #tpu.memory_space<vmem>>
      tpu.enqueue_dma source(%dma_start3A_583 : memref<8x128xf32, #tpu.memory_space<vmem>>) target(%dma_start3A_579 : memref<8x128xf32, #tpu.memory_space<hbm>>) target_semaphore(%arg12 : memref<!tpu.dma_semaphore, #tpu.memory_space<semaphore_mem>>)
      %add3A_584 = arith.constant 4 : i32
      %add3A_585 = arith.addi %add3A_488, %add3A_584 : i32
      %lt3A_586 = arith.constant 200 : i32
      %lt3A_587 = arith.cmpi slt, %add3A_585, %lt3A_586 : i32
      %convert_element_type3A_588 = arith.extui %lt3A_587 : i1 to i32
      %cond3A_589 = arith.constant 0 : i32
      %cond3A_590 = arith.cmpi ne, %convert_element_type3A_588, %cond3A_589 : i32
      scf.if %cond3A_590 {
        %add3A_697 = arith.constant 4 : i32
        %add3A_698 = arith.addi %add3A_488, %add3A_697 : i32
        %dma_start3A_699 = arith.constant 2 : i32
        %dma_start3A_700 = arith.constant 0 : i32
        %dma_start3A_701 = arith.constant 0 : i32
        %dma_start3A_702 = tpu.memref_slice %arg6[%dma_start3A_699, %dma_start3A_700, %dma_start3A_701] : memref<4x128x32xf32, #tpu.memory_space<vmem>> -> memref<1x128x32xf32, #tpu.memory_space<vmem>>
        %dma_start3A_703 = tpu.memref_squeeze %dma_start3A_702 : memref<1x128x32xf32, #tpu.memory_space<vmem>> -> memref<128x32xf32, #tpu.memory_space<vmem>>
        %dma_start3A_704 = arith.constant 0 : i32
        %dma_start3A_705 = tpu.memref_slice %arg5[%add3A_698, %dma_start3A_704] : memref<200x128xi32, #tpu.memory_space<vmem>> -> memref<1x128xi32, #tpu.memory_space<vmem>>
        %dma_start3A_706 = tpu.memref_squeeze %dma_start3A_705 : memref<1x128xi32, #tpu.memory_space<vmem>> -> memref<128xi32, #tpu.memory_space<vmem>>
        %dma_start3A_707 = arith.constant 0 : i32
        %dma_start3A_708 = arith.constant 0 : i32
        %dma_start3A_709 = tpu.memref_slice %arg3[%dma_start3A_707, %dma_start3A_708] : memref<1000000x32xf32, #tpu.memory_space<hbm>> -> memref<1000000x32xf32, #tpu.memory_space<hbm>>
        tpu.enqueue_indirect_dma source(%dma_start3A_709 : memref<1000000x32xf32, #tpu.memory_space<hbm>>) target(%dma_start3A_703 : memref<128x32xf32, #tpu.memory_space<vmem>>) offsets(%dma_start3A_706 : memref<128xi32, #tpu.memory_space<vmem>>) semaphore(%arg10 : memref<!tpu.dma_semaphore, #tpu.memory_space<semaphore_mem>>)
      } else {
      }
      %mul3A_591 = arith.constant 4 : i32
      %mul3A_592 = arith.muli %scan3A_277, %mul3A_591 : i32
      %add3A_593 = arith.constant 3 : i32
      %add3A_594 = arith.addi %mul3A_592, %add3A_593 : i32
      %dma_wait3A_595 = arith.constant 3 : i32
      %dma_wait3A_596 = arith.constant 0 : i32
      %dma_wait3A_597 = arith.constant 0 : i32
      %dma_wait3A_598 = tpu.memref_slice %arg6[%dma_wait3A_595, %dma_wait3A_596, %dma_wait3A_597] : memref<4x128x32xf32, #tpu.memory_space<vmem>> -> memref<1x128x32xf32, #tpu.memory_space<vmem>>
      %dma_wait3A_599 = tpu.memref_squeeze %dma_wait3A_598 : memref<1x128x32xf32, #tpu.memory_space<vmem>> -> memref<128x32xf32, #tpu.memory_space<vmem>>
      %dma_wait3A_600 = arith.constant 0 : i32
      %dma_wait3A_601 = tpu.memref_slice %arg5[%add3A_594, %dma_wait3A_600] : memref<200x128xi32, #tpu.memory_space<vmem>> -> memref<1x128xi32, #tpu.memory_space<vmem>>
      %dma_wait3A_602 = tpu.memref_squeeze %dma_wait3A_601 : memref<1x128xi32, #tpu.memory_space<vmem>> -> memref<128xi32, #tpu.memory_space<vmem>>
      %dma_wait3A_603 = arith.constant 0 : i32
      %dma_wait3A_604 = arith.constant 0 : i32
      %dma_wait3A_605 = tpu.memref_slice %arg3[%dma_wait3A_603, %dma_wait3A_604] : memref<1000000x32xf32, #tpu.memory_space<hbm>> -> memref<1000000x32xf32, #tpu.memory_space<hbm>>
      tpu.wait_indirect_dma semaphore(%arg11 : memref<!tpu.dma_semaphore, #tpu.memory_space<semaphore_mem>>) src(%dma_wait3A_605 : memref<1000000x32xf32, #tpu.memory_space<hbm>>) dst(%dma_wait3A_599 : memref<128x32xf32, #tpu.memory_space<vmem>>)
      %ge3A_606 = arith.constant 2 : i32
      %ge3A_607 = arith.cmpi sge, %add3A_594, %ge3A_606 : i32
      %convert_element_type3A_608 = arith.extui %ge3A_607 : i1 to i32
      %cond3A_609 = arith.constant 0 : i32
      %cond3A_610 = arith.cmpi ne, %convert_element_type3A_608, %cond3A_609 : i32
      scf.if %cond3A_610 {
        %sub3A = arith.constant 2 : i32
        %sub3A_697 = arith.subi %add3A_594, %sub3A : i32
        %dma_wait3A_698 = arith.constant 1 : i32
        %dma_wait3A_699 = arith.constant 0 : i32
        %dma_wait3A_700 = arith.constant 0 : i32
        %dma_wait3A_701 = arith.constant 0 : i32
        %dma_wait3A_702 = arith.constant 0 : i32
        %dma_wait3A_703 = tpu.memref_slice %arg7[%dma_wait3A_698, %dma_wait3A_699, %dma_wait3A_701, %dma_wait3A_702] : memref<2x4x8x128xf32, #tpu.memory_space<vmem>> -> memref<1x1x8x128xf32, #tpu.memory_space<vmem>>
        %dma_wait3A_704 = tpu.memref_squeeze %dma_wait3A_703 : memref<1x1x8x128xf32, #tpu.memory_space<vmem>> -> memref<8x128xf32, #tpu.memory_space<vmem>>
        %dma_wait3A_705 = arith.constant 0 : i32
        %dma_wait3A_706 = arith.constant 0 : i32
        %dma_wait3A_707 = tpu.memref_slice %arg4[%sub3A_697, %dma_wait3A_700, %add3A, %dma_wait3A_705, %dma_wait3A_706] : memref<200x4x32x8x128xf32, #tpu.memory_space<hbm>> -> memref<1x1x1x8x128xf32, #tpu.memory_space<hbm>>
        %dma_wait3A_708 = tpu.memref_squeeze %dma_wait3A_707 : memref<1x1x1x8x128xf32, #tpu.memory_space<hbm>> -> memref<8x128xf32, #tpu.memory_space<hbm>>
        %dma_wait3A_709 = arith.constant 0 : i32
        %dma_wait3A_710 = arith.constant 0 : i32
        %dma_wait3A_711 = tpu.memref_slice %arg4[%sub3A_697, %dma_wait3A_700, %add3A, %dma_wait3A_709, %dma_wait3A_710] : memref<200x4x32x8x128xf32, #tpu.memory_space<hbm>> -> memref<1x1x1x8x128xf32, #tpu.memory_space<hbm>>
        %dma_wait3A_712 = tpu.memref_squeeze %dma_wait3A_711 : memref<1x1x1x8x128xf32, #tpu.memory_space<hbm>> -> memref<8x128xf32, #tpu.memory_space<hbm>>
        %dma_wait3A_713 = arith.constant 0 : i32
        %dma_wait3A_714 = arith.constant 0 : i32
        %dma_wait3A_715 = tpu.memref_slice %arg7[%dma_wait3A_698, %dma_wait3A_699, %dma_wait3A_713, %dma_wait3A_714] : memref<2x4x8x128xf32, #tpu.memory_space<vmem>> -> memref<1x1x8x128xf32, #tpu.memory_space<vmem>>
        %dma_wait3A_716 = tpu.memref_squeeze %dma_wait3A_715 : memref<1x1x8x128xf32, #tpu.memory_space<vmem>> -> memref<8x128xf32, #tpu.memory_space<vmem>>
        tpu.wait_dma2 semaphore(%arg13 : memref<!tpu.dma_semaphore, #tpu.memory_space<semaphore_mem>>) src(%dma_wait3A_716 : memref<8x128xf32, #tpu.memory_space<vmem>>) dst(%dma_wait3A_712 : memref<8x128xf32, #tpu.memory_space<hbm>>)
        %dma_wait3A_717 = arith.constant 1 : i32
        %dma_wait3A_718 = arith.constant 1 : i32
        %dma_wait3A_719 = arith.constant 1 : i32
        %dma_wait3A_720 = arith.constant 0 : i32
        %dma_wait3A_721 = arith.constant 0 : i32
        %dma_wait3A_722 = tpu.memref_slice %arg7[%dma_wait3A_717, %dma_wait3A_718, %dma_wait3A_720, %dma_wait3A_721] : memref<2x4x8x128xf32, #tpu.memory_space<vmem>> -> memref<1x1x8x128xf32, #tpu.memory_space<vmem>>
        %dma_wait3A_723 = tpu.memref_squeeze %dma_wait3A_722 : memref<1x1x8x128xf32, #tpu.memory_space<vmem>> -> memref<8x128xf32, #tpu.memory_space<vmem>>
        %dma_wait3A_724 = arith.constant 0 : i32
        %dma_wait3A_725 = arith.constant 0 : i32
        %dma_wait3A_726 = tpu.memref_slice %arg4[%sub3A_697, %dma_wait3A_719, %add3A, %dma_wait3A_724, %dma_wait3A_725] : memref<200x4x32x8x128xf32, #tpu.memory_space<hbm>> -> memref<1x1x1x8x128xf32, #tpu.memory_space<hbm>>
        %dma_wait3A_727 = tpu.memref_squeeze %dma_wait3A_726 : memref<1x1x1x8x128xf32, #tpu.memory_space<hbm>> -> memref<8x128xf32, #tpu.memory_space<hbm>>
        %dma_wait3A_728 = arith.constant 0 : i32
        %dma_wait3A_729 = arith.constant 0 : i32
        %dma_wait3A_730 = tpu.memref_slice %arg4[%sub3A_697, %dma_wait3A_719, %add3A, %dma_wait3A_728, %dma_wait3A_729] : memref<200x4x32x8x128xf32, #tpu.memory_space<hbm>> -> memref<1x1x1x8x128xf32, #tpu.memory_space<hbm>>
        %dma_wait3A_731 = tpu.memref_squeeze %dma_wait3A_730 : memref<1x1x1x8x128xf32, #tpu.memory_space<hbm>> -> memref<8x128xf32, #tpu.memory_space<hbm>>
        %dma_wait3A_732 = arith.constant 0 : i32
        %dma_wait3A_733 = arith.constant 0 : i32
        %dma_wait3A_734 = tpu.memref_slice %arg7[%dma_wait3A_717, %dma_wait3A_718, %dma_wait3A_732, %dma_wait3A_733] : memref<2x4x8x128xf32, #tpu.memory_space<vmem>> -> memref<1x1x8x128xf32, #tpu.memory_space<vmem>>
        %dma_wait3A_735 = tpu.memref_squeeze %dma_wait3A_734 : memref<1x1x8x128xf32, #tpu.memory_space<vmem>> -> memref<8x128xf32, #tpu.memory_space<vmem>>
        tpu.wait_dma2 semaphore(%arg13 : memref<!tpu.dma_semaphore, #tpu.memory_space<semaphore_mem>>) src(%dma_wait3A_735 : memref<8x128xf32, #tpu.memory_space<vmem>>) dst(%dma_wait3A_731 : memref<8x128xf32, #tpu.memory_space<hbm>>)
        %dma_wait3A_736 = arith.constant 1 : i32
        %dma_wait3A_737 = arith.constant 2 : i32
        %dma_wait3A_738 = arith.constant 2 : i32
        %dma_wait3A_739 = arith.constant 0 : i32
        %dma_wait3A_740 = arith.constant 0 : i32
        %dma_wait3A_741 = tpu.memref_slice %arg7[%dma_wait3A_736, %dma_wait3A_737, %dma_wait3A_739, %dma_wait3A_740] : memref<2x4x8x128xf32, #tpu.memory_space<vmem>> -> memref<1x1x8x128xf32, #tpu.memory_space<vmem>>
        %dma_wait3A_742 = tpu.memref_squeeze %dma_wait3A_741 : memref<1x1x8x128xf32, #tpu.memory_space<vmem>> -> memref<8x128xf32, #tpu.memory_space<vmem>>
        %dma_wait3A_743 = arith.constant 0 : i32
        %dma_wait3A_744 = arith.constant 0 : i32
        %dma_wait3A_745 = tpu.memref_slice %arg4[%sub3A_697, %dma_wait3A_738, %add3A, %dma_wait3A_743, %dma_wait3A_744] : memref<200x4x32x8x128xf32, #tpu.memory_space<hbm>> -> memref<1x1x1x8x128xf32, #tpu.memory_space<hbm>>
        %dma_wait3A_746 = tpu.memref_squeeze %dma_wait3A_745 : memref<1x1x1x8x128xf32, #tpu.memory_space<hbm>> -> memref<8x128xf32, #tpu.memory_space<hbm>>
        %dma_wait3A_747 = arith.constant 0 : i32
        %dma_wait3A_748 = arith.constant 0 : i32
        %dma_wait3A_749 = tpu.memref_slice %arg4[%sub3A_697, %dma_wait3A_738, %add3A, %dma_wait3A_747, %dma_wait3A_748] : memref<200x4x32x8x128xf32, #tpu.memory_space<hbm>> -> memref<1x1x1x8x128xf32, #tpu.memory_space<hbm>>
        %dma_wait3A_750 = tpu.memref_squeeze %dma_wait3A_749 : memref<1x1x1x8x128xf32, #tpu.memory_space<hbm>> -> memref<8x128xf32, #tpu.memory_space<hbm>>
        %dma_wait3A_751 = arith.constant 0 : i32
        %dma_wait3A_752 = arith.constant 0 : i32
        %dma_wait3A_753 = tpu.memref_slice %arg7[%dma_wait3A_736, %dma_wait3A_737, %dma_wait3A_751, %dma_wait3A_752] : memref<2x4x8x128xf32, #tpu.memory_space<vmem>> -> memref<1x1x8x128xf32, #tpu.memory_space<vmem>>
        %dma_wait3A_754 = tpu.memref_squeeze %dma_wait3A_753 : memref<1x1x8x128xf32, #tpu.memory_space<vmem>> -> memref<8x128xf32, #tpu.memory_space<vmem>>
        tpu.wait_dma2 semaphore(%arg13 : memref<!tpu.dma_semaphore, #tpu.memory_space<semaphore_mem>>) src(%dma_wait3A_754 : memref<8x128xf32, #tpu.memory_space<vmem>>) dst(%dma_wait3A_750 : memref<8x128xf32, #tpu.memory_space<hbm>>)
        %dma_wait3A_755 = arith.constant 1 : i32
        %dma_wait3A_756 = arith.constant 3 : i32
        %dma_wait3A_757 = arith.constant 3 : i32
        %dma_wait3A_758 = arith.constant 0 : i32
        %dma_wait3A_759 = arith.constant 0 : i32
        %dma_wait3A_760 = tpu.memref_slice %arg7[%dma_wait3A_755, %dma_wait3A_756, %dma_wait3A_758, %dma_wait3A_759] : memref<2x4x8x128xf32, #tpu.memory_space<vmem>> -> memref<1x1x8x128xf32, #tpu.memory_space<vmem>>
        %dma_wait3A_761 = tpu.memref_squeeze %dma_wait3A_760 : memref<1x1x8x128xf32, #tpu.memory_space<vmem>> -> memref<8x128xf32, #tpu.memory_space<vmem>>
        %dma_wait3A_762 = arith.constant 0 : i32
        %dma_wait3A_763 = arith.constant 0 : i32
        %dma_wait3A_764 = tpu.memref_slice %arg4[%sub3A_697, %dma_wait3A_757, %add3A, %dma_wait3A_762, %dma_wait3A_763] : memref<200x4x32x8x128xf32, #tpu.memory_space<hbm>> -> memref<1x1x1x8x128xf32, #tpu.memory_space<hbm>>
        %dma_wait3A_765 = tpu.memref_squeeze %dma_wait3A_764 : memref<1x1x1x8x128xf32, #tpu.memory_space<hbm>> -> memref<8x128xf32, #tpu.memory_space<hbm>>
        %dma_wait3A_766 = arith.constant 0 : i32
        %dma_wait3A_767 = arith.constant 0 : i32
        %dma_wait3A_768 = tpu.memref_slice %arg4[%sub3A_697, %dma_wait3A_757, %add3A, %dma_wait3A_766, %dma_wait3A_767] : memref<200x4x32x8x128xf32, #tpu.memory_space<hbm>> -> memref<1x1x1x8x128xf32, #tpu.memory_space<hbm>>
        %dma_wait3A_769 = tpu.memref_squeeze %dma_wait3A_768 : memref<1x1x1x8x128xf32, #tpu.memory_space<hbm>> -> memref<8x128xf32, #tpu.memory_space<hbm>>
        %dma_wait3A_770 = arith.constant 0 : i32
        %dma_wait3A_771 = arith.constant 0 : i32
        %dma_wait3A_772 = tpu.memref_slice %arg7[%dma_wait3A_755, %dma_wait3A_756, %dma_wait3A_770, %dma_wait3A_771] : memref<2x4x8x128xf32, #tpu.memory_space<vmem>> -> memref<1x1x8x128xf32, #tpu.memory_space<vmem>>
        %dma_wait3A_773 = tpu.memref_squeeze %dma_wait3A_772 : memref<1x1x8x128xf32, #tpu.memory_space<vmem>> -> memref<8x128xf32, #tpu.memory_space<vmem>>
        tpu.wait_dma2 semaphore(%arg13 : memref<!tpu.dma_semaphore, #tpu.memory_space<semaphore_mem>>) src(%dma_wait3A_773 : memref<8x128xf32, #tpu.memory_space<vmem>>) dst(%dma_wait3A_769 : memref<8x128xf32, #tpu.memory_space<hbm>>)
      } else {
      }
      %parallel_loop3A_611 = arith.constant 0 : i32
      %parallel_loop3A_612 = arith.constant 256 : i32
      %parallel_loop3A_613 = arith.constant 1 : i32
      scf.for %parallel_loop3A_697 = %parallel_loop3A_611 to %parallel_loop3A_612 step %parallel_loop3A_613  : i32 {
        %parallel_loop3A_698 = arith.constant 5 : i32
        %parallel_loop3A_699 = arith.shrsi %parallel_loop3A_697, %parallel_loop3A_698 : i32
        %parallel_loop3A_700 = arith.constant 31 : i32
        %parallel_loop3A_701 = arith.andi %parallel_loop3A_697, %parallel_loop3A_700 : i32
        %parallel_loop3A_702 = arith.constant 16 : i32
        %parallel_loop3A_703 = arith.muli %parallel_loop3A_699, %parallel_loop3A_702 : i32
        %parallel_loop3A_704 = vector.broadcast %parallel_loop3A_703 : i32 to vector<16xi32>
        %parallel_loop3A_705 = arith.addi %iota3A, %parallel_loop3A_704 : vector<16xi32>
        %parallel_loop3A_706 = arith.constant 0 : i32
        %parallel_loop3A_707 = vector.broadcast %parallel_loop3A_706 : i32 to vector<16xi32>
        %parallel_loop3A_708 = vector.broadcast %parallel_loop3A_701 : i32 to vector<16xi32>
        %parallel_loop3A_709 = arith.addi %parallel_loop3A_707, %parallel_loop3A_708 : vector<16xi32>
        %parallel_loop3A_710 = arith.constant 3 : i32
        %parallel_loop3A_711 = arith.constant 0 : i32
        %parallel_loop3A_712 = arith.constant 0 : i32
        %parallel_loop3A_713 = tpu.memref_slice %arg6[%parallel_loop3A_710, %parallel_loop3A_711, %parallel_loop3A_712] : memref<4x128x32xf32, #tpu.memory_space<vmem>> -> memref<1x128x32xf32, #tpu.memory_space<vmem>>
        %parallel_loop3A_714 = tpu.memref_squeeze %parallel_loop3A_713 : memref<1x128x32xf32, #tpu.memory_space<vmem>> -> memref<128x32xf32, #tpu.memory_space<vmem>>
        %parallel_loop3A_715 = tpu.vector_load_idx %parallel_loop3A_714[%parallel_loop3A_705, %parallel_loop3A_709] : memref<128x32xf32, #tpu.memory_space<vmem>>[vector<16xi32>, vector<16xi32>], vector<16xf32>,
        %parallel_loop3A_716 = arith.constant 3 : i32
        %parallel_loop3A_717 = arith.shrsi %parallel_loop3A_701, %parallel_loop3A_716 : i32
        %parallel_loop3A_718 = arith.constant 7 : i32
        %parallel_loop3A_719 = arith.andi %parallel_loop3A_701, %parallel_loop3A_718 : i32
        %parallel_loop3A_720 = arith.constant 16 : i32
        %parallel_loop3A_721 = arith.muli %parallel_loop3A_699, %parallel_loop3A_720 : i32
        %parallel_loop3A_722 = arith.constant 1 : i32
        %parallel_loop3A_723 = arith.index_cast %parallel_loop3A_722 : i32 to index
        %parallel_loop3A_724 = arith.index_cast %parallel_loop3A_717 : i32 to index
        %parallel_loop3A_725 = arith.index_cast %parallel_loop3A_719 : i32 to index
        %parallel_loop3A_726 = arith.index_cast %parallel_loop3A_721 : i32 to index
        %parallel_loop3A_727 = tpu.vector_load %arg7[%parallel_loop3A_723, %parallel_loop3A_724, %parallel_loop3A_725, %parallel_loop3A_726] {strides = array<i32>} : memref<2x4x8x128xf32, #tpu.memory_space<vmem>>, vector<16xf32>,
        tpu.vector_store %arg7[%parallel_loop3A_723, %parallel_loop3A_724, %parallel_loop3A_725, %parallel_loop3A_726], %parallel_loop3A_715 {strides = array<i32>} : memref<2x4x8x128xf32, #tpu.memory_space<vmem>>, vector<16xf32>,
      } {sc.loop_unroll_factor = 16 : i64, sc.parallel_access}
      %dma_start3A_614 = arith.constant 1 : i32
      %dma_start3A_615 = arith.constant 0 : i32
      %dma_start3A_616 = arith.constant 0 : i32
      %dma_start3A_617 = arith.constant 0 : i32
      %dma_start3A_618 = arith.constant 0 : i32
      %dma_start3A_619 = tpu.memref_slice %arg7[%dma_start3A_614, %dma_start3A_615, %dma_start3A_617, %dma_start3A_618] : memref<2x4x8x128xf32, #tpu.memory_space<vmem>> -> memref<1x1x8x128xf32, #tpu.memory_space<vmem>>
      %dma_start3A_620 = tpu.memref_squeeze %dma_start3A_619 : memref<1x1x8x128xf32, #tpu.memory_space<vmem>> -> memref<8x128xf32, #tpu.memory_space<vmem>>
      %dma_start3A_621 = arith.constant 0 : i32
      %dma_start3A_622 = arith.constant 0 : i32
      %dma_start3A_623 = tpu.memref_slice %arg4[%add3A_594, %dma_start3A_616, %add3A, %dma_start3A_621, %dma_start3A_622] : memref<200x4x32x8x128xf32, #tpu.memory_space<hbm>> -> memref<1x1x1x8x128xf32, #tpu.memory_space<hbm>>
      %dma_start3A_624 = tpu.memref_squeeze %dma_start3A_623 : memref<1x1x1x8x128xf32, #tpu.memory_space<hbm>> -> memref<8x128xf32, #tpu.memory_space<hbm>>
      %dma_start3A_625 = arith.constant 0 : i32
      %dma_start3A_626 = arith.constant 0 : i32
      %dma_start3A_627 = tpu.memref_slice %arg4[%add3A_594, %dma_start3A_616, %add3A, %dma_start3A_625, %dma_start3A_626] : memref<200x4x32x8x128xf32, #tpu.memory_space<hbm>> -> memref<1x1x1x8x128xf32, #tpu.memory_space<hbm>>
      %dma_start3A_628 = tpu.memref_squeeze %dma_start3A_627 : memref<1x1x1x8x128xf32, #tpu.memory_space<hbm>> -> memref<8x128xf32, #tpu.memory_space<hbm>>
      %dma_start3A_629 = arith.constant 0 : i32
      %dma_start3A_630 = arith.constant 0 : i32
      %dma_start3A_631 = tpu.memref_slice %arg7[%dma_start3A_614, %dma_start3A_615, %dma_start3A_629, %dma_start3A_630] : memref<2x4x8x128xf32, #tpu.memory_space<vmem>> -> memref<1x1x8x128xf32, #tpu.memory_space<vmem>>
      %dma_start3A_632 = tpu.memref_squeeze %dma_start3A_631 : memref<1x1x8x128xf32, #tpu.memory_space<vmem>> -> memref<8x128xf32, #tpu.memory_space<vmem>>
      tpu.enqueue_dma source(%dma_start3A_632 : memref<8x128xf32, #tpu.memory_space<vmem>>) target(%dma_start3A_628 : memref<8x128xf32, #tpu.memory_space<hbm>>) target_semaphore(%arg13 : memref<!tpu.dma_semaphore, #tpu.memory_space<semaphore_mem>>)
      %dma_start3A_633 = arith.constant 1 : i32
      %dma_start3A_634 = arith.constant 1 : i32
      %dma_start3A_635 = arith.constant 1 : i32
      %dma_start3A_636 = arith.constant 0 : i32
      %dma_start3A_637 = arith.constant 0 : i32
      %dma_start3A_638 = tpu.memref_slice %arg7[%dma_start3A_633, %dma_start3A_634, %dma_start3A_636, %dma_start3A_637] : memref<2x4x8x128xf32, #tpu.memory_space<vmem>> -> memref<1x1x8x128xf32, #tpu.memory_space<vmem>>
      %dma_start3A_639 = tpu.memref_squeeze %dma_start3A_638 : memref<1x1x8x128xf32, #tpu.memory_space<vmem>> -> memref<8x128xf32, #tpu.memory_space<vmem>>
      %dma_start3A_640 = arith.constant 0 : i32
      %dma_start3A_641 = arith.constant 0 : i32
      %dma_start3A_642 = tpu.memref_slice %arg4[%add3A_594, %dma_start3A_635, %add3A, %dma_start3A_640, %dma_start3A_641] : memref<200x4x32x8x128xf32, #tpu.memory_space<hbm>> -> memref<1x1x1x8x128xf32, #tpu.memory_space<hbm>>
      %dma_start3A_643 = tpu.memref_squeeze %dma_start3A_642 : memref<1x1x1x8x128xf32, #tpu.memory_space<hbm>> -> memref<8x128xf32, #tpu.memory_space<hbm>>
      %dma_start3A_644 = arith.constant 0 : i32
      %dma_start3A_645 = arith.constant 0 : i32
      %dma_start3A_646 = tpu.memref_slice %arg4[%add3A_594, %dma_start3A_635, %add3A, %dma_start3A_644, %dma_start3A_645] : memref<200x4x32x8x128xf32, #tpu.memory_space<hbm>> -> memref<1x1x1x8x128xf32, #tpu.memory_space<hbm>>
      %dma_start3A_647 = tpu.memref_squeeze %dma_start3A_646 : memref<1x1x1x8x128xf32, #tpu.memory_space<hbm>> -> memref<8x128xf32, #tpu.memory_space<hbm>>
      %dma_start3A_648 = arith.constant 0 : i32
      %dma_start3A_649 = arith.constant 0 : i32
      %dma_start3A_650 = tpu.memref_slice %arg7[%dma_start3A_633, %dma_start3A_634, %dma_start3A_648, %dma_start3A_649] : memref<2x4x8x128xf32, #tpu.memory_space<vmem>> -> memref<1x1x8x128xf32, #tpu.memory_space<vmem>>
      %dma_start3A_651 = tpu.memref_squeeze %dma_start3A_650 : memref<1x1x8x128xf32, #tpu.memory_space<vmem>> -> memref<8x128xf32, #tpu.memory_space<vmem>>
      tpu.enqueue_dma source(%dma_start3A_651 : memref<8x128xf32, #tpu.memory_space<vmem>>) target(%dma_start3A_647 : memref<8x128xf32, #tpu.memory_space<hbm>>) target_semaphore(%arg13 : memref<!tpu.dma_semaphore, #tpu.memory_space<semaphore_mem>>)
      %dma_start3A_652 = arith.constant 1 : i32
      %dma_start3A_653 = arith.constant 2 : i32
      %dma_start3A_654 = arith.constant 2 : i32
      %dma_start3A_655 = arith.constant 0 : i32
      %dma_start3A_656 = arith.constant 0 : i32
      %dma_start3A_657 = tpu.memref_slice %arg7[%dma_start3A_652, %dma_start3A_653, %dma_start3A_655, %dma_start3A_656] : memref<2x4x8x128xf32, #tpu.memory_space<vmem>> -> memref<1x1x8x128xf32, #tpu.memory_space<vmem>>
      %dma_start3A_658 = tpu.memref_squeeze %dma_start3A_657 : memref<1x1x8x128xf32, #tpu.memory_space<vmem>> -> memref<8x128xf32, #tpu.memory_space<vmem>>
      %dma_start3A_659 = arith.constant 0 : i32
      %dma_start3A_660 = arith.constant 0 : i32
      %dma_start3A_661 = tpu.memref_slice %arg4[%add3A_594, %dma_start3A_654, %add3A, %dma_start3A_659, %dma_start3A_660] : memref<200x4x32x8x128xf32, #tpu.memory_space<hbm>> -> memref<1x1x1x8x128xf32, #tpu.memory_space<hbm>>
      %dma_start3A_662 = tpu.memref_squeeze %dma_start3A_661 : memref<1x1x1x8x128xf32, #tpu.memory_space<hbm>> -> memref<8x128xf32, #tpu.memory_space<hbm>>
      %dma_start3A_663 = arith.constant 0 : i32
      %dma_start3A_664 = arith.constant 0 : i32
      %dma_start3A_665 = tpu.memref_slice %arg4[%add3A_594, %dma_start3A_654, %add3A, %dma_start3A_663, %dma_start3A_664] : memref<200x4x32x8x128xf32, #tpu.memory_space<hbm>> -> memref<1x1x1x8x128xf32, #tpu.memory_space<hbm>>
      %dma_start3A_666 = tpu.memref_squeeze %dma_start3A_665 : memref<1x1x1x8x128xf32, #tpu.memory_space<hbm>> -> memref<8x128xf32, #tpu.memory_space<hbm>>
      %dma_start3A_667 = arith.constant 0 : i32
      %dma_start3A_668 = arith.constant 0 : i32
      %dma_start3A_669 = tpu.memref_slice %arg7[%dma_start3A_652, %dma_start3A_653, %dma_start3A_667, %dma_start3A_668] : memref<2x4x8x128xf32, #tpu.memory_space<vmem>> -> memref<1x1x8x128xf32, #tpu.memory_space<vmem>>
      %dma_start3A_670 = tpu.memref_squeeze %dma_start3A_669 : memref<1x1x8x128xf32, #tpu.memory_space<vmem>> -> memref<8x128xf32, #tpu.memory_space<vmem>>
      tpu.enqueue_dma source(%dma_start3A_670 : memref<8x128xf32, #tpu.memory_space<vmem>>) target(%dma_start3A_666 : memref<8x128xf32, #tpu.memory_space<hbm>>) target_semaphore(%arg13 : memref<!tpu.dma_semaphore, #tpu.memory_space<semaphore_mem>>)
      %dma_start3A_671 = arith.constant 1 : i32
      %dma_start3A_672 = arith.constant 3 : i32
      %dma_start3A_673 = arith.constant 3 : i32
      %dma_start3A_674 = arith.constant 0 : i32
      %dma_start3A_675 = arith.constant 0 : i32
      %dma_start3A_676 = tpu.memref_slice %arg7[%dma_start3A_671, %dma_start3A_672, %dma_start3A_674, %dma_start3A_675] : memref<2x4x8x128xf32, #tpu.memory_space<vmem>> -> memref<1x1x8x128xf32, #tpu.memory_space<vmem>>
      %dma_start3A_677 = tpu.memref_squeeze %dma_start3A_676 : memref<1x1x8x128xf32, #tpu.memory_space<vmem>> -> memref<8x128xf32, #tpu.memory_space<vmem>>
      %dma_start3A_678 = arith.constant 0 : i32
      %dma_start3A_679 = arith.constant 0 : i32
      %dma_start3A_680 = tpu.memref_slice %arg4[%add3A_594, %dma_start3A_673, %add3A, %dma_start3A_678, %dma_start3A_679] : memref<200x4x32x8x128xf32, #tpu.memory_space<hbm>> -> memref<1x1x1x8x128xf32, #tpu.memory_space<hbm>>
      %dma_start3A_681 = tpu.memref_squeeze %dma_start3A_680 : memref<1x1x1x8x128xf32, #tpu.memory_space<hbm>> -> memref<8x128xf32, #tpu.memory_space<hbm>>
      %dma_start3A_682 = arith.constant 0 : i32
      %dma_start3A_683 = arith.constant 0 : i32
      %dma_start3A_684 = tpu.memref_slice %arg4[%add3A_594, %dma_start3A_673, %add3A, %dma_start3A_682, %dma_start3A_683] : memref<200x4x32x8x128xf32, #tpu.memory_space<hbm>> -> memref<1x1x1x8x128xf32, #tpu.memory_space<hbm>>
      %dma_start3A_685 = tpu.memref_squeeze %dma_start3A_684 : memref<1x1x1x8x128xf32, #tpu.memory_space<hbm>> -> memref<8x128xf32, #tpu.memory_space<hbm>>
      %dma_start3A_686 = arith.constant 0 : i32
      %dma_start3A_687 = arith.constant 0 : i32
      %dma_start3A_688 = tpu.memref_slice %arg7[%dma_start3A_671, %dma_start3A_672, %dma_start3A_686, %dma_start3A_687] : memref<2x4x8x128xf32, #tpu.memory_space<vmem>> -> memref<1x1x8x128xf32, #tpu.memory_space<vmem>>
      %dma_start3A_689 = tpu.memref_squeeze %dma_start3A_688 : memref<1x1x8x128xf32, #tpu.memory_space<vmem>> -> memref<8x128xf32, #tpu.memory_space<vmem>>
      tpu.enqueue_dma source(%dma_start3A_689 : memref<8x128xf32, #tpu.memory_space<vmem>>) target(%dma_start3A_685 : memref<8x128xf32, #tpu.memory_space<hbm>>) target_semaphore(%arg13 : memref<!tpu.dma_semaphore, #tpu.memory_space<semaphore_mem>>)
      %add3A_690 = arith.constant 4 : i32
      %add3A_691 = arith.addi %add3A_594, %add3A_690 : i32
      %lt3A_692 = arith.constant 200 : i32
      %lt3A_693 = arith.cmpi slt, %add3A_691, %lt3A_692 : i32
      %convert_element_type3A_694 = arith.extui %lt3A_693 : i1 to i32
      %cond3A_695 = arith.constant 0 : i32
      %cond3A_696 = arith.cmpi ne, %convert_element_type3A_694, %cond3A_695 : i32
      scf.if %cond3A_696 {
        %add3A_697 = arith.constant 4 : i32
        %add3A_698 = arith.addi %add3A_594, %add3A_697 : i32
        %dma_start3A_699 = arith.constant 3 : i32
        %dma_start3A_700 = arith.constant 0 : i32
        %dma_start3A_701 = arith.constant 0 : i32
        %dma_start3A_702 = tpu.memref_slice %arg6[%dma_start3A_699, %dma_start3A_700, %dma_start3A_701] : memref<4x128x32xf32, #tpu.memory_space<vmem>> -> memref<1x128x32xf32, #tpu.memory_space<vmem>>
        %dma_start3A_703 = tpu.memref_squeeze %dma_start3A_702 : memref<1x128x32xf32, #tpu.memory_space<vmem>> -> memref<128x32xf32, #tpu.memory_space<vmem>>
        %dma_start3A_704 = arith.constant 0 : i32
        %dma_start3A_705 = tpu.memref_slice %arg5[%add3A_698, %dma_start3A_704] : memref<200x128xi32, #tpu.memory_space<vmem>> -> memref<1x128xi32, #tpu.memory_space<vmem>>
        %dma_start3A_706 = tpu.memref_squeeze %dma_start3A_705 : memref<1x128xi32, #tpu.memory_space<vmem>> -> memref<128xi32, #tpu.memory_space<vmem>>
        %dma_start3A_707 = arith.constant 0 : i32
        %dma_start3A_708 = arith.constant 0 : i32
        %dma_start3A_709 = tpu.memref_slice %arg3[%dma_start3A_707, %dma_start3A_708] : memref<1000000x32xf32, #tpu.memory_space<hbm>> -> memref<1000000x32xf32, #tpu.memory_space<hbm>>
        tpu.enqueue_indirect_dma source(%dma_start3A_709 : memref<1000000x32xf32, #tpu.memory_space<hbm>>) target(%dma_start3A_703 : memref<128x32xf32, #tpu.memory_space<vmem>>) offsets(%dma_start3A_706 : memref<128xi32, #tpu.memory_space<vmem>>) semaphore(%arg11 : memref<!tpu.dma_semaphore, #tpu.memory_space<semaphore_mem>>)
      } else {
      }
    }
    %scan3A_117 = arith.constant 50 : i32
    %dma_wait3A = arith.constant 0 : i32
    %dma_wait3A_118 = arith.constant 0 : i32
    %dma_wait3A_119 = arith.constant 198 : i32
    %dma_wait3A_120 = arith.constant 0 : i32
    %dma_wait3A_121 = arith.constant 0 : i32
    %dma_wait3A_122 = arith.constant 0 : i32
    %dma_wait3A_123 = tpu.memref_slice %arg7[%dma_wait3A, %dma_wait3A_118, %dma_wait3A_121, %dma_wait3A_122] : memref<2x4x8x128xf32, #tpu.memory_space<vmem>> -> memref<1x1x8x128xf32, #tpu.memory_space<vmem>>
    %dma_wait3A_124 = tpu.memref_squeeze %dma_wait3A_123 : memref<1x1x8x128xf32, #tpu.memory_space<vmem>> -> memref<8x128xf32, #tpu.memory_space<vmem>>
    %dma_wait3A_125 = arith.constant 0 : i32
    %dma_wait3A_126 = arith.constant 0 : i32
    %dma_wait3A_127 = tpu.memref_slice %arg4[%dma_wait3A_119, %dma_wait3A_120, %add3A, %dma_wait3A_125, %dma_wait3A_126] : memref<200x4x32x8x128xf32, #tpu.memory_space<hbm>> -> memref<1x1x1x8x128xf32, #tpu.memory_space<hbm>>
    %dma_wait3A_128 = tpu.memref_squeeze %dma_wait3A_127 : memref<1x1x1x8x128xf32, #tpu.memory_space<hbm>> -> memref<8x128xf32, #tpu.memory_space<hbm>>
    %dma_wait3A_129 = arith.constant 0 : i32
    %dma_wait3A_130 = arith.constant 0 : i32
    %dma_wait3A_131 = tpu.memref_slice %arg4[%dma_wait3A_119, %dma_wait3A_120, %add3A, %dma_wait3A_129, %dma_wait3A_130] : memref<200x4x32x8x128xf32, #tpu.memory_space<hbm>> -> memref<1x1x1x8x128xf32, #tpu.memory_space<hbm>>
    %dma_wait3A_132 = tpu.memref_squeeze %dma_wait3A_131 : memref<1x1x1x8x128xf32, #tpu.memory_space<hbm>> -> memref<8x128xf32, #tpu.memory_space<hbm>>
    %dma_wait3A_133 = arith.constant 0 : i32
    %dma_wait3A_134 = arith.constant 0 : i32
    %dma_wait3A_135 = tpu.memref_slice %arg7[%dma_wait3A, %dma_wait3A_118, %dma_wait3A_133, %dma_wait3A_134] : memref<2x4x8x128xf32, #tpu.memory_space<vmem>> -> memref<1x1x8x128xf32, #tpu.memory_space<vmem>>
    %dma_wait3A_136 = tpu.memref_squeeze %dma_wait3A_135 : memref<1x1x8x128xf32, #tpu.memory_space<vmem>> -> memref<8x128xf32, #tpu.memory_space<vmem>>
    tpu.wait_dma2 semaphore(%arg12 : memref<!tpu.dma_semaphore, #tpu.memory_space<semaphore_mem>>) src(%dma_wait3A_136 : memref<8x128xf32, #tpu.memory_space<vmem>>) dst(%dma_wait3A_132 : memref<8x128xf32, #tpu.memory_space<hbm>>)
    %dma_wait3A_137 = arith.constant 0 : i32
    %dma_wait3A_138 = arith.constant 1 : i32
    %dma_wait3A_139 = arith.constant 198 : i32
    %dma_wait3A_140 = arith.constant 1 : i32
    %dma_wait3A_141 = arith.constant 0 : i32
    %dma_wait3A_142 = arith.constant 0 : i32
    %dma_wait3A_143 = tpu.memref_slice %arg7[%dma_wait3A_137, %dma_wait3A_138, %dma_wait3A_141, %dma_wait3A_142] : memref<2x4x8x128xf32, #tpu.memory_space<vmem>> -> memref<1x1x8x128xf32, #tpu.memory_space<vmem>>
    %dma_wait3A_144 = tpu.memref_squeeze %dma_wait3A_143 : memref<1x1x8x128xf32, #tpu.memory_space<vmem>> -> memref<8x128xf32, #tpu.memory_space<vmem>>
    %dma_wait3A_145 = arith.constant 0 : i32
    %dma_wait3A_146 = arith.constant 0 : i32
    %dma_wait3A_147 = tpu.memref_slice %arg4[%dma_wait3A_139, %dma_wait3A_140, %add3A, %dma_wait3A_145, %dma_wait3A_146] : memref<200x4x32x8x128xf32, #tpu.memory_space<hbm>> -> memref<1x1x1x8x128xf32, #tpu.memory_space<hbm>>
    %dma_wait3A_148 = tpu.memref_squeeze %dma_wait3A_147 : memref<1x1x1x8x128xf32, #tpu.memory_space<hbm>> -> memref<8x128xf32, #tpu.memory_space<hbm>>
    %dma_wait3A_149 = arith.constant 0 : i32
    %dma_wait3A_150 = arith.constant 0 : i32
    %dma_wait3A_151 = tpu.memref_slice %arg4[%dma_wait3A_139, %dma_wait3A_140, %add3A, %dma_wait3A_149, %dma_wait3A_150] : memref<200x4x32x8x128xf32, #tpu.memory_space<hbm>> -> memref<1x1x1x8x128xf32, #tpu.memory_space<hbm>>
    %dma_wait3A_152 = tpu.memref_squeeze %dma_wait3A_151 : memref<1x1x1x8x128xf32, #tpu.memory_space<hbm>> -> memref<8x128xf32, #tpu.memory_space<hbm>>
    %dma_wait3A_153 = arith.constant 0 : i32
    %dma_wait3A_154 = arith.constant 0 : i32
    %dma_wait3A_155 = tpu.memref_slice %arg7[%dma_wait3A_137, %dma_wait3A_138, %dma_wait3A_153, %dma_wait3A_154] : memref<2x4x8x128xf32, #tpu.memory_space<vmem>> -> memref<1x1x8x128xf32, #tpu.memory_space<vmem>>
    %dma_wait3A_156 = tpu.memref_squeeze %dma_wait3A_155 : memref<1x1x8x128xf32, #tpu.memory_space<vmem>> -> memref<8x128xf32, #tpu.memory_space<vmem>>
    tpu.wait_dma2 semaphore(%arg12 : memref<!tpu.dma_semaphore, #tpu.memory_space<semaphore_mem>>) src(%dma_wait3A_156 : memref<8x128xf32, #tpu.memory_space<vmem>>) dst(%dma_wait3A_152 : memref<8x128xf32, #tpu.memory_space<hbm>>)
    %dma_wait3A_157 = arith.constant 0 : i32
    %dma_wait3A_158 = arith.constant 2 : i32
    %dma_wait3A_159 = arith.constant 198 : i32
    %dma_wait3A_160 = arith.constant 2 : i32
    %dma_wait3A_161 = arith.constant 0 : i32
    %dma_wait3A_162 = arith.constant 0 : i32
    %dma_wait3A_163 = tpu.memref_slice %arg7[%dma_wait3A_157, %dma_wait3A_158, %dma_wait3A_161, %dma_wait3A_162] : memref<2x4x8x128xf32, #tpu.memory_space<vmem>> -> memref<1x1x8x128xf32, #tpu.memory_space<vmem>>
    %dma_wait3A_164 = tpu.memref_squeeze %dma_wait3A_163 : memref<1x1x8x128xf32, #tpu.memory_space<vmem>> -> memref<8x128xf32, #tpu.memory_space<vmem>>
    %dma_wait3A_165 = arith.constant 0 : i32
    %dma_wait3A_166 = arith.constant 0 : i32
    %dma_wait3A_167 = tpu.memref_slice %arg4[%dma_wait3A_159, %dma_wait3A_160, %add3A, %dma_wait3A_165, %dma_wait3A_166] : memref<200x4x32x8x128xf32, #tpu.memory_space<hbm>> -> memref<1x1x1x8x128xf32, #tpu.memory_space<hbm>>
    %dma_wait3A_168 = tpu.memref_squeeze %dma_wait3A_167 : memref<1x1x1x8x128xf32, #tpu.memory_space<hbm>> -> memref<8x128xf32, #tpu.memory_space<hbm>>
    %dma_wait3A_169 = arith.constant 0 : i32
    %dma_wait3A_170 = arith.constant 0 : i32
    %dma_wait3A_171 = tpu.memref_slice %arg4[%dma_wait3A_159, %dma_wait3A_160, %add3A, %dma_wait3A_169, %dma_wait3A_170] : memref<200x4x32x8x128xf32, #tpu.memory_space<hbm>> -> memref<1x1x1x8x128xf32, #tpu.memory_space<hbm>>
    %dma_wait3A_172 = tpu.memref_squeeze %dma_wait3A_171 : memref<1x1x1x8x128xf32, #tpu.memory_space<hbm>> -> memref<8x128xf32, #tpu.memory_space<hbm>>
    %dma_wait3A_173 = arith.constant 0 : i32
    %dma_wait3A_174 = arith.constant 0 : i32
    %dma_wait3A_175 = tpu.memref_slice %arg7[%dma_wait3A_157, %dma_wait3A_158, %dma_wait3A_173, %dma_wait3A_174] : memref<2x4x8x128xf32, #tpu.memory_space<vmem>> -> memref<1x1x8x128xf32, #tpu.memory_space<vmem>>
    %dma_wait3A_176 = tpu.memref_squeeze %dma_wait3A_175 : memref<1x1x8x128xf32, #tpu.memory_space<vmem>> -> memref<8x128xf32, #tpu.memory_space<vmem>>
    tpu.wait_dma2 semaphore(%arg12 : memref<!tpu.dma_semaphore, #tpu.memory_space<semaphore_mem>>) src(%dma_wait3A_176 : memref<8x128xf32, #tpu.memory_space<vmem>>) dst(%dma_wait3A_172 : memref<8x128xf32, #tpu.memory_space<hbm>>)
    %dma_wait3A_177 = arith.constant 0 : i32
    %dma_wait3A_178 = arith.constant 3 : i32
    %dma_wait3A_179 = arith.constant 198 : i32
    %dma_wait3A_180 = arith.constant 3 : i32
    %dma_wait3A_181 = arith.constant 0 : i32
    %dma_wait3A_182 = arith.constant 0 : i32
    %dma_wait3A_183 = tpu.memref_slice %arg7[%dma_wait3A_177, %dma_wait3A_178, %dma_wait3A_181, %dma_wait3A_182] : memref<2x4x8x128xf32, #tpu.memory_space<vmem>> -> memref<1x1x8x128xf32, #tpu.memory_space<vmem>>
    %dma_wait3A_184 = tpu.memref_squeeze %dma_wait3A_183 : memref<1x1x8x128xf32, #tpu.memory_space<vmem>> -> memref<8x128xf32, #tpu.memory_space<vmem>>
    %dma_wait3A_185 = arith.constant 0 : i32
    %dma_wait3A_186 = arith.constant 0 : i32
    %dma_wait3A_187 = tpu.memref_slice %arg4[%dma_wait3A_179, %dma_wait3A_180, %add3A, %dma_wait3A_185, %dma_wait3A_186] : memref<200x4x32x8x128xf32, #tpu.memory_space<hbm>> -> memref<1x1x1x8x128xf32, #tpu.memory_space<hbm>>
    %dma_wait3A_188 = tpu.memref_squeeze %dma_wait3A_187 : memref<1x1x1x8x128xf32, #tpu.memory_space<hbm>> -> memref<8x128xf32, #tpu.memory_space<hbm>>
    %dma_wait3A_189 = arith.constant 0 : i32
    %dma_wait3A_190 = arith.constant 0 : i32
    %dma_wait3A_191 = tpu.memref_slice %arg4[%dma_wait3A_179, %dma_wait3A_180, %add3A, %dma_wait3A_189, %dma_wait3A_190] : memref<200x4x32x8x128xf32, #tpu.memory_space<hbm>> -> memref<1x1x1x8x128xf32, #tpu.memory_space<hbm>>
    %dma_wait3A_192 = tpu.memref_squeeze %dma_wait3A_191 : memref<1x1x1x8x128xf32, #tpu.memory_space<hbm>> -> memref<8x128xf32, #tpu.memory_space<hbm>>
    %dma_wait3A_193 = arith.constant 0 : i32
    %dma_wait3A_194 = arith.constant 0 : i32
    %dma_wait3A_195 = tpu.memref_slice %arg7[%dma_wait3A_177, %dma_wait3A_178, %dma_wait3A_193, %dma_wait3A_194] : memref<2x4x8x128xf32, #tpu.memory_space<vmem>> -> memref<1x1x8x128xf32, #tpu.memory_space<vmem>>
    %dma_wait3A_196 = tpu.memref_squeeze %dma_wait3A_195 : memref<1x1x8x128xf32, #tpu.memory_space<vmem>> -> memref<8x128xf32, #tpu.memory_space<vmem>>
    tpu.wait_dma2 semaphore(%arg12 : memref<!tpu.dma_semaphore, #tpu.memory_space<semaphore_mem>>) src(%dma_wait3A_196 : memref<8x128xf32, #tpu.memory_space<vmem>>) dst(%dma_wait3A_192 : memref<8x128xf32, #tpu.memory_space<hbm>>)
    %dma_wait3A_197 = arith.constant 1 : i32
    %dma_wait3A_198 = arith.constant 0 : i32
    %dma_wait3A_199 = arith.constant 199 : i32
    %dma_wait3A_200 = arith.constant 0 : i32
    %dma_wait3A_201 = arith.constant 0 : i32
    %dma_wait3A_202 = arith.constant 0 : i32
    %dma_wait3A_203 = tpu.memref_slice %arg7[%dma_wait3A_197, %dma_wait3A_198, %dma_wait3A_201, %dma_wait3A_202] : memref<2x4x8x128xf32, #tpu.memory_space<vmem>> -> memref<1x1x8x128xf32, #tpu.memory_space<vmem>>
    %dma_wait3A_204 = tpu.memref_squeeze %dma_wait3A_203 : memref<1x1x8x128xf32, #tpu.memory_space<vmem>> -> memref<8x128xf32, #tpu.memory_space<vmem>>
    %dma_wait3A_205 = arith.constant 0 : i32
    %dma_wait3A_206 = arith.constant 0 : i32
    %dma_wait3A_207 = tpu.memref_slice %arg4[%dma_wait3A_199, %dma_wait3A_200, %add3A, %dma_wait3A_205, %dma_wait3A_206] : memref<200x4x32x8x128xf32, #tpu.memory_space<hbm>> -> memref<1x1x1x8x128xf32, #tpu.memory_space<hbm>>
    %dma_wait3A_208 = tpu.memref_squeeze %dma_wait3A_207 : memref<1x1x1x8x128xf32, #tpu.memory_space<hbm>> -> memref<8x128xf32, #tpu.memory_space<hbm>>
    %dma_wait3A_209 = arith.constant 0 : i32
    %dma_wait3A_210 = arith.constant 0 : i32
    %dma_wait3A_211 = tpu.memref_slice %arg4[%dma_wait3A_199, %dma_wait3A_200, %add3A, %dma_wait3A_209, %dma_wait3A_210] : memref<200x4x32x8x128xf32, #tpu.memory_space<hbm>> -> memref<1x1x1x8x128xf32, #tpu.memory_space<hbm>>
    %dma_wait3A_212 = tpu.memref_squeeze %dma_wait3A_211 : memref<1x1x1x8x128xf32, #tpu.memory_space<hbm>> -> memref<8x128xf32, #tpu.memory_space<hbm>>
    %dma_wait3A_213 = arith.constant 0 : i32
    %dma_wait3A_214 = arith.constant 0 : i32
    %dma_wait3A_215 = tpu.memref_slice %arg7[%dma_wait3A_197, %dma_wait3A_198, %dma_wait3A_213, %dma_wait3A_214] : memref<2x4x8x128xf32, #tpu.memory_space<vmem>> -> memref<1x1x8x128xf32, #tpu.memory_space<vmem>>
    %dma_wait3A_216 = tpu.memref_squeeze %dma_wait3A_215 : memref<1x1x8x128xf32, #tpu.memory_space<vmem>> -> memref<8x128xf32, #tpu.memory_space<vmem>>
    tpu.wait_dma2 semaphore(%arg13 : memref<!tpu.dma_semaphore, #tpu.memory_space<semaphore_mem>>) src(%dma_wait3A_216 : memref<8x128xf32, #tpu.memory_space<vmem>>) dst(%dma_wait3A_212 : memref<8x128xf32, #tpu.memory_space<hbm>>)
    %dma_wait3A_217 = arith.constant 1 : i32
    %dma_wait3A_218 = arith.constant 1 : i32
    %dma_wait3A_219 = arith.constant 199 : i32
    %dma_wait3A_220 = arith.constant 1 : i32
    %dma_wait3A_221 = arith.constant 0 : i32
    %dma_wait3A_222 = arith.constant 0 : i32
    %dma_wait3A_223 = tpu.memref_slice %arg7[%dma_wait3A_217, %dma_wait3A_218, %dma_wait3A_221, %dma_wait3A_222] : memref<2x4x8x128xf32, #tpu.memory_space<vmem>> -> memref<1x1x8x128xf32, #tpu.memory_space<vmem>>
    %dma_wait3A_224 = tpu.memref_squeeze %dma_wait3A_223 : memref<1x1x8x128xf32, #tpu.memory_space<vmem>> -> memref<8x128xf32, #tpu.memory_space<vmem>>
    %dma_wait3A_225 = arith.constant 0 : i32
    %dma_wait3A_226 = arith.constant 0 : i32
    %dma_wait3A_227 = tpu.memref_slice %arg4[%dma_wait3A_219, %dma_wait3A_220, %add3A, %dma_wait3A_225, %dma_wait3A_226] : memref<200x4x32x8x128xf32, #tpu.memory_space<hbm>> -> memref<1x1x1x8x128xf32, #tpu.memory_space<hbm>>
    %dma_wait3A_228 = tpu.memref_squeeze %dma_wait3A_227 : memref<1x1x1x8x128xf32, #tpu.memory_space<hbm>> -> memref<8x128xf32, #tpu.memory_space<hbm>>
    %dma_wait3A_229 = arith.constant 0 : i32
    %dma_wait3A_230 = arith.constant 0 : i32
    %dma_wait3A_231 = tpu.memref_slice %arg4[%dma_wait3A_219, %dma_wait3A_220, %add3A, %dma_wait3A_229, %dma_wait3A_230] : memref<200x4x32x8x128xf32, #tpu.memory_space<hbm>> -> memref<1x1x1x8x128xf32, #tpu.memory_space<hbm>>
    %dma_wait3A_232 = tpu.memref_squeeze %dma_wait3A_231 : memref<1x1x1x8x128xf32, #tpu.memory_space<hbm>> -> memref<8x128xf32, #tpu.memory_space<hbm>>
    %dma_wait3A_233 = arith.constant 0 : i32
    %dma_wait3A_234 = arith.constant 0 : i32
    %dma_wait3A_235 = tpu.memref_slice %arg7[%dma_wait3A_217, %dma_wait3A_218, %dma_wait3A_233, %dma_wait3A_234] : memref<2x4x8x128xf32, #tpu.memory_space<vmem>> -> memref<1x1x8x128xf32, #tpu.memory_space<vmem>>
    %dma_wait3A_236 = tpu.memref_squeeze %dma_wait3A_235 : memref<1x1x8x128xf32, #tpu.memory_space<vmem>> -> memref<8x128xf32, #tpu.memory_space<vmem>>
    tpu.wait_dma2 semaphore(%arg13 : memref<!tpu.dma_semaphore, #tpu.memory_space<semaphore_mem>>) src(%dma_wait3A_236 : memref<8x128xf32, #tpu.memory_space<vmem>>) dst(%dma_wait3A_232 : memref<8x128xf32, #tpu.memory_space<hbm>>)
    %dma_wait3A_237 = arith.constant 1 : i32
    %dma_wait3A_238 = arith.constant 2 : i32
    %dma_wait3A_239 = arith.constant 199 : i32
    %dma_wait3A_240 = arith.constant 2 : i32
    %dma_wait3A_241 = arith.constant 0 : i32
    %dma_wait3A_242 = arith.constant 0 : i32
    %dma_wait3A_243 = tpu.memref_slice %arg7[%dma_wait3A_237, %dma_wait3A_238, %dma_wait3A_241, %dma_wait3A_242] : memref<2x4x8x128xf32, #tpu.memory_space<vmem>> -> memref<1x1x8x128xf32, #tpu.memory_space<vmem>>
    %dma_wait3A_244 = tpu.memref_squeeze %dma_wait3A_243 : memref<1x1x8x128xf32, #tpu.memory_space<vmem>> -> memref<8x128xf32, #tpu.memory_space<vmem>>
    %dma_wait3A_245 = arith.constant 0 : i32
    %dma_wait3A_246 = arith.constant 0 : i32
    %dma_wait3A_247 = tpu.memref_slice %arg4[%dma_wait3A_239, %dma_wait3A_240, %add3A, %dma_wait3A_245, %dma_wait3A_246] : memref<200x4x32x8x128xf32, #tpu.memory_space<hbm>> -> memref<1x1x1x8x128xf32, #tpu.memory_space<hbm>>
    %dma_wait3A_248 = tpu.memref_squeeze %dma_wait3A_247 : memref<1x1x1x8x128xf32, #tpu.memory_space<hbm>> -> memref<8x128xf32, #tpu.memory_space<hbm>>
    %dma_wait3A_249 = arith.constant 0 : i32
    %dma_wait3A_250 = arith.constant 0 : i32
    %dma_wait3A_251 = tpu.memref_slice %arg4[%dma_wait3A_239, %dma_wait3A_240, %add3A, %dma_wait3A_249, %dma_wait3A_250] : memref<200x4x32x8x128xf32, #tpu.memory_space<hbm>> -> memref<1x1x1x8x128xf32, #tpu.memory_space<hbm>>
    %dma_wait3A_252 = tpu.memref_squeeze %dma_wait3A_251 : memref<1x1x1x8x128xf32, #tpu.memory_space<hbm>> -> memref<8x128xf32, #tpu.memory_space<hbm>>
    %dma_wait3A_253 = arith.constant 0 : i32
    %dma_wait3A_254 = arith.constant 0 : i32
    %dma_wait3A_255 = tpu.memref_slice %arg7[%dma_wait3A_237, %dma_wait3A_238, %dma_wait3A_253, %dma_wait3A_254] : memref<2x4x8x128xf32, #tpu.memory_space<vmem>> -> memref<1x1x8x128xf32, #tpu.memory_space<vmem>>
    %dma_wait3A_256 = tpu.memref_squeeze %dma_wait3A_255 : memref<1x1x8x128xf32, #tpu.memory_space<vmem>> -> memref<8x128xf32, #tpu.memory_space<vmem>>
    tpu.wait_dma2 semaphore(%arg13 : memref<!tpu.dma_semaphore, #tpu.memory_space<semaphore_mem>>) src(%dma_wait3A_256 : memref<8x128xf32, #tpu.memory_space<vmem>>) dst(%dma_wait3A_252 : memref<8x128xf32, #tpu.memory_space<hbm>>)
    %dma_wait3A_257 = arith.constant 1 : i32
    %dma_wait3A_258 = arith.constant 3 : i32
    %dma_wait3A_259 = arith.constant 199 : i32
    %dma_wait3A_260 = arith.constant 3 : i32
    %dma_wait3A_261 = arith.constant 0 : i32
    %dma_wait3A_262 = arith.constant 0 : i32
    %dma_wait3A_263 = tpu.memref_slice %arg7[%dma_wait3A_257, %dma_wait3A_258, %dma_wait3A_261, %dma_wait3A_262] : memref<2x4x8x128xf32, #tpu.memory_space<vmem>> -> memref<1x1x8x128xf32, #tpu.memory_space<vmem>>
    %dma_wait3A_264 = tpu.memref_squeeze %dma_wait3A_263 : memref<1x1x8x128xf32, #tpu.memory_space<vmem>> -> memref<8x128xf32, #tpu.memory_space<vmem>>
    %dma_wait3A_265 = arith.constant 0 : i32
    %dma_wait3A_266 = arith.constant 0 : i32
    %dma_wait3A_267 = tpu.memref_slice %arg4[%dma_wait3A_259, %dma_wait3A_260, %add3A, %dma_wait3A_265, %dma_wait3A_266] : memref<200x4x32x8x128xf32, #tpu.memory_space<hbm>> -> memref<1x1x1x8x128xf32, #tpu.memory_space<hbm>>
    %dma_wait3A_268 = tpu.memref_squeeze %dma_wait3A_267 : memref<1x1x1x8x128xf32, #tpu.memory_space<hbm>> -> memref<8x128xf32, #tpu.memory_space<hbm>>
    %dma_wait3A_269 = arith.constant 0 : i32
    %dma_wait3A_270 = arith.constant 0 : i32
    %dma_wait3A_271 = tpu.memref_slice %arg4[%dma_wait3A_259, %dma_wait3A_260, %add3A, %dma_wait3A_269, %dma_wait3A_270] : memref<200x4x32x8x128xf32, #tpu.memory_space<hbm>> -> memref<1x1x1x8x128xf32, #tpu.memory_space<hbm>>
    %dma_wait3A_272 = tpu.memref_squeeze %dma_wait3A_271 : memref<1x1x1x8x128xf32, #tpu.memory_space<hbm>> -> memref<8x128xf32, #tpu.memory_space<hbm>>
    %dma_wait3A_273 = arith.constant 0 : i32
    %dma_wait3A_274 = arith.constant 0 : i32
    %dma_wait3A_275 = tpu.memref_slice %arg7[%dma_wait3A_257, %dma_wait3A_258, %dma_wait3A_273, %dma_wait3A_274] : memref<2x4x8x128xf32, #tpu.memory_space<vmem>> -> memref<1x1x8x128xf32, #tpu.memory_space<vmem>>
    %dma_wait3A_276 = tpu.memref_squeeze %dma_wait3A_275 : memref<1x1x8x128xf32, #tpu.memory_space<vmem>> -> memref<8x128xf32, #tpu.memory_space<vmem>>
    tpu.wait_dma2 semaphore(%arg13 : memref<!tpu.dma_semaphore, #tpu.memory_space<semaphore_mem>>) src(%dma_wait3A_276 : memref<8x128xf32, #tpu.memory_space<vmem>>) dst(%dma_wait3A_272 : memref<8x128xf32, #tpu.memory_space<hbm>>)
    return
  }
}

</mosaic_0001>

<sc_bundles>
// kernel: kernel.3.cloned.1.call-start
scs
__scs_entry_jumppad:
0x0: {  	(pc) =	sbr.rel $0x88, $3  }
0x1: {  	(tag) =	ssettag $0x0;
	lr =	simm.s32 $0x1  }
0x2: {  	[smem:$0x3F9F] =	sst lr;
	_ =	strace $0xD0000000  }
0x3: {  	_ = 	snop  }
0x4: {  	_ = 	snop  }
0x5: {  	_ = 	snop  }
0x6: {  	_ = 	snop  }
0x7: {  	_ = 	snop  }
__scs_overlays_trampoline_lowered:
0x8: {  	[smem:$0x3FAE] =	sst s0  }
0x9: {  	[smem:$0x3FAF] =	sst s1  }
0xa: {  	[smem:$0x3FB0] =	sst s2  }
0xb: {  	[smem:$0x3FB1] =	sst s3  }
0xc: {  	[smem:$0x3FB2] =	sst s4  }
0xd: {  	[smem:$0x3FB3] =	sst s5  }
0xe: {  	[smem:$0x3FB4] =	sst s6  }
0xf: {  	[smem:$0x3FB5] =	sst s7  }
0x10: {  	[smem:$0x3FB6] =	sst s8  }
0x11: {  	[smem:$0x3FB7] =	sst s9;
	s0 =	simm.s32 @!p0 $0x0  }
0x12: {  	s1 =	sld [smem:$0x3F9D];
	s0 =	simm.s32 @p0 $0x1  }
0x13: {  	[smem:$0x3FB8] =	sst s0;
	s0 =	simm.s32 @!p1 $0x0  }
0x14: {  	s2 =	sld [smem:$0x3F9C];
	s0 =	simm.s32 @p1 $0x1  }
0x15: {  	[smem:$0x3FB9] =	sst s0;
	s0 =	simm.s32 @!p2 $0x0  }
0x16: {  	s3 =	sld [smem:$0x3FDB];
	s0 =	simm.s32 @p2 $0x1  }
0x17: {  	s4 =	simm.s32 $0x1BF5;
	[smem:$0x3FBB] =	sst s0  }
0x18: {  	s0 =	sld [smem:$0x3F9E];
	_ =	swait.ge [sflag:s4], $0x0  }
0x19: {  	s7 =	sld [smem:$0x3F9F]  }
0x1a: {  	s8 =	sadd.s32 $0xFFFFE003, lr  }
0x1b: {  	s9 =	sadd.s32 $0xFFFFFEF7, lr;
	s5 =	simm.s32 $0xFFFFFFFF;
	p2 =	slt.u32 s8, $0xFFFFF086  }
0x1c: {  	p1 =	slt.u32 s9, $0xF7A;
	s5 =	simm.s32 @!p2 $0x0  }
0x1d: {  	s5 =	simm.s32 @p1 $0x1;
	p0 =	seq.s32 s7, s2  }
0x1e: {  	s7 =	smul.u32 @!p0 $0xF7A, s2;
	p2 =	seq.s32 @!p0 s5, $0x0  }
0x1f: {  	s9 =	smul.u32 $0xF7A, s1;
	s8 =	simm.s32 @!p0 $0x1BF5;
	p2 =	por !p2, p0  }
0x20: {  	[sflag:s8] =	ssyncset.s32 @!p0 $0xFFFFF086;
	s6 =	sadd.s32 @!p0 s3, s7;
	s7 =	simm.s32 @!p0 $0x108  }
0x21: {  	s3 =	sadd.s32 s3, s9;
	s6 =	sadd.s32 @!p0 $0x88, s6;
	s7 =	simm.s32 @p2 $0x1082  }
0x22: {  	[simem:s7], [sflag:s8] =	dma.local @!p0 [hbm:s6], $0xF7A  }
0x23: {  	s9 =	sor.u32 $0xD0000000, s2;
	s6 =	simm.s32 $0x108;
	_ =	swait.ge @!p0 [sflag:s8], $0x0  }
0x24: {  	s3 =	sadd.s32 $0x88, s3;
	s6 =	simm.s32 @!p1 $0x1082;
	[sflag:s4] =	ssyncset.s32 $0xFFFFF086  }
0x25: {  	[simem:s6], [sflag:s4] =	dma.local [hbm:s3], $0xF7A  }
0x26: {  	[smem:$0x3F9F] =	sst s1;
	(tag) =	ssettag s2;
	_ =	strace s9  }
0x27: {  	s1 =	sld [smem:$0x3FAF]  }
0x28: {  	s2 =	sld [smem:$0x3FB0]  }
0x29: {  	s4 =	sld [smem:$0x3FB2]  }
0x2a: {  	p0 =	seq.s32 s5, $0x0;
	s5 =	sld [smem:$0x3FB3]  }
0x2b: {  	s6 =	sld [smem:$0x3FB4]  }
0x2c: {  	s7 =	sld [smem:$0x3FB5]  }
0x2d: {  	s3 =	simm.s32 $0x108;
	s8 =	sld [smem:$0x3FB6]  }
0x2e: {  	s3 =	simm.s32 @!p0 $0x1082;
	s9 =	sld [smem:$0x3FB7]  }
0x2f: {  	lr =	sadd.s32 s0, s3;
	s0 =	sld [smem:$0x3FAE]  }
0x30: {  	s3 =	sld [smem:$0x3FB1]  }
0x31: {  	[smem:$0x3FBA] =	sst s10  }
0x32: {  	s10 =	sld [smem:$0x3FB8];
	_ =	sdelay $0x3  }
0x33: {  	p0 =	seq.s32 s10, $0x1;
	s10 =	sld [smem:$0x3FBA];
	_ =	sdelay $0x3  }
0x34: {  	[smem:$0x3FBA] =	sst s10  }
0x35: {  	s10 =	sld [smem:$0x3FB9];
	_ =	sdelay $0x3  }
0x36: {  	p1 =	seq.s32 s10, $0x1;
	s10 =	sld [smem:$0x3FBA];
	_ =	sdelay $0x3  }
0x37: {  	[smem:$0x3FBA] =	sst s10  }
0x38: {  	s10 =	sld [smem:$0x3FBB]  }
0x39: {  	_ = 	snop;
	(pc) =	sbr.ind lr, $3  }
0x3a: {  	_ = 	snop  }
0x3b: {  	_ = 	snop  }
0x3c: {  	p2 =	seq.s32 s10, $0x1;
	s10 =	sld [smem:$0x3FBA]  }
0x3d: {  	_ =	shalt  }
0x3e: {  	_ =	shalt  }
0x3f: {  	_ =	shalt  }
0x40: {  	_ =	shalt  }
0x41: {  	_ =	shalt  }
0x42: {  	_ =	shalt  }
0x43: {  	_ =	shalt  }
0x44: {  	_ =	shalt  }
0x45: {  	_ =	shalt  }
0x46: {  	_ =	shalt  }
0x47: {  	_ =	shalt  }
0x48: {  	_ =	shalt  }
0x49: {  	_ =	shalt  }
0x4a: {  	_ =	shalt  }
0x4b: {  	_ =	shalt  }
0x4c: {  	_ =	shalt  }
0x4d: {  	_ =	shalt  }
0x4e: {  	_ =	shalt  }
0x4f: {  	_ =	shalt  }
0x50: {  	_ =	shalt  }
0x51: {  	_ =	shalt  }
0x52: {  	_ =	shalt  }
0x53: {  	_ =	shalt  }
0x54: {  	_ =	shalt  }
0x55: {  	_ =	shalt  }
0x56: {  	_ =	shalt  }
0x57: {  	_ =	shalt  }
0x58: {  	_ =	shalt  }
0x59: {  	_ =	shalt  }
0x5a: {  	_ =	shalt  }
0x5b: {  	_ =	shalt  }
0x5c: {  	_ =	shalt  }
0x5d: {  	_ =	shalt  }
0x5e: {  	_ =	shalt  }
0x5f: {  	_ =	shalt  }
0x60: {  	_ =	shalt  }
0x61: {  	_ =	shalt  }
0x62: {  	_ =	shalt  }
0x63: {  	_ =	shalt  }
0x64: {  	_ =	shalt  }
0x65: {  	_ =	shalt  }
0x66: {  	_ =	shalt  }
0x67: {  	_ =	shalt  }
0x68: {  	_ =	shalt  }
0x69: {  	_ =	shalt  }
0x6a: {  	_ =	shalt  }
0x6b: {  	_ =	shalt  }
0x6c: {  	_ =	shalt  }
0x6d: {  	_ =	shalt  }
0x6e: {  	_ =	shalt  }
0x6f: {  	_ =	shalt  }
0x70: {  	_ =	shalt  }
0x71: {  	_ =	shalt  }
0x72: {  	_ =	shalt  }
0x73: {  	_ =	shalt  }
0x74: {  	_ =	shalt  }
0x75: {  	_ =	shalt  }
0x76: {  	_ =	shalt  }
0x77: {  	_ =	shalt  }
0x78: {  	_ =	shalt  }
0x79: {  	_ =	shalt  }
0x7a: {  	_ =	shalt  }
0x7b: {  	_ =	shalt  }
0x7c: {  	_ =	shalt  }
0x7d: {  	_ =	shalt  }
0x7e: {  	_ =	shalt  }
0x7f: {  	_ =	shalt  }
0x80: {  	_ =	shalt  }
0x81: {  	_ =	shalt  }
0x82: {  	_ =	shalt  }
0x83: {  	_ =	shalt  }
0x84: {  	_ =	shalt  }
0x85: {  	_ =	shalt  }
0x86: {  	_ =	shalt  }
0x87: {  	_ =	shalt  }
.Lfunc_end0:
.L_simem_size_0:
called_computation_lowered:
.L_overlay_start_0:
0x88: {  	s2 =	sld [smem:$0x3FD9]  }
0x89: {  	s3 =	sld [smem:$0x3FFE];
	_ =	sdelay $0x1  }
0x8a: {  	s1 =	srdreg.scid  }
0x8b: {  	s0 =	sand.u32 $0x1, s1  }
0x8c: {  	s17 =	sshll.u32 s0, $0xA;
	s2 =	sadd.s32 s3, s2  }
0x8d: {  	s2 =	sadd.s32 s2, s17  }
0x8e: {  	[smem:$0x3FC6] =	sst s2  }
0x8f: {  	_ = 	snop  }
0x90: {  	s2 =	sld [smem:$0x3FD0];
	(tm) =	ssettm $0x1  }
0x91: {  	s18 =	sld [smem:$0x3FFB];
	_ =	sdelay $0x3  }
0x92: {  	_ =	strace s18  }
0x93: {  	s3 =	sld [smem:$0x3FFC];
	_ =	sdelay $0x3  }
0x94: {  	_ =	strace s3  }
0x95: {  	s3 =	sld [smem:$0x3FFD];
	_ =	sdelay $0x3  }
0x96: {  	_ =	strace s3  }
0x97: {  	_ =	strace $0x8FFFFFFF  }
0x98: {  	s19 =	sld [smem:$0x3FDB];
	_ =	sdelay $0x1  }
0x99: {  	s4 =	simm.s32 $_scs_section_size  }
0x9a: {  	s5 =	simm.s32 $_size__tile_overlayer_lowered;
	s6 =	simm.s32 $_tile_overlayer_lowered  }
0x9b: {  	s22 =	simm.s32 $0x1BFF;
	s21 =	sshll.u32 s6, $0x1;
	s3 =	sadd.s32 s4, s19  }
0x9c: {  	s7 =	simm.s32 $0x0;
	s20 =	sshll.u32 s5, $0x1;
	s5 =	sadd.s32 s21, s3  }
0x9d: {  	[timem:s7], [sflag:s22] =	dma.local [hbm:s5], s20  }
0x9e: {  	_ =	swait.ge [sflag:s22], s20  }
0x9f: {  	s4 =	ssub.s32 $0x0, s20;
	[sflag:s22] =	ssyncset.done $0x0  }
0xa0: {  	[sflag:s22] =	ssyncadd.s32 s4;
	_ =	sdelay $0x1  }
0xa1: {  	s23 =	simm.s32 $0x1B8B  }
0xa2: {  	_ =	swait.ge [sflag:s23], $0x1  }
0xa3: {  	[sflag:s23] =	ssyncset.done $0x0  }
0xa4: {  	s25 =	simm.s32 $0x1B8E;
	s24 =	sld [smem:$0x3FFE];
	[sflag:s23] =	ssyncadd.s32 $0xFFFFFFFF  }
0xa5: {  	s26 =	simm.s32 $execute0_lowered;
	[smem:$0x3FD2] =	sst s25  }
0xa6: {  	s5 =	sshll.u32 s26, $0x1;
	_ =	strace $0x80000046;
	[dreg:$0x1] =	wrdreg $0xFFFFFFFF  }
0xa7: {  	s28 =	simm.s32 $_size_execute0_lowered;
	s3 =	sadd.s32 s3, s5;
	[dreg:$0x0] =	wrdreg $0x0  }
0xa8: {  	s5 =	sshll.u32 s28, $0x1;
	[dreg:$0x2] =	wrdreg s3  }
0xa9: {  	[dreg:$0x3] =	wrdreg s5  }
0xaa: {  	[dreg:$0x4] =	wrdreg $0xC0  }
0xab: {  	_ =	task [dreg:s7], $0x5FFFF  }
0xac: {  	[dreg:$0x1] =	wrdreg $0xFFFFFFFF  }
0xad: {  	[dreg:$0x0] =	wrdreg $0x60  }
0xae: {  	[dreg:$0x2] =	wrdreg s24  }
0xaf: {  	[dreg:$0x3] =	wrdreg s2  }
0xb0: {  	[dreg:$0x4] =	wrdreg $0x9  }
0xb1: {  	_ =	task.clear_ibuf [dreg:s7], $0x5FFFF;
	_ =	strace $0x90000046  }
0xb2: {  	s29 =	simm.s32 $0x9;
	_ =	strace $0x80000048  }
0xb3: {  	_ =	swait.ge [sflag:s29], $0x1  }
0xb4: {  	[sflag:s29] =	ssyncadd.s32 $0xFFFFFFFF  }
0xb5: {  	_ =	strace $0x90000048  }
0xb6: {  	_ =	sfence  }
0xb7: {  	s30 =	sld [smem:$0x0];
	_ =	sdelay $0x2  }
0xb8: {  	s31 =	sshll.u32 s1, $0xD;
	s1 =	sshrl.u32 s1, $0x2  }
0xb9: {  	s3 =	sand.u32 $0x4000, s31;
	s1 =	sadd.s32 s1, s30  }
0xba: {  	s0 =	sor.u32 s3, s0;
	s1 =	sshll.u32 s1, $0x11  }
0xbb: {  	s0 =	sor.u32 s1, s0  }
0xbc: {  	s0 =	sadd.s32 $0x8F2B, s0  }
0xbd: {  	[sflag:s0] =	ssyncadd.remote.s32 $0x1  }
0xbe: {  	_ =	sfence.sel $0xFFFF  }
0xbf: {  	[dreg:$0x0] =	wrdreg $0xFFFFFFFF;
	(pc) =	sbr.abs _section_cstart, $3  }
0xc0: {  	[dreg:$0x1] =	wrdreg $0xFFFFFFFF  }
0xc1: {  	_ =	task.clear_ibuf [dreg:s7], $0x2FFFF;
	_ =	strace $0x9FFFFFFF  }
0xc2: {  	(tm) =	ssettm $0x7FFFFFFF  }
0xc3: {  	_ =	shalt  }
tec
execute0_lowered:
.L_overlay_start_1:
0x0: {  	(tag) =	ssettag $0x1  }
0x1: {  	s0 =	rddreg [dreg:$0x0]  }
0x2: {  	s7 =	rddreg [dreg:$0x1];
	s3 =	simm.s32 $0x0  }
0x3: {  	[smem:$0x7FF] =	sst s3;
	s14 =	sadd.s32 $0x1000, s7  }
0x4: {  	s15 =	sadd.s32 $0x2000, s7;
	_ =	strace $0x80000047;
	[dreg:$0x6] =	wrdreg s14  }
0x5: {  	s16 =	sadd.s32 $0x3000, s7;
	[dreg:$0x7] =	wrdreg s15  }
0x6: {  	s17 =	sadd.s32 $0x4000, s7;
	[dreg:$0x8] =	wrdreg s16  }
0x7: {  	s18 =	sadd.s32 $0x5000, s7;
	[dreg:$0x9] =	wrdreg s17  }
0x8: {  	s19 =	sadd.s32 $0x6000, s7;
	[dreg:$0xa] =	wrdreg s18  }
0x9: {  	s20 =	sadd.s32 $0x7000, s7;
	[dreg:$0xb] =	wrdreg s19  }
0xa: {  	s21 =	sadd.s32 $0x8000, s7;
	[dreg:$0xc] =	wrdreg s20  }
0xb: {  	s1 =	srdreg.scid;
	s22 =	sadd.s32 $0x9000, s7;
	[dreg:$0xd] =	wrdreg s21  }
0xc: {  	s2 =	stileid.u32;
	s23 =	sadd.s32 $0xA000, s7;
	[dreg:$0xe] =	wrdreg s22  }
0xd: {  	s28 =	simm.s32 $0x7400;
	s24 =	sadd.s32 $0xB000, s7;
	[dreg:$0xf] =	wrdreg s23  }
0xe: {  	s30 =	simm.s32 $0x8400;
	s25 =	sadd.s32 $0xC000, s7;
	[dreg:$0x10] =	wrdreg s24  }
0xf: {  	s9 =	simm.s32 $0xB400;
	s26 =	sadd.s32 $0xD000, s7;
	[dreg:$0x11] =	wrdreg s25  }
0x10: {  	s1 =	sand.u32 $0x1, s1;
	s29 =	sadd.s32 $0xE000, s7;
	[dreg:$0x12] =	wrdreg s26  }
0x11: {  	s2 =	sshll.u32 s2, $0x1;
	s31 =	sadd.s32 $0xF000, s7;
	[dreg:$0x13] =	wrdreg s29  }
0x12: {  	s2 =	sor.u32 s1, s2;
	s1 =	ssub.s32 $0x2, s1;
	[dreg:$0x14] =	wrdreg s31  }
0x13: {  	s26 =	simm.s32 $0x6400;
	s25 =	simm.s32 $0x6;
	s4 =	sshll.u32 s2, $0x4  }
.Ltmp0:
0x14: {  	s5 =	sshrl.u32 s1, $0x1;
	s13 =	sshll.u32 s2, $0x7;
	(pc) =	sbr.rel .LBB2_1-.Ltmp0, $4  }
0x15: {  	s6 =	sadd.s32 s4, s0;
	s0 =	sadd.s32 $0xF42A00, s0;
	[dreg:$0x5] =	wrdreg s13  }
0x16: {  	s11 =	ssub.s32 s1, s5;
	[dreg:$0x3] =	wrdreg s0;
	s12 =	sadd.s32 $0x600, s6  }
0x17: {  	v0 =	vlaneseq.u32;
	v1 =	vimm.s32 $0x0;
	vm0 =	vcmask $0x300;
	s2 =	simm.s32 $0x0;
	s0 =	smax.u32 s11, $0x1;
	[dreg:$0x4] =	wrdreg s12  }
0x18: {  	v0 =	vmul.u32 $0x20, v0;
	v1 =	vsel vm0, $0x3, v1;
	[dreg:$0x15] =	wrdreg s0;
	s0 =	simm.s32 $0x9400;
	s12 =	simm.s32 $0xB800  }
.LBB2_16:
0x19: {  	s1 =	simm.s32 $0x5  }
0x1a: {  	_ =	swait.ge [sflag:s1], $0x400  }
0x1b: {  	[sflag:s1] =	ssyncset.done $0x0  }
0x1c: {  	[sflag:s1] =	ssyncadd.s32 $0xFFFFFC00  }
0x1d: {  	_ =	swait.ge [sflag:s1], $0x400  }
0x1e: {  	[sflag:s1] =	ssyncset.done $0x0  }
0x1f: {  	[sflag:s1] =	ssyncadd.s32 $0xFFFFFC00  }
0x20: {  	_ =	swait.ge [sflag:s1], $0x400  }
0x21: {  	[sflag:s1] =	ssyncset.done $0x0  }
0x22: {  	[sflag:s1] =	ssyncadd.s32 $0xFFFFFC00  }
0x23: {  	_ =	swait.ge [sflag:s1], $0x400  }
0x24: {  	[sflag:s1] =	ssyncset.done $0x0  }
0x25: {  	[sflag:s1] =	ssyncadd.s32 $0xFFFFFC00  }
0x26: {  	_ =	swait.ge [sflag:s25], $0x400  }
0x27: {  	[sflag:s25] =	ssyncset.done $0x0  }
0x28: {  	[sflag:s25] =	ssyncadd.s32 $0xFFFFFC00  }
0x29: {  	_ =	swait.ge [sflag:s25], $0x400  }
0x2a: {  	[sflag:s25] =	ssyncset.done $0x0  }
0x2b: {  	[sflag:s25] =	ssyncadd.s32 $0xFFFFFC00  }
0x2c: {  	_ =	swait.ge [sflag:s25], $0x400  }
0x2d: {  	[sflag:s25] =	ssyncset.done $0x0  }
0x2e: {  	[sflag:s25] =	ssyncadd.s32 $0xFFFFFC00  }
0x2f: {  	_ =	swait.ge [sflag:s25], $0x400  }
0x30: {  	s2 =	rddreg [dreg:$0x16]  }
0x31: {  	s31 =	rddreg [dreg:$0x15];
	s2 =	sadd.s32 $0x1, s2  }
0x32: {  	p0 =	sne.s32 s2, s31  }
.Ltmp1:
0x33: {  	_ = 	snop;
	(pc) =	sbr.rel @!p0 .LBB2_17-.Ltmp1, $3  }
0x34: {  	_ =	sdelay $0x1  }
0x35: {  	[sflag:s25] =	ssyncset.done $0x0  }
0x36: {  	[sflag:s25] =	ssyncadd.s32 $0xFFFFFC00  }
.LBB2_1:
0x37: {  	[dreg:$0x16] =	wrdreg s2  }
0x38: {  	s1 =	rddreg [dreg:$0x4]  }
0x39: {  	s22 =	simm.s32 $0x80;
	s4 =	simm.s32 $0x1000;
	s23 =	simm.s32 $0x7  }
0x3a: {  	[tilespmem:s3], [sflag:$0x7] =	stream.strided.gather [hbm4b:s1+s22], $0x6400, s4, s22, $0x38;
	[tilespmem:$0xC400] =	vst v63  }
0x3b: {  	_ =	swait.ge [sflag:s23], $0x6400  }
0x3c: {  	[sflag:s23] =	ssyncset.done $0x0  }
0x3d: {  	s24 =	rddreg [dreg:$0x3];
	[sflag:s23] =	ssyncadd.s32 $0xFFFF9C00  }
0x3e: {  	[tilespmem:s26], [sflag:$0x1] =	stream.indirect.gather [hbm4b:s24+s22], $0x20, s3, s22, $0xb8;
	[tilespmem:$0xC400] =	vst v63  }
0x3f: {  	_ = 	snop  }
0x40: {  	[tilespmem:s28], [sflag:$0x2] =	stream.indirect.gather [hbm4b:s24+s22], $0x20, s22, s22, $0xb8;
	[tilespmem:$0xC400] =	vst v63  }
0x41: {  	s29 =	simm.s32 $0x100  }
0x42: {  	[tilespmem:s30], [sflag:$0x3] =	stream.indirect.gather [hbm4b:s24+s22], $0x20, s29, s22, $0xb8;
	[tilespmem:$0xC400] =	vst v63  }
0x43: {  	s31 =	simm.s32 $0x180;
	s11 =	simm.s32 $0x0  }
0x44: {  	[tilespmem:s0], [sflag:$0x4] =	stream.indirect.gather [hbm4b:s24+s22], $0x20, s31, s22, $0xb8;
	[tilespmem:$0xC400] =	vst v63  }
.LBB2_2:
0x45: {  	s13 =	simm.s32 $0x0;
	s14 =	simm.s32 $0x0  }
0x46: {  	s1 =	simm.s32 $0x1;
	s15 =	sand.u32 $0x10, s13;
	s5 =	sand.u32 $0x70, s14  }
0x47: {  	s18 =	sor.u32 $0x9, s15;
	v3 =	vmov s15;
	s19 =	sor.u32 $0xA, s15;
	s2 =	sor.u32 $0xF, s15;
	v10 =	vmov s5  }
0x48: {  	s17 =	sor.u32 $0xB, s15;
	s20 =	sor.u32 $0xC, s15;
	s16 =	sor.u32 $0xD, s15;
	v2 =	vmov s18;
	v4 =	vmov s19;
	v5 =	vmov s2  }
0x49: {  	_ =	swait.ge [sflag:s1], $0x1000;
	s21 =	sor.u32 $0xE, s15;
	v6 =	vmov s17;
	v7 =	vmov s20;
	v8 =	vmov s16  }
0x4a: {  	p0 =	seq.s32 s11, $0x0;
	[sflag:s1] =	ssyncset.done $0x0;
	v9 =	vmov s21;
	v3 =	vshrl.u32 v3, $0x3;
	v5 =	vshrl.u32 v5, $0x3  }
0x4b: {  	s6 =	simm.s32 @!p0 $0x5;
	[sflag:s1] =	ssyncadd.s32 $0xFFFFF000;
	v11 =	vshrl.u32 v2, $0x3;
	v4 =	vshrl.u32 v4, $0x3;
	v3 =	vshll.u32 v3, v1  }
0x4c: {  	_ =	swait.ge @!p0 [sflag:s6], $0x400;
	v5 =	vshll.u32 v5, v1;
	v11 =	vshll.u32 v11, v1;
	v4 =	vshll.u32 v4, v1  }
0x4d: {  	[sflag:s6] =	ssyncset.done @!p0 $0x0;
	v12 =	vor.u32 $0x1, v3;
	v13 =	vor.u32 $0x2, v3;
	v14 =	vor.u32 $0x3, v3  }
0x4e: {  	v15 =	vor.u32 $0x4, v3;
	v16 =	vor.u32 $0x5, v3;
	v17 =	vor.u32 $0x6, v3;
	[sflag:s6] =	ssyncadd.s32 @!p0 $0xFFFFFC00  }
0x4f: {  	v18 =	vor.u32 $0x7, v3;
	v2 =	vor.u32 $0x7, v5;
	v5 =	vshll.u32 v10, $0x5;
	_ =	swait.ge @!p0 [sflag:s6], $0x400  }
0x50: {  	v11 =	vor.u32 $0x1, v11;
	v25 =	vbroadcast v12, $0x0;
	v12 =	vbroadcast v14, $0x0;
	[sflag:s6] =	ssyncset.done @!p0 $0x0  }
0x51: {  	v4 =	vor.u32 $0x2, v4;
	v14 =	vbroadcast v16, $0x0;
	v10 =	vbroadcast v2, $0x0;
	[sflag:s6] =	ssyncadd.s32 @!p0 $0xFFFFFC00  }
0x52: {  	v2 =	vor.u32 v0, v5;
	v5 =	vshrl.u32 v6, $0x3;
	v6 =	vshrl.u32 v7, $0x3;
	_ =	swait.ge @!p0 [sflag:s6], $0x400  }
0x53: {  	v7 =	vshrl.u32 v8, $0x3;
	v8 =	vshrl.u32 v9, $0x3;
	v9 =	vor.u32 v2, v10;
	[sflag:s6] =	ssyncset.done @!p0 $0x0  }
0x54: {  	v11 =	vbroadcast v11, $0x0;
	v4 =	vbroadcast v4, $0x0;
	v5 =	vshll.u32 v5, v1;
	[sflag:s6] =	ssyncadd.s32 @!p0 $0xFFFFFC00  }
0x55: {  	s23 =	sor.u32 $0x8, s15;
	v6 =	vshll.u32 v6, v1;
	v7 =	vshll.u32 v7, v1;
	v8 =	vshll.u32 v8, v1;
	_ =	swait.ge @!p0 [sflag:s6], $0x400  }
0x56: {  	s8 =	sshll.u32 s11, $0xB;
	v10 =	vmov s23;
	v5 =	vor.u32 $0x3, v5;
	v6 =	vor.u32 $0x4, v6;
	[sflag:s6] =	ssyncset.done @!p0 $0x0  }
0x57: {  	v7 =	vor.u32 $0x5, v7;
	v22 =	vor.u32 v2, v11;
	v11 =	vbroadcast v15, $0x0;
	[dreg:$0x17] =	wrdreg s8;
	[sflag:s6] =	ssyncadd.s32 @!p0 $0xFFFFFC00  }
0x58: {  	s29 =	sshll.u32 s15, $0x7;
	s10 =	sshll.u32 s23, $0x7;
	s18 =	sshll.u32 s18, $0x7;
	v8 =	vor.u32 $0x6, v8;
	v15 =	vbroadcast v3, $0x0;
	v19 =	vbroadcast v5, $0x0;
	v21 =	vld.idx.msk [tilespmem:v9+s26+$0x0], $0xffff  }
0x59: {  	s19 =	sshll.u32 s19, $0x7;
	s17 =	sshll.u32 s17, $0x7;
	s22 =	sshll.u32 s20, $0x7;
	v10 =	vshrl.u32 v10, $0x3;
	v20 =	vbroadcast v6, $0x0;
	v6 =	vor.u32 v2, v4  }
0x5a: {  	s16 =	sshll.u32 s16, $0x7;
	s31 =	sshll.u32 s21, $0x7;
	s2 =	sshll.u32 s2, $0x7;
	v23 =	vbroadcast v7, $0x0;
	v24 =	vbroadcast v8, $0x0;
	v8 =	vor.u32 v2, v19  }
0x5b: {  	s15 =	sor.u32 s5, s10;
	s24 =	sor.u32 s5, s18;
	s21 =	sor.u32 s5, s19;
	v3 =	vor.u32 v2, v25;
	v10 =	vshll.u32 v10, v1;
	v9 =	vor.u32 v2, v20  }
0x5c: {  	s20 =	sor.u32 s5, s17;
	s17 =	sor.u32 s5, s22;
	s2 =	sor.u32 s5, s2;
	v5 =	vbroadcast v13, $0x0;
	v7 =	vbroadcast v10, $0x0;
	v10 =	vor.u32 v2, v23  }
0x5d: {  	s18 =	sor.u32 s5, s16;
	s16 =	sor.u32 s5, s29;
	s19 =	sor.u32 s5, s31;
	v13 =	vbroadcast v17, $0x0;
	v17 =	vbroadcast v18, $0x0;
	v16 =	vor.u32 v2, v24;
	v4 =	vld.idx.msk [tilespmem:v22+s26+$0x0], $0xffff;
	[tilespmem:s2+$0xA400] =	vst v21  }
.LBB2_3:
0x5e: {  	s13 =	sadd.s32 $0x10, s13;
	v5 =	vor.u32 v2, v5;
	v12 =	vor.u32 v2, v12;
	v11 =	vor.u32 v2, v11;
	v6 =	vld.idx.msk [tilespmem:v6+s26+$0x0], $0xffff  }
0x5f: {  	v14 =	vor.u32 v2, v14;
	v13 =	vor.u32 v2, v13;
	v17 =	vor.u32 v2, v17;
	s2 =	sand.u32 $0x10, s13;
	p1 =	slt.u32 s13, $0xF0;
	v8 =	vld.idx.msk [tilespmem:v8+s26+$0x0], $0xffff  }
0x60: {  	v7 =	vor.u32 v7, v2;
	v15 =	vor.u32 v15, v2;
	v18 =	vmov s2;
	s6 =	sor.u32 $0x9, s2;
	s23 =	sor.u32 $0xA, s2;
	s29 =	sor.u32 $0xF, s2;
	v9 =	vld.idx.msk [tilespmem:v9+s26+$0x0], $0xffff  }
0x61: {  	s31 =	sor.u32 $0xB, s2;
	s7 =	sor.u32 $0xC, s2;
	s1 =	sor.u32 $0xD, s2;
	v2 =	vmov s6;
	v19 =	vmov s23;
	v20 =	vmov s29;
	v10 =	vld.idx.msk [tilespmem:v10+s26+$0x0], $0xffff  }
0x62: {  	s14 =	sadd.s32 $0x8, s14;
	s22 =	sor.u32 $0x8, s2;
	s8 =	sor.u32 $0xE, s2;
	v21 =	vmov s31;
	v22 =	vmov s7;
	v20 =	vshrl.u32 v20, $0x3;
	v16 =	vld.idx.msk [tilespmem:v16+s26+$0x0], $0xffff  }
0x63: {  	s5 =	sand.u32 $0x70, s14;
	s10 =	sshll.u32 s22, $0x7;
	s6 =	sshll.u32 s6, $0x7;
	v23 =	vmov s1;
	v24 =	vmov s8;
	v20 =	vshll.u32 v20, v1;
	v3 =	vld.idx.msk [tilespmem:v3+s26+$0x0], $0xffff;
	[tilespmem:s24+$0xA400] =	vst v4  }
0x64: {  	s23 =	sshll.u32 s23, $0x7;
	s31 =	sshll.u32 s31, $0x7;
	s7 =	sshll.u32 s7, $0x7;
	v25 =	vshrl.u32 v2, $0x3;
	v4 =	vmov s5;
	v2 =	vor.u32 $0x7, v20;
	v5 =	vld.idx.msk [tilespmem:v5+s26+$0x0], $0xffff;
	[tilespmem:s21+$0xA400] =	vst v6  }
0x65: {  	s4 =	sshll.u32 s2, $0x7;
	s1 =	sshll.u32 s1, $0x7;
	s8 =	sshll.u32 s8, $0x7;
	v4 =	vshll.u32 v4, $0x5;
	v6 =	vshrl.u32 v19, $0x3;
	v19 =	vbroadcast v2, $0x0;
	v12 =	vld.idx.msk [tilespmem:v12+s26+$0x0], $0xffff;
	[tilespmem:s20+$0xA400] =	vst v8  }
0x66: {  	s2 =	sor.u32 s5, s10;
	s24 =	sor.u32 s5, s6;
	s21 =	sor.u32 s5, s23;
	v2 =	vor.u32 v0, v4;
	v4 =	vshrl.u32 v21, $0x3;
	v8 =	vshrl.u32 v22, $0x3;
	v11 =	vld.idx.msk [tilespmem:v11+s26+$0x0], $0xffff;
	[tilespmem:s17+$0xA400] =	vst v9  }
0x67: {  	v20 =	vshrl.u32 v24, $0x3;
	s20 =	sor.u32 s5, s31;
	s17 =	sor.u32 s5, s7;
	v9 =	vshrl.u32 v23, $0x3;
	v19 =	vor.u32 v2, v19;
	v14 =	vld.idx.msk [tilespmem:v14+s26+$0x0], $0xffff;
	[tilespmem:s18+$0xA400] =	vst v10;
	s18 =	sor.u32 s5, s1  }
0x68: {  	s23 =	sor.u32 s5, s4;
	v21 =	vshll.u32 v25, v1;
	v10 =	vshrl.u32 v18, $0x3;
	v18 =	vmov s22;
	v13 =	vld.idx.msk [tilespmem:v13+s26+$0x0], $0xffff;
	[tilespmem:s19+$0xA400] =	vst v16;
	s19 =	sor.u32 s5, s8  }
0x69: {  	v6 =	vshll.u32 v6, v1;
	v4 =	vshll.u32 v4, v1;
	v8 =	vshll.u32 v8, v1;
	v16 =	vld.idx.msk [tilespmem:v17+s26+$0x0], $0xffff  }
0x6a: {  	v9 =	vshll.u32 v9, v1;
	v22 =	vshll.u32 v10, v1;
	v10 =	vshll.u32 v20, v1;
	v7 =	vld.idx.msk [tilespmem:v7+s26+$0x0], $0xffff  }
0x6b: {  	v6 =	vor.u32 $0x2, v6;
	v17 =	vshrl.u32 v18, $0x3;
	v18 =	vor.u32 $0x1, v21;
	v15 =	vld.idx.msk [tilespmem:v15+s26+$0x0], $0xffff;
	[tilespmem:s16+$0xA480] =	vst v3  }
0x6c: {  	v3 =	vor.u32 $0x3, v4;
	v4 =	vor.u32 $0x4, v8;
	v8 =	vor.u32 $0x5, v9;
	v9 =	vld.idx.msk [tilespmem:v19+s26+$0x0], $0xffff;
	[tilespmem:s16+$0xA500] =	vst v5  }
0x6d: {  	v10 =	vor.u32 $0x6, v10;
	v5 =	vor.u32 $0x1, v22;
	v19 =	vor.u32 $0x2, v22;
	[tilespmem:s16+$0xA580] =	vst v12  }
0x6e: {  	v20 =	vor.u32 $0x4, v22;
	v21 =	vor.u32 $0x5, v22;
	v12 =	vor.u32 $0x3, v22;
	[tilespmem:s16+$0xA600] =	vst v11  }
0x6f: {  	v23 =	vor.u32 $0x6, v22;
	v24 =	vor.u32 $0x7, v22;
	v25 =	vshll.u32 v17, v1;
	[tilespmem:s16+$0xA680] =	vst v14  }
0x70: {  	v6 =	vbroadcast v6, $0x0;
	s1 =	sshll.u32 s29, $0x7;
	v11 =	vbroadcast v18, $0x0;
	[tilespmem:s16+$0xA700] =	vst v13  }
0x71: {  	s1 =	sor.u32 s5, s1;
	v3 =	vbroadcast v3, $0x0;
	v4 =	vbroadcast v4, $0x0;
	[tilespmem:s16+$0xA780] =	vst v16  }
0x72: {  	v26 =	vbroadcast v10, $0x0;
	v18 =	vbroadcast v8, $0x0;
	v16 =	vor.u32 v2, v11;
	[tilespmem:s1+$0xA400] =	vst v9  }
.Ltmp2:
0x73: {  	v6 =	vor.u32 v2, v6;
	v27 =	vbroadcast v5, $0x0;
	v5 =	vbroadcast v19, $0x0;
	[tilespmem:s15+$0xA400] =	vst v7;
	s15 =	smov.u32 s2;
	(pc) =	sbr.rel @p1 .LBB2_3-.Ltmp2, $4  }
0x74: {  	v12 =	vbroadcast v12, $0x0;
	v8 =	vor.u32 v2, v3;
	v11 =	vbroadcast v20, $0x0;
	[tilespmem:s16+$0xA400] =	vst v15;
	s16 =	smov.u32 s23  }
0x75: {  	v14 =	vbroadcast v21, $0x0;
	v13 =	vbroadcast v23, $0x0;
	v9 =	vor.u32 v2, v4  }
0x76: {  	v17 =	vbroadcast v24, $0x0;
	v10 =	vor.u32 v2, v18;
	v7 =	vbroadcast v25, $0x0  }
0x77: {  	v3 =	vor.u32 v2, v27;
	v15 =	vbroadcast v22, $0x0;
	v4 =	vld.idx.msk [tilespmem:v16+s26+$0x0], $0xffff;
	v16 =	vor.u32 v2, v26  }
0x78: {  	_ =	sdelay $0x3  }
0x79: {  	v6 =	vld.idx.msk [tilespmem:v6+s26+$0x0], $0xffff  }
0x7a: {  	v5 =	vor.u32 v2, v5;
	v8 =	vld.idx.msk [tilespmem:v8+s26+$0x0], $0xffff  }
0x7b: {  	v12 =	vor.u32 v2, v12;
	v9 =	vld.idx.msk [tilespmem:v9+s26+$0x0], $0xffff  }
0x7c: {  	v11 =	vor.u32 v2, v11;
	v10 =	vld.idx.msk [tilespmem:v10+s26+$0x0], $0xffff  }
0x7d: {  	v14 =	vor.u32 v2, v14;
	v16 =	vld.idx.msk [tilespmem:v16+s26+$0x0], $0xffff;
	[tilespmem:s24+$0xA400] =	vst v4  }
0x7e: {  	v58 =	vor.u32 v2, v13;
	v3 =	vld.idx.msk [tilespmem:v3+s26+$0x0], $0xffff;
	[tilespmem:s21+$0xA400] =	vst v6  }
0x7f: {  	v59 =	vor.u32 v2, v17;
	v5 =	vld.idx.msk [tilespmem:v5+s26+$0x0], $0xffff;
	[tilespmem:s20+$0xA400] =	vst v8  }
0x80: {  	v7 =	vor.u32 v7, v2;
	v60 =	vld.idx.msk [tilespmem:v12+s26+$0x0], $0xffff;
	[tilespmem:s17+$0xA400] =	vst v9  }
0x81: {  	v61 =	vld.idx.msk [tilespmem:v11+s26+$0x0], $0xffff;
	[tilespmem:s18+$0xA400] =	vst v10  }
0x82: {  	v2 =	vor.u32 v15, v2;
	v62 =	vld.idx.msk [tilespmem:v14+s26+$0x0], $0xffff;
	[tilespmem:s19+$0xA400] =	vst v16  }
0x83: {  	v4 =	vld.idx.msk [tilespmem:v58+s26+$0x0], $0xffff;
	[tilespmem:s16+$0xA480] =	vst v3  }
0x84: {  	v3 =	vld.idx.msk [tilespmem:v59+s26+$0x0], $0xffff;
	[tilespmem:s16+$0xA500] =	vst v5  }
0x85: {  	v63 =	vld.idx.msk [tilespmem:v7+s26+$0x0], $0xffff;
	[tilespmem:s16+$0xA580] =	vst v60  }
0x86: {  	[tilespmem:s16+$0xA600] =	vst v61  }
0x87: {  	v2 =	vld.idx.msk [tilespmem:v2+s26+$0x0], $0xffff;
	[tilespmem:s16+$0xA680] =	vst v62  }
0x88: {  	[tilespmem:s16+$0xA700] =	vst v4  }
0x89: {  	[tilespmem:s16+$0xA780] =	vst v3  }
0x8a: {  	[tilespmem:s15+$0xA400] =	vst v63  }
0x8b: {  	s1 =	sshll.u32 s11, $0x10;
	s2 =	rddreg [dreg:$0x5]  }
0x8c: {  	s19 =	rddreg [dreg:$0x1];
	[tilespmem:s16+$0xA400] =	vst v2;
	s13 =	sor.u32 s2, s1  }
0x8d: {  	s20 =	simm.s32 $0xA400;
	s21 =	rddreg [dreg:$0x6];
	s1 =	sadd.s32 s19, s13  }
0x8e: {  	[hbm4b:s1+s3] =	stream.linear.scatter [tilespmem:s20], [sflag:$0x5], $0x400, $0x38;
	[tilespmem:$0xC400] =	vst v63  }
0x8f: {  	s22 =	simm.s32 $0xA800;
	p1 =	sne.s32 s11, $0x31;
	s1 =	sadd.s32 s13, s21  }
0x90: {  	[hbm4b:s1+s3] =	stream.linear.scatter [tilespmem:s22], [sflag:$0x5], $0x400, $0x38;
	[tilespmem:$0xC400] =	vst v63  }
.Ltmp3:
0x91: {  	s23 =	rddreg [dreg:$0x7];
	(pc) =	sbr.rel @p1 .LBB2_6-.Ltmp3, $4  }
0x92: {  	s24 =	simm.s32 $0xAC00;
	s29 =	rddreg [dreg:$0x8];
	s1 =	sadd.s32 s13, s23  }
0x93: {  	[hbm4b:s1+s3] =	stream.linear.scatter [tilespmem:s24], [sflag:$0x5], $0x400, $0x38;
	[tilespmem:$0xC400] =	vst v63  }
0x94: {  	s31 =	simm.s32 $0xB000;
	s1 =	sadd.s32 s13, s29  }
0x95: {  	[hbm4b:s1+s3] =	stream.linear.scatter [tilespmem:s31], [sflag:$0x5], $0x400, $0x38;
	[tilespmem:$0xC400] =	vst v63  }
.Ltmp4:
0x96: {  	(pc) =	sbr.rel .LBB2_7-.Ltmp4, $4  }
0x97: {  	s1 =	simm.s32 $0x2  }
0x98: {  	_ =	swait.ge [sflag:s1], $0x1000  }
0x99: {  	[sflag:s1] =	ssyncset.done $0x0  }
0x9a: {  	[sflag:s1] =	ssyncadd.s32 $0xFFFFF000  }
.LBB2_6:
0x9b: {  	s1 =	rddreg [dreg:$0x17]  }
0x9c: {  	s2 =	rddreg [dreg:$0x3];
	s4 =	simm.s32 $0x80;
	s1 =	sshrl.u32 s1, $0x2  }
.Ltmp5:
0x9d: {  	s31 =	simm.s32 $0x2;
	s1 =	sadd.s32 $0x200, s1;
	(pc) =	sbr.rel @p0 .LBB2_8-.Ltmp5, $4  }
0x9e: {  	[tilespmem:s26], [sflag:$0x1] =	stream.indirect.gather [hbm4b:s2+s4], $0x20, s1, s4, $0xb8;
	[tilespmem:$0xC400] =	vst v63  }
0x9f: {  	_ =	swait.ge [sflag:s31], $0x1000  }
0xa0: {  	[sflag:s31] =	ssyncset.done $0x0  }
0xa1: {  	[sflag:s31] =	ssyncadd.s32 $0xFFFFF000  }
.LBB2_7:
0xa2: {  	_ =	swait.ge [sflag:s25], $0x400  }
0xa3: {  	[sflag:s25] =	ssyncset.done $0x0  }
0xa4: {  	[sflag:s25] =	ssyncadd.s32 $0xFFFFFC00  }
0xa5: {  	_ =	swait.ge [sflag:s25], $0x400  }
0xa6: {  	[sflag:s25] =	ssyncset.done $0x0  }
0xa7: {  	[sflag:s25] =	ssyncadd.s32 $0xFFFFFC00  }
0xa8: {  	_ =	swait.ge [sflag:s25], $0x400  }
0xa9: {  	[sflag:s25] =	ssyncset.done $0x0  }
0xaa: {  	[sflag:s25] =	ssyncadd.s32 $0xFFFFFC00  }
0xab: {  	_ =	swait.ge [sflag:s25], $0x400  }
0xac: {  	[sflag:s25] =	ssyncset.done $0x0  }
0xad: {  	[sflag:s25] =	ssyncadd.s32 $0xFFFFFC00  }
.LBB2_8:
0xae: {  	s14 =	simm.s32 $0x0;
	s15 =	simm.s32 $0x0  }
0xaf: {  	s16 =	sand.u32 $0x10, s14;
	s2 =	sand.u32 $0x70, s15  }
0xb0: {  	s1 =	sor.u32 $0x9, s16;
	v3 =	vmov s16;
	s4 =	sor.u32 $0xA, s16;
	s5 =	sor.u32 $0xF, s16;
	v10 =	vmov s2  }
0xb1: {  	s6 =	sor.u32 $0xB, s16;
	s7 =	sor.u32 $0xC, s16;
	s8 =	sor.u32 $0xD, s16;
	v2 =	vmov s1;
	v4 =	vmov s4;
	v5 =	vmov s5  }
0xb2: {  	s10 =	sor.u32 $0xE, s16;
	v6 =	vmov s6;
	v7 =	vmov s7;
	v8 =	vmov s8  }
0xb3: {  	v9 =	vmov s10;
	v3 =	vshrl.u32 v3, $0x3;
	v5 =	vshrl.u32 v5, $0x3  }
0xb4: {  	v11 =	vshrl.u32 v2, $0x3;
	v4 =	vshrl.u32 v4, $0x3;
	v3 =	vshll.u32 v3, v1  }
0xb5: {  	v5 =	vshll.u32 v5, v1;
	v11 =	vshll.u32 v11, v1;
	v4 =	vshll.u32 v4, v1  }
0xb6: {  	v12 =	vor.u32 $0x1, v3;
	v13 =	vor.u32 $0x2, v3;
	v14 =	vor.u32 $0x3, v3  }
0xb7: {  	v15 =	vor.u32 $0x4, v3;
	v16 =	vor.u32 $0x5, v3;
	v17 =	vor.u32 $0x6, v3  }
0xb8: {  	v18 =	vor.u32 $0x7, v3;
	v2 =	vor.u32 $0x7, v5;
	v5 =	vshll.u32 v10, $0x5  }
0xb9: {  	v11 =	vor.u32 $0x1, v11;
	v25 =	vbroadcast v12, $0x0;
	v12 =	vbroadcast v14, $0x0  }
0xba: {  	v4 =	vor.u32 $0x2, v4;
	v14 =	vbroadcast v16, $0x0;
	v10 =	vbroadcast v2, $0x0  }
0xbb: {  	v2 =	vor.u32 v0, v5;
	v5 =	vshrl.u32 v6, $0x3;
	v6 =	vshrl.u32 v7, $0x3  }
0xbc: {  	v7 =	vshrl.u32 v8, $0x3;
	v8 =	vshrl.u32 v9, $0x3;
	v9 =	vor.u32 v2, v10  }
0xbd: {  	v11 =	vbroadcast v11, $0x0;
	v4 =	vbroadcast v4, $0x0;
	v5 =	vshll.u32 v5, v1  }
0xbe: {  	s17 =	sor.u32 $0x8, s16;
	s16 =	sshll.u32 s16, $0x7;
	v6 =	vshll.u32 v6, v1;
	v7 =	vshll.u32 v7, v1;
	v8 =	vshll.u32 v8, v1  }
0xbf: {  	s1 =	sshll.u32 s1, $0x7;
	s4 =	sshll.u32 s4, $0x7;
	s6 =	sshll.u32 s6, $0x7;
	v10 =	vmov s17;
	v5 =	vor.u32 $0x3, v5;
	v6 =	vor.u32 $0x4, v6  }
0xc0: {  	s7 =	sshll.u32 s7, $0x7;
	s8 =	sshll.u32 s8, $0x7;
	s10 =	sshll.u32 s10, $0x7;
	v7 =	vor.u32 $0x5, v7;
	v22 =	vor.u32 v2, v11;
	v11 =	vbroadcast v15, $0x0  }
0xc1: {  	s31 =	sshll.u32 s5, $0x7;
	s16 =	sor.u32 s2, s16;
	s1 =	sor.u32 s2, s1;
	v8 =	vor.u32 $0x6, v8;
	v15 =	vbroadcast v3, $0x0;
	v19 =	vbroadcast v5, $0x0;
	v21 =	vld.idx.msk [tilespmem:v9+s28+$0x0], $0xffff  }
0xc2: {  	s4 =	sor.u32 s2, s4;
	s6 =	sor.u32 s2, s6;
	s7 =	sor.u32 s2, s7;
	v10 =	vshrl.u32 v10, $0x3;
	v20 =	vbroadcast v6, $0x0;
	v6 =	vor.u32 v2, v4  }
0xc3: {  	s8 =	sor.u32 s2, s8;
	s10 =	sor.u32 s2, s10;
	s29 =	sor.u32 $0x1080, s1;
	v23 =	vbroadcast v7, $0x0;
	v24 =	vbroadcast v8, $0x0;
	v8 =	vor.u32 v2, v19  }
0xc4: {  	s24 =	sor.u32 $0x1100, s4;
	s20 =	sor.u32 $0x1180, s6;
	s1 =	sor.u32 s2, s31;
	v3 =	vor.u32 v2, v25;
	v10 =	vshll.u32 v10, v1;
	v9 =	vor.u32 v2, v20  }
0xc5: {  	s21 =	sor.u32 $0x1200, s7;
	s1 =	sor.u32 $0x1380, s1;
	s17 =	sshll.u32 s17, $0x7;
	v5 =	vbroadcast v13, $0x0;
	v7 =	vbroadcast v10, $0x0;
	v10 =	vor.u32 v2, v23  }
0xc6: {  	s19 =	sor.u32 $0x1280, s8;
	s18 =	sor.u32 $0x1300, s10;
	v13 =	vbroadcast v17, $0x0;
	v17 =	vbroadcast v18, $0x0;
	s17 =	sor.u32 s2, s17;
	v16 =	vor.u32 v2, v24;
	v4 =	vld.idx.msk [tilespmem:v22+s28+$0x0], $0xffff;
	[tilespmem:s1+$0xA400] =	vst v21  }
.LBB2_9:
0xc7: {  	s14 =	sadd.s32 $0x10, s14;
	v5 =	vor.u32 v2, v5;
	v12 =	vor.u32 v2, v12;
	v11 =	vor.u32 v2, v11;
	v6 =	vld.idx.msk [tilespmem:v6+s28+$0x0], $0xffff  }
0xc8: {  	v14 =	vor.u32 v2, v14;
	v13 =	vor.u32 v2, v13;
	v17 =	vor.u32 v2, v17;
	s2 =	sand.u32 $0x10, s14;
	p0 =	slt.u32 s14, $0xF0;
	v8 =	vld.idx.msk [tilespmem:v8+s28+$0x0], $0xffff  }
0xc9: {  	v7 =	vor.u32 v7, v2;
	v15 =	vor.u32 v15, v2;
	v18 =	vmov s2;
	s1 =	sor.u32 $0x9, s2;
	s4 =	sor.u32 $0xA, s2;
	s31 =	sor.u32 $0xF, s2;
	v9 =	vld.idx.msk [tilespmem:v9+s28+$0x0], $0xffff  }
0xca: {  	s6 =	sor.u32 $0xB, s2;
	s7 =	sor.u32 $0xC, s2;
	s8 =	sor.u32 $0xD, s2;
	v2 =	vmov s1;
	v19 =	vmov s4;
	v20 =	vmov s31;
	v10 =	vld.idx.msk [tilespmem:v10+s28+$0x0], $0xffff  }
0xcb: {  	s15 =	sadd.s32 $0x8, s15;
	s10 =	sor.u32 $0x8, s2;
	s22 =	sor.u32 $0xE, s2;
	v21 =	vmov s6;
	v22 =	vmov s7;
	v20 =	vshrl.u32 v20, $0x3;
	v16 =	vld.idx.msk [tilespmem:v16+s28+$0x0], $0xffff  }
0xcc: {  	s5 =	sand.u32 $0x70, s15;
	s1 =	sshll.u32 s1, $0x7;
	s4 =	sshll.u32 s4, $0x7;
	v23 =	vmov s8;
	v24 =	vmov s22;
	v20 =	vshll.u32 v20, v1;
	v3 =	vld.idx.msk [tilespmem:v3+s28+$0x0], $0xffff;
	[tilespmem:s29+$0xA400] =	vst v4  }
0xcd: {  	s6 =	sshll.u32 s6, $0x7;
	s7 =	sshll.u32 s7, $0x7;
	s8 =	sshll.u32 s8, $0x7;
	v25 =	vshrl.u32 v2, $0x3;
	v4 =	vmov s5;
	v2 =	vor.u32 $0x7, v20;
	v5 =	vld.idx.msk [tilespmem:v5+s28+$0x0], $0xffff;
	[tilespmem:s24+$0xA400] =	vst v6  }
0xce: {  	s22 =	sshll.u32 s22, $0x7;
	s1 =	sor.u32 s5, s1;
	s4 =	sor.u32 s5, s4;
	v4 =	vshll.u32 v4, $0x5;
	v6 =	vshrl.u32 v19, $0x3;
	v19 =	vbroadcast v2, $0x0;
	v12 =	vld.idx.msk [tilespmem:v12+s28+$0x0], $0xffff;
	[tilespmem:s20+$0xA400] =	vst v8  }
0xcf: {  	s6 =	sor.u32 s5, s6;
	s7 =	sor.u32 s5, s7;
	s8 =	sor.u32 s5, s8;
	v2 =	vor.u32 v0, v4;
	v4 =	vshrl.u32 v21, $0x3;
	v8 =	vshrl.u32 v22, $0x3;
	v11 =	vld.idx.msk [tilespmem:v11+s28+$0x0], $0xffff;
	[tilespmem:s21+$0xA400] =	vst v9  }
0xd0: {  	s2 =	sshll.u32 s2, $0x7;
	s23 =	sshll.u32 s10, $0x7;
	s22 =	sor.u32 s5, s22;
	v20 =	vshrl.u32 v24, $0x3;
	v9 =	vshrl.u32 v23, $0x3;
	v19 =	vor.u32 v2, v19;
	v14 =	vld.idx.msk [tilespmem:v14+s28+$0x0], $0xffff;
	[tilespmem:s19+$0xA400] =	vst v10  }
0xd1: {  	s29 =	sor.u32 $0x1080, s1;
	s24 =	sor.u32 $0x1100, s4;
	v21 =	vshll.u32 v25, v1;
	s20 =	sor.u32 $0x1180, s6;
	v10 =	vshrl.u32 v18, $0x3;
	v18 =	vmov s10;
	v13 =	vld.idx.msk [tilespmem:v13+s28+$0x0], $0xffff;
	[tilespmem:s18+$0xA400] =	vst v16  }
0xd2: {  	v6 =	vshll.u32 v6, v1;
	v4 =	vshll.u32 v4, v1;
	v8 =	vshll.u32 v8, v1;
	s21 =	sor.u32 $0x1200, s7;
	s19 =	sor.u32 $0x1280, s8;
	s18 =	sor.u32 $0x1300, s22;
	v16 =	vld.idx.msk [tilespmem:v17+s28+$0x0], $0xffff  }
0xd3: {  	s1 =	sor.u32 s5, s2;
	s2 =	sor.u32 s5, s23;
	v9 =	vshll.u32 v9, v1;
	v22 =	vshll.u32 v10, v1;
	v10 =	vshll.u32 v20, v1;
	v7 =	vld.idx.msk [tilespmem:v7+s28+$0x0], $0xffff  }
0xd4: {  	v6 =	vor.u32 $0x2, v6;
	v17 =	vshrl.u32 v18, $0x3;
	v18 =	vor.u32 $0x1, v21;
	v15 =	vld.idx.msk [tilespmem:v15+s28+$0x0], $0xffff;
	[tilespmem:s16+$0xB480] =	vst v3  }
0xd5: {  	v3 =	vor.u32 $0x3, v4;
	v4 =	vor.u32 $0x4, v8;
	v8 =	vor.u32 $0x5, v9;
	v9 =	vld.idx.msk [tilespmem:v19+s28+$0x0], $0xffff;
	[tilespmem:s16+$0xB500] =	vst v5  }
0xd6: {  	v10 =	vor.u32 $0x6, v10;
	v5 =	vor.u32 $0x1, v22;
	v19 =	vor.u32 $0x2, v22;
	[tilespmem:s16+$0xB580] =	vst v12  }
0xd7: {  	v20 =	vor.u32 $0x4, v22;
	v21 =	vor.u32 $0x5, v22;
	v12 =	vor.u32 $0x3, v22;
	[tilespmem:s16+$0xB600] =	vst v11  }
0xd8: {  	s4 =	sshll.u32 s31, $0x7;
	v23 =	vor.u32 $0x6, v22;
	v24 =	vor.u32 $0x7, v22;
	v25 =	vshll.u32 v17, v1;
	[tilespmem:s16+$0xB680] =	vst v14  }
0xd9: {  	s4 =	sor.u32 s5, s4;
	v6 =	vbroadcast v6, $0x0;
	v11 =	vbroadcast v18, $0x0;
	[tilespmem:s16+$0xB700] =	vst v13  }
0xda: {  	s4 =	sor.u32 $0x1380, s4;
	v3 =	vbroadcast v3, $0x0;
	v4 =	vbroadcast v4, $0x0;
	[tilespmem:s16+$0xB780] =	vst v16  }
0xdb: {  	v26 =	vbroadcast v10, $0x0;
	v18 =	vbroadcast v8, $0x0;
	v16 =	vor.u32 v2, v11;
	[tilespmem:s4+$0xA400] =	vst v9  }
.Ltmp6:
0xdc: {  	v6 =	vor.u32 v2, v6;
	v27 =	vbroadcast v5, $0x0;
	v5 =	vbroadcast v19, $0x0;
	[tilespmem:s17+$0xB400] =	vst v7;
	s17 =	smov.u32 s2;
	(pc) =	sbr.rel @p0 .LBB2_9-.Ltmp6, $4  }
0xdd: {  	v12 =	vbroadcast v12, $0x0;
	v8 =	vor.u32 v2, v3;
	v11 =	vbroadcast v20, $0x0;
	[tilespmem:s16+$0xB400] =	vst v15;
	s16 =	smov.u32 s1  }
0xde: {  	v14 =	vbroadcast v21, $0x0;
	v13 =	vbroadcast v23, $0x0;
	v9 =	vor.u32 v2, v4  }
0xdf: {  	v17 =	vbroadcast v24, $0x0;
	v10 =	vor.u32 v2, v18;
	v7 =	vbroadcast v25, $0x0  }
0xe0: {  	v3 =	vor.u32 v2, v27;
	v15 =	vbroadcast v22, $0x0;
	v4 =	vld.idx.msk [tilespmem:v16+s28+$0x0], $0xffff;
	v16 =	vor.u32 v2, v26  }
0xe1: {  	_ =	sdelay $0x3  }
0xe2: {  	v6 =	vld.idx.msk [tilespmem:v6+s28+$0x0], $0xffff  }
0xe3: {  	v5 =	vor.u32 v2, v5;
	v8 =	vld.idx.msk [tilespmem:v8+s28+$0x0], $0xffff  }
0xe4: {  	v12 =	vor.u32 v2, v12;
	v9 =	vld.idx.msk [tilespmem:v9+s28+$0x0], $0xffff  }
0xe5: {  	v11 =	vor.u32 v2, v11;
	v10 =	vld.idx.msk [tilespmem:v10+s28+$0x0], $0xffff  }
0xe6: {  	v14 =	vor.u32 v2, v14;
	v16 =	vld.idx.msk [tilespmem:v16+s28+$0x0], $0xffff;
	[tilespmem:s29+$0xA400] =	vst v4  }
0xe7: {  	v3 =	vld.idx.msk [tilespmem:v3+s28+$0x0], $0xffff;
	v4 =	vor.u32 v2, v13;
	[tilespmem:s24+$0xA400] =	vst v6  }
0xe8: {  	v6 =	vor.u32 v2, v17;
	v5 =	vld.idx.msk [tilespmem:v5+s28+$0x0], $0xffff;
	[tilespmem:s20+$0xA400] =	vst v8  }
0xe9: {  	v7 =	vor.u32 v7, v2;
	v8 =	vld.idx.msk [tilespmem:v12+s28+$0x0], $0xffff;
	[tilespmem:s21+$0xA400] =	vst v9  }
0xea: {  	v2 =	vor.u32 v15, v2;
	v9 =	vld.idx.msk [tilespmem:v11+s28+$0x0], $0xffff;
	[tilespmem:s19+$0xA400] =	vst v10  }
0xeb: {  	v10 =	vld.idx.msk [tilespmem:v14+s28+$0x0], $0xffff;
	[tilespmem:s18+$0xA400] =	vst v16  }
0xec: {  	[tilespmem:s16+$0xB480] =	vst v3;
	v4 =	vld.idx.msk [tilespmem:v4+s28+$0x0], $0xffff  }
0xed: {  	v3 =	vld.idx.msk [tilespmem:v6+s28+$0x0], $0xffff;
	[tilespmem:s16+$0xB500] =	vst v5  }
0xee: {  	v5 =	vld.idx.msk [tilespmem:v7+s28+$0x0], $0xffff;
	[tilespmem:s16+$0xB580] =	vst v8  }
0xef: {  	v2 =	vld.idx.msk [tilespmem:v2+s28+$0x0], $0xffff;
	[tilespmem:s16+$0xB600] =	vst v9  }
0xf0: {  	[tilespmem:s16+$0xB680] =	vst v10  }
0xf1: {  	[tilespmem:s16+$0xB700] =	vst v4  }
0xf2: {  	[tilespmem:s16+$0xB780] =	vst v3  }
0xf3: {  	[tilespmem:s17+$0xB400] =	vst v5  }
0xf4: {  	[tilespmem:s16+$0xB400] =	vst v2  }
0xf5: {  	s1 =	rddreg [dreg:$0x9]  }
0xf6: {  	s2 =	simm.s32 $0xBC00;
	s14 =	rddreg [dreg:$0xa]  }
0xf7: {  	p0 =	seq.s32 s11, $0x31;
	s15 =	rddreg [dreg:$0xb];
	s1 =	sadd.s32 s13, s1  }
0xf8: {  	[hbm4b:s1+s3] =	stream.linear.scatter [tilespmem:s9], [sflag:$0x6], $0x400, $0x38;
	[tilespmem:$0xC400] =	vst v63  }
0xf9: {  	s4 =	simm.s32 @!p0 $0x7400;
	s16 =	rddreg [dreg:$0xc];
	s1 =	sadd.s32 s13, s14  }
0xfa: {  	[hbm4b:s1+s3] =	stream.linear.scatter [tilespmem:s12], [sflag:$0x6], $0x400, $0x38;
	[tilespmem:$0xC400] =	vst v63  }
0xfb: {  	s17 =	simm.s32 $0xC000;
	s5 =	rddreg [dreg:$0x3];
	s1 =	sadd.s32 s13, s15  }
0xfc: {  	[hbm4b:s1+s3] =	stream.linear.scatter [tilespmem:s2], [sflag:$0x6], $0x400, $0x38;
	[tilespmem:$0xC400] =	vst v63  }
0xfd: {  	s15 =	simm.s32 $0x0;
	s1 =	sadd.s32 s13, s16;
	s2 =	simm.s32 @!p0 $0x80  }
0xfe: {  	[hbm4b:s1+s3] =	stream.linear.scatter [tilespmem:s17], [sflag:$0x6], $0x400, $0x38;
	[tilespmem:$0xC400] =	vst v63  }
0xff: {  	s16 =	simm.s32 $0x0;
	s1 =	rddreg [dreg:$0x17];
	s17 =	sand.u32 $0x10, s15  }
0x100: {  	s9 =	sand.u32 $0x70, s16;
	s14 =	sshrl.u32 @!p0 s1, $0x2;
	s18 =	sor.u32 $0x9, s17  }
0x101: {  	s19 =	sor.u32 $0xA, s17;
	s22 =	sor.u32 $0xB, s17;
	s1 =	sadd.s32 @!p0 $0x280, s14  }
0x102: {  	v10 =	vmov s9;
	v3 =	vmov s17;
	[tilespmem:s4], [sflag:$0x2] =	stream.indirect.gather @!p0 [hbm4b:s5+s2], $0x20, s1, s2, $0xb8;
	[tilespmem:$0xC400] =	vst v63  }
0x103: {  	s23 =	sor.u32 $0xC, s17;
	s24 =	sor.u32 $0xD, s17;
	v2 =	vmov s18;
	v4 =	vmov s19;
	v6 =	vmov s22;
	s4 =	simm.s32 $0x3  }
0x104: {  	v7 =	vmov s23;
	v8 =	vmov s24;
	v3 =	vshrl.u32 v3, $0x3;
	_ =	swait.ge [sflag:s4], $0x1000  }
0x105: {  	s2 =	sor.u32 $0xF, s17;
	s5 =	sor.u32 $0xE, s17;
	v11 =	vshrl.u32 v2, $0x3;
	v4 =	vshrl.u32 v4, $0x3;
	v3 =	vshll.u32 v3, v1;
	[sflag:s4] =	ssyncset.done $0x0  }
0x106: {  	s10 =	simm.s32 $0x5;
	v5 =	vmov s2;
	v9 =	vmov s5;
	v11 =	vshll.u32 v11, v1;
	[sflag:s4] =	ssyncadd.s32 $0xFFFFF000  }
0x107: {  	v4 =	vshll.u32 v4, v1;
	v12 =	vor.u32 $0x1, v3;
	v13 =	vor.u32 $0x2, v3;
	_ =	swait.ge [sflag:s10], $0x400  }
0x108: {  	v14 =	vor.u32 $0x3, v3;
	v15 =	vor.u32 $0x4, v3;
	v16 =	vor.u32 $0x5, v3;
	[sflag:s10] =	ssyncset.done $0x0  }
0x109: {  	v17 =	vor.u32 $0x6, v3;
	v18 =	vor.u32 $0x7, v3;
	v5 =	vshrl.u32 v5, $0x3;
	[sflag:s10] =	ssyncadd.s32 $0xFFFFFC00  }
0x10a: {  	v11 =	vor.u32 $0x1, v11;
	v4 =	vor.u32 $0x2, v4;
	v5 =	vshll.u32 v5, v1;
	_ =	swait.ge [sflag:s10], $0x400  }
0x10b: {  	v25 =	vbroadcast v12, $0x0;
	v12 =	vbroadcast v14, $0x0;
	v2 =	vor.u32 $0x7, v5;
	[sflag:s10] =	ssyncset.done $0x0  }
0x10c: {  	v14 =	vbroadcast v16, $0x0;
	v5 =	vshll.u32 v10, $0x5;
	v10 =	vbroadcast v2, $0x0;
	[sflag:s10] =	ssyncadd.s32 $0xFFFFFC00  }
0x10d: {  	v2 =	vor.u32 v0, v5;
	v5 =	vshrl.u32 v6, $0x3;
	v6 =	vshrl.u32 v7, $0x3;
	_ =	swait.ge [sflag:s10], $0x400  }
0x10e: {  	v7 =	vshrl.u32 v8, $0x3;
	v8 =	vshrl.u32 v9, $0x3;
	v9 =	vor.u32 v2, v10;
	[sflag:s10] =	ssyncset.done $0x0  }
0x10f: {  	v11 =	vbroadcast v11, $0x0;
	v4 =	vbroadcast v4, $0x0;
	v5 =	vshll.u32 v5, v1;
	[sflag:s10] =	ssyncadd.s32 $0xFFFFFC00  }
0x110: {  	v6 =	vshll.u32 v6, v1;
	v7 =	vshll.u32 v7, v1;
	v8 =	vshll.u32 v8, v1;
	_ =	swait.ge [sflag:s10], $0x400  }
0x111: {  	s12 =	sor.u32 $0x8, s17;
	v22 =	vor.u32 v2, v11;
	v11 =	vbroadcast v15, $0x0;
	v15 =	vbroadcast v3, $0x0;
	[sflag:s10] =	ssyncset.done $0x0  }
0x112: {  	v10 =	vmov s12;
	v5 =	vor.u32 $0x3, v5;
	v6 =	vor.u32 $0x4, v6;
	[sflag:s10] =	ssyncadd.s32 $0xFFFFFC00  }
0x113: {  	s20 =	sshll.u32 s18, $0x7;
	s6 =	sshll.u32 s19, $0x7;
	s7 =	sshll.u32 s22, $0x7;
	v7 =	vor.u32 $0x5, v7;
	v8 =	vor.u32 $0x6, v8;
	v19 =	vbroadcast v5, $0x0;
	v21 =	vld.idx.msk [tilespmem:v9+s30+$0x0], $0xffff  }
0x114: {  	s8 =	sshll.u32 s23, $0x7;
	s18 =	sshll.u32 s24, $0x7;
	s1 =	sshll.u32 s12, $0x7;
	v10 =	vshrl.u32 v10, $0x3;
	v20 =	vbroadcast v6, $0x0;
	v6 =	vor.u32 v2, v4  }
0x115: {  	s31 =	sor.u32 s9, s20;
	s29 =	sor.u32 s9, s6;
	s24 =	sor.u32 s9, s7;
	v23 =	vbroadcast v7, $0x0;
	v24 =	vbroadcast v8, $0x0;
	v8 =	vor.u32 v2, v19  }
0x116: {  	s19 =	sor.u32 s9, s8;
	s22 =	sshll.u32 s5, $0x7;
	s23 =	sshll.u32 s2, $0x7;
	v3 =	vor.u32 v2, v25;
	v10 =	vshll.u32 v10, v1;
	v9 =	vor.u32 v2, v20  }
0x117: {  	v5 =	vbroadcast v13, $0x0;
	v7 =	vbroadcast v10, $0x0;
	v10 =	vor.u32 v2, v23;
	s10 =	sshll.u32 s17, $0x7;
	s17 =	sor.u32 s9, s1;
	s1 =	sor.u32 s9, s23  }
0x118: {  	s20 =	sor.u32 s9, s18;
	s21 =	sor.u32 s9, s22;
	v13 =	vbroadcast v17, $0x0;
	v17 =	vbroadcast v18, $0x0;
	v16 =	vor.u32 v2, v24;
	s18 =	sor.u32 s9, s10;
	v4 =	vld.idx.msk [tilespmem:v22+s30+$0x0], $0xffff;
	[tilespmem:s1+$0xA400] =	vst v21  }
.LBB2_11:
0x119: {  	s15 =	sadd.s32 $0x10, s15;
	v5 =	vor.u32 v2, v5;
	v12 =	vor.u32 v2, v12;
	v11 =	vor.u32 v2, v11;
	v6 =	vld.idx.msk [tilespmem:v6+s30+$0x0], $0xffff  }
0x11a: {  	v14 =	vor.u32 v2, v14;
	v13 =	vor.u32 v2, v13;
	v17 =	vor.u32 v2, v17;
	s1 =	sand.u32 $0x10, s15;
	p1 =	slt.u32 s15, $0xF0;
	v8 =	vld.idx.msk [tilespmem:v8+s30+$0x0], $0xffff  }
0x11b: {  	v7 =	vor.u32 v7, v2;
	v15 =	vor.u32 v15, v2;
	v18 =	vmov s1;
	s4 =	sor.u32 $0x9, s1;
	s6 =	sor.u32 $0xA, s1;
	s5 =	sor.u32 $0xF, s1;
	v9 =	vld.idx.msk [tilespmem:v9+s30+$0x0], $0xffff  }
0x11c: {  	s7 =	sor.u32 $0xB, s1;
	s8 =	sor.u32 $0xC, s1;
	s10 =	sor.u32 $0xD, s1;
	v2 =	vmov s4;
	v19 =	vmov s6;
	v20 =	vmov s5;
	v10 =	vld.idx.msk [tilespmem:v10+s30+$0x0], $0xffff  }
0x11d: {  	s16 =	sadd.s32 $0x8, s16;
	s22 =	sor.u32 $0x8, s1;
	s23 =	sor.u32 $0xE, s1;
	v21 =	vmov s7;
	v22 =	vmov s8;
	v20 =	vshrl.u32 v20, $0x3;
	v16 =	vld.idx.msk [tilespmem:v16+s30+$0x0], $0xffff  }
0x11e: {  	s2 =	sand.u32 $0x70, s16;
	s12 =	sshll.u32 s22, $0x7;
	s4 =	sshll.u32 s4, $0x7;
	v23 =	vmov s10;
	v24 =	vmov s23;
	v20 =	vshll.u32 v20, v1;
	v3 =	vld.idx.msk [tilespmem:v3+s30+$0x0], $0xffff;
	[tilespmem:s31+$0xA400] =	vst v4  }
0x11f: {  	s6 =	sshll.u32 s6, $0x7;
	s7 =	sshll.u32 s7, $0x7;
	s8 =	sshll.u32 s8, $0x7;
	v25 =	vshrl.u32 v2, $0x3;
	v4 =	vmov s2;
	v2 =	vor.u32 $0x7, v20;
	v5 =	vld.idx.msk [tilespmem:v5+s30+$0x0], $0xffff;
	[tilespmem:s29+$0xA400] =	vst v6  }
0x120: {  	s1 =	sshll.u32 s1, $0x7;
	s10 =	sshll.u32 s10, $0x7;
	s9 =	sshll.u32 s23, $0x7;
	v4 =	vshll.u32 v4, $0x5;
	v6 =	vshrl.u32 v19, $0x3;
	v19 =	vbroadcast v2, $0x0;
	v12 =	vld.idx.msk [tilespmem:v12+s30+$0x0], $0xffff;
	[tilespmem:s24+$0xA400] =	vst v8  }
0x121: {  	s23 =	sor.u32 s2, s12;
	s31 =	sor.u32 s2, s4;
	s29 =	sor.u32 s2, s6;
	v2 =	vor.u32 v0, v4;
	v4 =	vshrl.u32 v21, $0x3;
	v8 =	vshrl.u32 v22, $0x3;
	v11 =	vld.idx.msk [tilespmem:v11+s30+$0x0], $0xffff;
	[tilespmem:s19+$0xA400] =	vst v9  }
0x122: {  	v20 =	vshrl.u32 v24, $0x3;
	s24 =	sor.u32 s2, s7;
	s19 =	sor.u32 s2, s8;
	v9 =	vshrl.u32 v23, $0x3;
	v19 =	vor.u32 v2, v19;
	v14 =	vld.idx.msk [tilespmem:v14+s30+$0x0], $0xffff;
	[tilespmem:s20+$0xA400] =	vst v10;
	s20 =	sor.u32 s2, s10  }
0x123: {  	s6 =	sor.u32 s2, s1;
	v21 =	vshll.u32 v25, v1;
	v10 =	vshrl.u32 v18, $0x3;
	v18 =	vmov s22;
	v13 =	vld.idx.msk [tilespmem:v13+s30+$0x0], $0xffff;
	[tilespmem:s21+$0xA400] =	vst v16;
	s21 =	sor.u32 s2, s9  }
0x124: {  	v6 =	vshll.u32 v6, v1;
	v4 =	vshll.u32 v4, v1;
	v8 =	vshll.u32 v8, v1;
	v16 =	vld.idx.msk [tilespmem:v17+s30+$0x0], $0xffff  }
0x125: {  	v9 =	vshll.u32 v9, v1;
	v22 =	vshll.u32 v10, v1;
	v10 =	vshll.u32 v20, v1;
	v7 =	vld.idx.msk [tilespmem:v7+s30+$0x0], $0xffff  }
0x126: {  	v6 =	vor.u32 $0x2, v6;
	v17 =	vshrl.u32 v18, $0x3;
	v18 =	vor.u32 $0x1, v21;
	v15 =	vld.idx.msk [tilespmem:v15+s30+$0x0], $0xffff;
	[tilespmem:s18+$0xA480] =	vst v3  }
0x127: {  	v3 =	vor.u32 $0x3, v4;
	v4 =	vor.u32 $0x4, v8;
	v8 =	vor.u32 $0x5, v9;
	v9 =	vld.idx.msk [tilespmem:v19+s30+$0x0], $0xffff;
	[tilespmem:s18+$0xA500] =	vst v5  }
0x128: {  	v10 =	vor.u32 $0x6, v10;
	v5 =	vor.u32 $0x1, v22;
	v19 =	vor.u32 $0x2, v22;
	[tilespmem:s18+$0xA580] =	vst v12  }
0x129: {  	v20 =	vor.u32 $0x4, v22;
	v21 =	vor.u32 $0x5, v22;
	v12 =	vor.u32 $0x3, v22;
	[tilespmem:s18+$0xA600] =	vst v11  }
0x12a: {  	v23 =	vor.u32 $0x6, v22;
	v24 =	vor.u32 $0x7, v22;
	v25 =	vshll.u32 v17, v1;
	[tilespmem:s18+$0xA680] =	vst v14  }
0x12b: {  	s1 =	sshll.u32 s5, $0x7;
	v6 =	vbroadcast v6, $0x0;
	v11 =	vbroadcast v18, $0x0;
	[tilespmem:s18+$0xA700] =	vst v13  }
0x12c: {  	s1 =	sor.u32 s2, s1;
	v3 =	vbroadcast v3, $0x0;
	v4 =	vbroadcast v4, $0x0;
	[tilespmem:s18+$0xA780] =	vst v16  }
0x12d: {  	v26 =	vbroadcast v10, $0x0;
	v18 =	vbroadcast v8, $0x0;
	v16 =	vor.u32 v2, v11;
	[tilespmem:s1+$0xA400] =	vst v9  }
.Ltmp7:
0x12e: {  	v6 =	vor.u32 v2, v6;
	v27 =	vbroadcast v5, $0x0;
	v5 =	vbroadcast v19, $0x0;
	[tilespmem:s17+$0xA400] =	vst v7;
	s17 =	smov.u32 s23;
	(pc) =	sbr.rel @p1 .LBB2_11-.Ltmp7, $4  }
0x12f: {  	v12 =	vbroadcast v12, $0x0;
	v8 =	vor.u32 v2, v3;
	v11 =	vbroadcast v20, $0x0;
	[tilespmem:s18+$0xA400] =	vst v15;
	s18 =	smov.u32 s6  }
0x130: {  	v14 =	vbroadcast v21, $0x0;
	v13 =	vbroadcast v23, $0x0;
	v9 =	vor.u32 v2, v4  }
0x131: {  	v17 =	vbroadcast v24, $0x0;
	v10 =	vor.u32 v2, v18;
	v7 =	vbroadcast v25, $0x0  }
0x132: {  	v3 =	vor.u32 v2, v27;
	v15 =	vbroadcast v22, $0x0;
	v4 =	vld.idx.msk [tilespmem:v16+s30+$0x0], $0xffff;
	v16 =	vor.u32 v2, v26  }
0x133: {  	_ =	sdelay $0x3  }
0x134: {  	v6 =	vld.idx.msk [tilespmem:v6+s30+$0x0], $0xffff  }
0x135: {  	v5 =	vor.u32 v2, v5;
	v8 =	vld.idx.msk [tilespmem:v8+s30+$0x0], $0xffff  }
0x136: {  	v12 =	vor.u32 v2, v12;
	v9 =	vld.idx.msk [tilespmem:v9+s30+$0x0], $0xffff  }
0x137: {  	v11 =	vor.u32 v2, v11;
	v10 =	vld.idx.msk [tilespmem:v10+s30+$0x0], $0xffff  }
0x138: {  	v14 =	vor.u32 v2, v14;
	v16 =	vld.idx.msk [tilespmem:v16+s30+$0x0], $0xffff;
	[tilespmem:s31+$0xA400] =	vst v4  }
0x139: {  	v3 =	vld.idx.msk [tilespmem:v3+s30+$0x0], $0xffff;
	v4 =	vor.u32 v2, v13;
	[tilespmem:s29+$0xA400] =	vst v6  }
0x13a: {  	v6 =	vor.u32 v2, v17;
	v5 =	vld.idx.msk [tilespmem:v5+s30+$0x0], $0xffff;
	[tilespmem:s24+$0xA400] =	vst v8  }
0x13b: {  	v7 =	vor.u32 v7, v2;
	v8 =	vld.idx.msk [tilespmem:v12+s30+$0x0], $0xffff;
	[tilespmem:s19+$0xA400] =	vst v9  }
0x13c: {  	v2 =	vor.u32 v15, v2;
	v9 =	vld.idx.msk [tilespmem:v11+s30+$0x0], $0xffff;
	[tilespmem:s20+$0xA400] =	vst v10  }
0x13d: {  	v10 =	vld.idx.msk [tilespmem:v14+s30+$0x0], $0xffff;
	[tilespmem:s21+$0xA400] =	vst v16  }
0x13e: {  	[tilespmem:s18+$0xA480] =	vst v3;
	v4 =	vld.idx.msk [tilespmem:v4+s30+$0x0], $0xffff  }
0x13f: {  	v3 =	vld.idx.msk [tilespmem:v6+s30+$0x0], $0xffff;
	[tilespmem:s18+$0xA500] =	vst v5  }
0x140: {  	v5 =	vld.idx.msk [tilespmem:v7+s30+$0x0], $0xffff;
	[tilespmem:s18+$0xA580] =	vst v8  }
0x141: {  	v2 =	vld.idx.msk [tilespmem:v2+s30+$0x0], $0xffff;
	[tilespmem:s18+$0xA600] =	vst v9  }
0x142: {  	[tilespmem:s18+$0xA680] =	vst v10  }
0x143: {  	[tilespmem:s18+$0xA700] =	vst v4  }
0x144: {  	[tilespmem:s18+$0xA780] =	vst v3  }
0x145: {  	[tilespmem:s17+$0xA400] =	vst v5  }
0x146: {  	[tilespmem:s18+$0xA400] =	vst v2  }
0x147: {  	s2 =	simm.s32 $0xA400;
	s5 =	simm.s32 $0xA800;
	s1 =	rddreg [dreg:$0xd]  }
0x148: {  	s7 =	simm.s32 $0xAC00;
	s4 =	rddreg [dreg:$0xe];
	s1 =	sadd.s32 s13, s1  }
0x149: {  	[hbm4b:s1+s3] =	stream.linear.scatter [tilespmem:s2], [sflag:$0x5], $0x400, $0x38;
	[tilespmem:$0xC400] =	vst v63  }
0x14a: {  	s9 =	simm.s32 $0xB000;
	s6 =	rddreg [dreg:$0xf];
	s1 =	sadd.s32 s13, s4  }
0x14b: {  	[hbm4b:s1+s3] =	stream.linear.scatter [tilespmem:s5], [sflag:$0x5], $0x400, $0x38;
	[tilespmem:$0xC400] =	vst v63  }
0x14c: {  	s15 =	simm.s32 $0x0;
	s8 =	rddreg [dreg:$0x10];
	s1 =	sadd.s32 s13, s6  }
0x14d: {  	[hbm4b:s1+s3] =	stream.linear.scatter [tilespmem:s7], [sflag:$0x5], $0x400, $0x38;
	[tilespmem:$0xC400] =	vst v63  }
0x14e: {  	s10 =	simm.s32 $0x4;
	s24 =	sand.u32 $0x70, s15;
	s1 =	sadd.s32 s13, s8  }
0x14f: {  	[hbm4b:s1+s3] =	stream.linear.scatter [tilespmem:s9], [sflag:$0x5], $0x400, $0x38;
	[tilespmem:$0xC400] =	vst v63  }
0x150: {  	s2 =	simm.s32 @!p0 $0x80;
	s1 =	sadd.s32 @!p0 $0x300, s14;
	s14 =	simm.s32 $0x0  }
0x151: {  	s4 =	simm.s32 @!p0 $0x8400;
	s5 =	rddreg [dreg:$0x3];
	s12 =	sand.u32 $0x10, s14  }
0x152: {  	[tilespmem:s4], [sflag:$0x3] =	stream.indirect.gather @!p0 [hbm4b:s5+s2], $0x20, s1, s2, $0xb8;
	[tilespmem:$0xC400] =	vst v63  }
0x153: {  	v10 =	vmov s24;
	s17 =	sor.u32 $0x9, s12;
	v3 =	vmov s12;
	s6 =	sor.u32 $0xA, s12;
	s18 =	sor.u32 $0xF, s12  }
0x154: {  	s21 =	sor.u32 $0xB, s12;
	s22 =	sor.u32 $0xC, s12;
	s23 =	sor.u32 $0xD, s12;
	v2 =	vmov s17;
	v4 =	vmov s6;
	v5 =	vmov s18  }
0x155: {  	s16 =	sor.u32 $0xE, s12;
	_ =	swait.ge [sflag:s10], $0x1000;
	v6 =	vmov s21;
	v7 =	vmov s22;
	v8 =	vmov s23  }
0x156: {  	v9 =	vmov s16;
	v3 =	vshrl.u32 v3, $0x3;
	[sflag:s10] =	ssyncset.done $0x0;
	v5 =	vshrl.u32 v5, $0x3  }
0x157: {  	v11 =	vshrl.u32 v2, $0x3;
	v4 =	vshrl.u32 v4, $0x3;
	v3 =	vshll.u32 v3, v1;
	[sflag:s10] =	ssyncadd.s32 $0xFFFFF000  }
0x158: {  	v5 =	vshll.u32 v5, v1;
	v11 =	vshll.u32 v11, v1;
	v4 =	vshll.u32 v4, v1;
	_ =	swait.ge [sflag:s25], $0x400  }
0x159: {  	v12 =	vor.u32 $0x1, v3;
	v13 =	vor.u32 $0x2, v3;
	v14 =	vor.u32 $0x3, v3;
	[sflag:s25] =	ssyncset.done $0x0  }
0x15a: {  	v15 =	vor.u32 $0x4, v3;
	v16 =	vor.u32 $0x5, v3;
	v17 =	vor.u32 $0x6, v3;
	[sflag:s25] =	ssyncadd.s32 $0xFFFFFC00  }
0x15b: {  	v18 =	vor.u32 $0x7, v3;
	v2 =	vor.u32 $0x7, v5;
	v5 =	vshll.u32 v10, $0x5;
	_ =	swait.ge [sflag:s25], $0x400  }
0x15c: {  	v11 =	vor.u32 $0x1, v11;
	v25 =	vbroadcast v12, $0x0;
	v12 =	vbroadcast v14, $0x0;
	[sflag:s25] =	ssyncset.done $0x0  }
0x15d: {  	v4 =	vor.u32 $0x2, v4;
	v14 =	vbroadcast v16, $0x0;
	v10 =	vbroadcast v2, $0x0;
	[sflag:s25] =	ssyncadd.s32 $0xFFFFFC00  }
0x15e: {  	v2 =	vor.u32 v0, v5;
	v5 =	vshrl.u32 v6, $0x3;
	v6 =	vshrl.u32 v7, $0x3;
	_ =	swait.ge [sflag:s25], $0x400  }
0x15f: {  	v7 =	vshrl.u32 v8, $0x3;
	v8 =	vshrl.u32 v9, $0x3;
	v9 =	vor.u32 v2, v10;
	[sflag:s25] =	ssyncset.done $0x0  }
0x160: {  	s31 =	sor.u32 $0x8, s12;
	s5 =	sshll.u32 s12, $0x7;
	v11 =	vbroadcast v11, $0x0;
	v4 =	vbroadcast v4, $0x0;
	v5 =	vshll.u32 v5, v1;
	[sflag:s25] =	ssyncadd.s32 $0xFFFFFC00  }
0x161: {  	s7 =	sshll.u32 s17, $0x7;
	s6 =	sshll.u32 s6, $0x7;
	v6 =	vshll.u32 v6, v1;
	v7 =	vshll.u32 v7, v1;
	v8 =	vshll.u32 v8, v1;
	_ =	swait.ge [sflag:s25], $0x400  }
0x162: {  	s8 =	sshll.u32 s21, $0x7;
	s1 =	sshll.u32 s22, $0x7;
	v10 =	vmov s31;
	v5 =	vor.u32 $0x3, v5;
	v6 =	vor.u32 $0x4, v6;
	[sflag:s25] =	ssyncset.done $0x0  }
0x163: {  	s9 =	sshll.u32 s23, $0x7;
	s4 =	sshll.u32 s31, $0x7;
	v7 =	vor.u32 $0x5, v7;
	v22 =	vor.u32 v2, v11;
	v11 =	vbroadcast v15, $0x0;
	[sflag:s25] =	ssyncadd.s32 $0xFFFFFC00  }
0x164: {  	s2 =	sshll.u32 s18, $0x7;
	s7 =	sor.u32 s24, s7;
	s6 =	sor.u32 s24, s6;
	v8 =	vor.u32 $0x6, v8;
	v15 =	vbroadcast v3, $0x0;
	v19 =	vbroadcast v5, $0x0;
	v21 =	vld.idx.msk [tilespmem:v9+s0+$0x0], $0xffff  }
0x165: {  	s8 =	sor.u32 s24, s8;
	s1 =	sor.u32 s24, s1;
	s9 =	sor.u32 s24, s9;
	v10 =	vshrl.u32 v10, $0x3;
	v20 =	vbroadcast v6, $0x0;
	v6 =	vor.u32 v2, v4  }
0x166: {  	s17 =	sor.u32 s24, s4;
	s2 =	sor.u32 s24, s2;
	s10 =	sshll.u32 s16, $0x7;
	v23 =	vbroadcast v7, $0x0;
	v24 =	vbroadcast v8, $0x0;
	v8 =	vor.u32 v2, v19  }
0x167: {  	s16 =	sor.u32 s24, s5;
	s29 =	sor.u32 $0x1080, s7;
	s20 =	sor.u32 $0x1180, s8;
	v3 =	vor.u32 v2, v25;
	v10 =	vshll.u32 v10, v1;
	v9 =	vor.u32 v2, v20  }
0x168: {  	s2 =	sor.u32 $0x1380, s2;
	s21 =	sor.u32 $0x1200, s1;
	s10 =	sor.u32 s24, s10;
	v5 =	vbroadcast v13, $0x0;
	v7 =	vbroadcast v10, $0x0;
	v10 =	vor.u32 v2, v23  }
0x169: {  	s19 =	sor.u32 $0x1280, s9;
	s24 =	sor.u32 $0x1100, s6;
	s18 =	sor.u32 $0x1300, s10;
	v13 =	vbroadcast v17, $0x0;
	v17 =	vbroadcast v18, $0x0;
	v16 =	vor.u32 v2, v24;
	v4 =	vld.idx.msk [tilespmem:v22+s0+$0x0], $0xffff;
	[tilespmem:s2+$0xA400] =	vst v21  }
.LBB2_13:
0x16a: {  	s14 =	sadd.s32 $0x10, s14;
	v5 =	vor.u32 v2, v5;
	v12 =	vor.u32 v2, v12;
	v11 =	vor.u32 v2, v11;
	v6 =	vld.idx.msk [tilespmem:v6+s0+$0x0], $0xffff  }
0x16b: {  	v14 =	vor.u32 v2, v14;
	v13 =	vor.u32 v2, v13;
	v17 =	vor.u32 v2, v17;
	s2 =	sand.u32 $0x10, s14;
	p1 =	slt.u32 s14, $0xF0;
	v8 =	vld.idx.msk [tilespmem:v8+s0+$0x0], $0xffff  }
0x16c: {  	v7 =	vor.u32 v7, v2;
	v15 =	vor.u32 v15, v2;
	v18 =	vmov s2;
	s1 =	sor.u32 $0x9, s2;
	s4 =	sor.u32 $0xA, s2;
	s31 =	sor.u32 $0xF, s2;
	v9 =	vld.idx.msk [tilespmem:v9+s0+$0x0], $0xffff  }
0x16d: {  	s6 =	sor.u32 $0xB, s2;
	s7 =	sor.u32 $0xC, s2;
	s8 =	sor.u32 $0xD, s2;
	v2 =	vmov s1;
	v19 =	vmov s4;
	v20 =	vmov s31;
	v10 =	vld.idx.msk [tilespmem:v10+s0+$0x0], $0xffff  }
0x16e: {  	s15 =	sadd.s32 $0x8, s15;
	s9 =	sor.u32 $0x8, s2;
	s10 =	sor.u32 $0xE, s2;
	v21 =	vmov s6;
	v22 =	vmov s7;
	v20 =	vshrl.u32 v20, $0x3;
	v16 =	vld.idx.msk [tilespmem:v16+s0+$0x0], $0xffff  }
0x16f: {  	s5 =	sand.u32 $0x70, s15;
	s1 =	sshll.u32 s1, $0x7;
	s4 =	sshll.u32 s4, $0x7;
	v23 =	vmov s8;
	v24 =	vmov s10;
	v20 =	vshll.u32 v20, v1;
	v3 =	vld.idx.msk [tilespmem:v3+s0+$0x0], $0xffff;
	[tilespmem:s29+$0xA400] =	vst v4  }
0x170: {  	s6 =	sshll.u32 s6, $0x7;
	s7 =	sshll.u32 s7, $0x7;
	s8 =	sshll.u32 s8, $0x7;
	v25 =	vshrl.u32 v2, $0x3;
	v4 =	vmov s5;
	v2 =	vor.u32 $0x7, v20;
	v5 =	vld.idx.msk [tilespmem:v5+s0+$0x0], $0xffff;
	[tilespmem:s24+$0xA400] =	vst v6  }
0x171: {  	s10 =	sshll.u32 s10, $0x7;
	s1 =	sor.u32 s5, s1;
	s4 =	sor.u32 s5, s4;
	v4 =	vshll.u32 v4, $0x5;
	v6 =	vshrl.u32 v19, $0x3;
	v19 =	vbroadcast v2, $0x0;
	v12 =	vld.idx.msk [tilespmem:v12+s0+$0x0], $0xffff;
	[tilespmem:s20+$0xA400] =	vst v8  }
0x172: {  	s6 =	sor.u32 s5, s6;
	s7 =	sor.u32 s5, s7;
	s8 =	sor.u32 s5, s8;
	v2 =	vor.u32 v0, v4;
	v4 =	vshrl.u32 v21, $0x3;
	v8 =	vshrl.u32 v22, $0x3;
	v11 =	vld.idx.msk [tilespmem:v11+s0+$0x0], $0xffff;
	[tilespmem:s21+$0xA400] =	vst v9  }
0x173: {  	s2 =	sshll.u32 s2, $0x7;
	s12 =	sshll.u32 s9, $0x7;
	s10 =	sor.u32 s5, s10;
	v20 =	vshrl.u32 v24, $0x3;
	v9 =	vshrl.u32 v23, $0x3;
	v19 =	vor.u32 v2, v19;
	v14 =	vld.idx.msk [tilespmem:v14+s0+$0x0], $0xffff;
	[tilespmem:s19+$0xA400] =	vst v10  }
0x174: {  	s29 =	sor.u32 $0x1080, s1;
	s24 =	sor.u32 $0x1100, s4;
	v21 =	vshll.u32 v25, v1;
	s20 =	sor.u32 $0x1180, s6;
	v10 =	vshrl.u32 v18, $0x3;
	v18 =	vmov s9;
	v13 =	vld.idx.msk [tilespmem:v13+s0+$0x0], $0xffff;
	[tilespmem:s18+$0xA400] =	vst v16  }
0x175: {  	v6 =	vshll.u32 v6, v1;
	v4 =	vshll.u32 v4, v1;
	v8 =	vshll.u32 v8, v1;
	s21 =	sor.u32 $0x1200, s7;
	s19 =	sor.u32 $0x1280, s8;
	s18 =	sor.u32 $0x1300, s10;
	v16 =	vld.idx.msk [tilespmem:v17+s0+$0x0], $0xffff  }
0x176: {  	s1 =	sor.u32 s5, s2;
	s2 =	sor.u32 s5, s12;
	v9 =	vshll.u32 v9, v1;
	v22 =	vshll.u32 v10, v1;
	v10 =	vshll.u32 v20, v1;
	v7 =	vld.idx.msk [tilespmem:v7+s0+$0x0], $0xffff  }
0x177: {  	v6 =	vor.u32 $0x2, v6;
	v17 =	vshrl.u32 v18, $0x3;
	v18 =	vor.u32 $0x1, v21;
	v15 =	vld.idx.msk [tilespmem:v15+s0+$0x0], $0xffff;
	[tilespmem:s16+$0xB480] =	vst v3  }
0x178: {  	v3 =	vor.u32 $0x3, v4;
	v4 =	vor.u32 $0x4, v8;
	v8 =	vor.u32 $0x5, v9;
	v9 =	vld.idx.msk [tilespmem:v19+s0+$0x0], $0xffff;
	[tilespmem:s16+$0xB500] =	vst v5  }
0x179: {  	v10 =	vor.u32 $0x6, v10;
	v5 =	vor.u32 $0x1, v22;
	v19 =	vor.u32 $0x2, v22;
	[tilespmem:s16+$0xB580] =	vst v12  }
0x17a: {  	v20 =	vor.u32 $0x4, v22;
	v21 =	vor.u32 $0x5, v22;
	v12 =	vor.u32 $0x3, v22;
	[tilespmem:s16+$0xB600] =	vst v11  }
0x17b: {  	s4 =	sshll.u32 s31, $0x7;
	v23 =	vor.u32 $0x6, v22;
	v24 =	vor.u32 $0x7, v22;
	v25 =	vshll.u32 v17, v1;
	[tilespmem:s16+$0xB680] =	vst v14  }
0x17c: {  	s4 =	sor.u32 s5, s4;
	v6 =	vbroadcast v6, $0x0;
	v11 =	vbroadcast v18, $0x0;
	[tilespmem:s16+$0xB700] =	vst v13  }
0x17d: {  	s4 =	sor.u32 $0x1380, s4;
	v3 =	vbroadcast v3, $0x0;
	v4 =	vbroadcast v4, $0x0;
	[tilespmem:s16+$0xB780] =	vst v16  }
0x17e: {  	v26 =	vbroadcast v10, $0x0;
	v18 =	vbroadcast v8, $0x0;
	v16 =	vor.u32 v2, v11;
	[tilespmem:s4+$0xA400] =	vst v9  }
.Ltmp8:
0x17f: {  	v6 =	vor.u32 v2, v6;
	v27 =	vbroadcast v5, $0x0;
	v5 =	vbroadcast v19, $0x0;
	[tilespmem:s17+$0xB400] =	vst v7;
	s17 =	smov.u32 s2;
	(pc) =	sbr.rel @p1 .LBB2_13-.Ltmp8, $4  }
0x180: {  	v12 =	vbroadcast v12, $0x0;
	v8 =	vor.u32 v2, v3;
	v11 =	vbroadcast v20, $0x0;
	[tilespmem:s16+$0xB400] =	vst v15;
	s16 =	smov.u32 s1  }
0x181: {  	v14 =	vbroadcast v21, $0x0;
	v13 =	vbroadcast v23, $0x0;
	v9 =	vor.u32 v2, v4  }
0x182: {  	v17 =	vbroadcast v24, $0x0;
	v10 =	vor.u32 v2, v18;
	v7 =	vbroadcast v25, $0x0  }
0x183: {  	v3 =	vor.u32 v2, v27;
	v15 =	vbroadcast v22, $0x0;
	v4 =	vld.idx.msk [tilespmem:v16+s0+$0x0], $0xffff;
	v16 =	vor.u32 v2, v26  }
0x184: {  	_ =	sdelay $0x3  }
0x185: {  	v6 =	vld.idx.msk [tilespmem:v6+s0+$0x0], $0xffff  }
0x186: {  	v5 =	vor.u32 v2, v5;
	v8 =	vld.idx.msk [tilespmem:v8+s0+$0x0], $0xffff  }
0x187: {  	v12 =	vor.u32 v2, v12;
	v9 =	vld.idx.msk [tilespmem:v9+s0+$0x0], $0xffff  }
0x188: {  	v11 =	vor.u32 v2, v11;
	v10 =	vld.idx.msk [tilespmem:v10+s0+$0x0], $0xffff  }
0x189: {  	v14 =	vor.u32 v2, v14;
	v16 =	vld.idx.msk [tilespmem:v16+s0+$0x0], $0xffff;
	[tilespmem:s29+$0xA400] =	vst v4  }
0x18a: {  	v58 =	vor.u32 v2, v13;
	v3 =	vld.idx.msk [tilespmem:v3+s0+$0x0], $0xffff;
	[tilespmem:s24+$0xA400] =	vst v6  }
0x18b: {  	v59 =	vor.u32 v2, v17;
	v5 =	vld.idx.msk [tilespmem:v5+s0+$0x0], $0xffff;
	[tilespmem:s20+$0xA400] =	vst v8  }
0x18c: {  	v7 =	vor.u32 v7, v2;
	v60 =	vld.idx.msk [tilespmem:v12+s0+$0x0], $0xffff;
	[tilespmem:s21+$0xA400] =	vst v9  }
0x18d: {  	v2 =	vor.u32 v15, v2;
	v61 =	vld.idx.msk [tilespmem:v11+s0+$0x0], $0xffff;
	[tilespmem:s19+$0xA400] =	vst v10  }
0x18e: {  	v62 =	vld.idx.msk [tilespmem:v14+s0+$0x0], $0xffff;
	[tilespmem:s18+$0xA400] =	vst v16  }
0x18f: {  	v4 =	vld.idx.msk [tilespmem:v58+s0+$0x0], $0xffff;
	[tilespmem:s16+$0xB480] =	vst v3  }
0x190: {  	v3 =	vld.idx.msk [tilespmem:v59+s0+$0x0], $0xffff;
	[tilespmem:s16+$0xB500] =	vst v5  }
0x191: {  	v63 =	vld.idx.msk [tilespmem:v7+s0+$0x0], $0xffff;
	[tilespmem:s16+$0xB580] =	vst v60  }
0x192: {  	v2 =	vld.idx.msk [tilespmem:v2+s0+$0x0], $0xffff;
	[tilespmem:s16+$0xB600] =	vst v61  }
0x193: {  	[tilespmem:s16+$0xB680] =	vst v62  }
0x194: {  	[tilespmem:s16+$0xB700] =	vst v4  }
0x195: {  	[tilespmem:s16+$0xB780] =	vst v3  }
0x196: {  	[tilespmem:s17+$0xB400] =	vst v63  }
0x197: {  	[tilespmem:s16+$0xB400] =	vst v2  }
0x198: {  	s1 =	rddreg [dreg:$0x11]  }
0x199: {  	s9 =	simm.s32 $0xB400;
	s23 =	rddreg [dreg:$0x12];
	s1 =	sadd.s32 s13, s1  }
0x19a: {  	[hbm4b:s1+s3] =	stream.linear.scatter [tilespmem:s9], [sflag:$0x6], $0x400, $0x38;
	[tilespmem:$0xC400] =	vst v63  }
0x19b: {  	s12 =	simm.s32 $0xB800;
	s1 =	sadd.s32 s13, s23  }
0x19c: {  	[hbm4b:s1+s3] =	stream.linear.scatter [tilespmem:s12], [sflag:$0x6], $0x400, $0x38;
	[tilespmem:$0xC400] =	vst v63  }
.Ltmp9:
0x19d: {  	s24 =	rddreg [dreg:$0x13];
	(pc) =	sbr.rel @p0 .LBB2_16-.Ltmp9, $4  }
0x19e: {  	s2 =	simm.s32 $0xBC00;
	s29 =	rddreg [dreg:$0x14];
	s1 =	sadd.s32 s13, s24  }
0x19f: {  	[hbm4b:s1+s3] =	stream.linear.scatter [tilespmem:s2], [sflag:$0x6], $0x400, $0x38;
	[tilespmem:$0xC400] =	vst v63  }
0x1a0: {  	s31 =	simm.s32 $0xC000;
	s1 =	sadd.s32 s13, s29  }
0x1a1: {  	[hbm4b:s1+s3] =	stream.linear.scatter [tilespmem:s31], [sflag:$0x6], $0x400, $0x38;
	[tilespmem:$0xC400] =	vst v63  }
.Ltmp10:
0x1a2: {  	(pc) =	sbr.rel .LBB2_2-.Ltmp10, $4  }
0x1a3: {  	s1 =	rddreg [dreg:$0x17]  }
0x1a4: {  	s2 =	rddreg [dreg:$0x3];
	s1 =	sshrl.u32 s1, $0x2  }
0x1a5: {  	s4 =	simm.s32 $0x80;
	s11 =	sadd.s32 $0x1, s11;
	s1 =	sadd.s32 $0x380, s1  }
0x1a6: {  	[tilespmem:s0], [sflag:$0x4] =	stream.indirect.gather [hbm4b:s2+s4], $0x20, s1, s4, $0xb8;
	[tilespmem:$0xC400] =	vst v63  }
.LBB2_17:
0x1a7: {  	_ =	sfence.sel $0x180000  }
0x1a8: {  	[bflag:$0x0] =	sbarrier.arrive $0xFFFF  }
0x1a9: {  	_ =	strace $0x90000047  }
0x1aa: {  	s0 =	stileid.u32;
	[bflag:$0x2] =	sbarrier.arrive $0xFFFF  }
0x1ab: {  	p0 =	sne.s32 s0, $0x0;
	s0 =	rddreg [dreg:$0x2]  }
0x1ac: {  	s0 =	sadd.s32 @!p0 $0x100000, s0  }
0x1ad: {  	[sflag:s0] =	ssyncadd.tile.s32 @!p0 $0x1;
	_ =	shalt  }
.Lfunc_end2:
_tile_overlayer_lowered:
.L_overlay_start_2:
0x1ae: {  	(tag) =	ssettag $0x2  }
0x1af: {  	s0 =	rddreg [dreg:$0x0];
	s2 =	stileid.u32  }
0x1b0: {  	s1 =	rddreg [dreg:$0x1];
	p0 =	sne.s32 s2, $0x0  }
0x1b1: {  	s3 =	rddreg [dreg:$0x2];
	[bflag:$0x3] =	sbarrier.arrive $0xFFFF;
	s2 =	simm.s32 @!p0 $0x1C07  }
0x1b2: {  	[timem:s3], [sflag:s2] =	dma.local @!p0 [hbm:s0], s1  }
0x1b3: {  	s0 =	simm.s32 @!p0 $0x7  }
0x1b4: {  	_ =	swait.ge @!p0 [sflag:s0], s1  }
0x1b5: {  	s1 =	ssub.s32 @!p0 $0x0, s1;
	[sflag:s0] =	ssyncset.done @!p0 $0x0  }
0x1b6: {  	[sflag:s0] =	ssyncadd.s32 @!p0 s1  }
0x1b7: {  	[bflag:$0x3] =	sbarrier.arrive $0xFFFF  }
0x1b8: {  	_ =	shalt  }

</sc_bundles>
